<compile_context>
chip_gen: v7x
topology: tpu7x:2x2x1
jax: 0.10.2.dev20260603
libtpu: 0.0.44.dev20260713+nightly
codegen_flags: <defaults>
</compile_context>

<pallas_src>
import jax
import jax.numpy as jnp
from jax import lax
from jax.experimental import pallas as pl
from jax.experimental.pallas import tpu as pltpu
from jax.experimental.pallas import tpu_sc as plsc

N = 10000
E = 320000
D = 128
NC, NS = 2, 16
NW = NC * NS
BATCH = 128
SPP = 160
S0 = 120
S1 = SPP - S0
CH = 64
NBATCH = NS * SPP
DSTEPS = NBATCH // NW
EPAD = NS * SPP * BATCH
NPAD = 10112
NPAD_DEG = 10240
RPT_DEG = NPAD_DEG // NS
GARBAGE = N
RPT = NPAD // NS
BLK = 400
GRID = N // BLK


def _sc_mesh():
    return plsc.VectorSubcoreMesh(core_axis_name="c", subcore_axis_name="s")



def _deg_body(row_hbm, deg_out, idx_v, ones_v, z_v, deg_sh):
    cid = lax.axis_index("c")
    sid = lax.axis_index("s")
    wid = sid * NC + cid
    for k in range(BATCH // 16):
        ones_v[pl.ds(k * 16, 16)] = jnp.ones((16,), jnp.float32)
    for o in range(0, RPT_DEG, 16):
        z_v[pl.ds(o, 16)] = jnp.zeros((16,), jnp.float32)
    pltpu.sync_copy(z_v, deg_sh.at[pl.ds(sid * RPT_DEG, RPT_DEG)])
    pltpu.sync_copy(row_hbm.at[wid], idx_v)
    plsc.subcore_barrier()

    def step(j, c):
        pltpu.sync_copy(ones_v, deg_sh.at[idx_v.at[j]], add=True)
        return c

    lax.fori_loop(0, DSTEPS, step, 0)
    plsc.subcore_barrier()
    pltpu.sync_copy(deg_sh.at[pl.ds(sid * RPT_DEG, RPT_DEG)],
                    deg_out.at[pl.ds(cid * NPAD_DEG + sid * RPT_DEG, RPT_DEG)])


def _sc_deg(row_d):
    return pl.kernel(
        _deg_body,
        out_type=jax.ShapeDtypeStruct((NC * NPAD_DEG,), jnp.float32),
        mesh=_sc_mesh(),
        scratch_types=[
            pltpu.VMEM((DSTEPS, BATCH), jnp.int32),
            pltpu.VMEM((BATCH,), jnp.float32),
            pltpu.VMEM((RPT_DEG,), jnp.float32),
            pltpu.VMEM_SHARED((NPAD_DEG,), jnp.float32),
        ],
    )(row_d)



def _agg_body(y_hbm, rc_hbm, out_hbm,
              rg_v, cl_v, buf0, buf1, acc_sh, sem0, sem1, sem2, sem3):
    cid = lax.axis_index("c")
    sid = lax.axis_index("s")

    def zrow(r, c):
        for k in range(D // 16):
            buf0[r, pl.ds(k * 16, 16)] = jnp.zeros((16,), jnp.float32)
        return c

    lax.fori_loop(0, BATCH, zrow, 0)
    for t in range(RPT // BATCH):
        pltpu.sync_copy(buf0, acc_sh.at[pl.ds(sid * RPT + t * BATCH, BATCH)])
    _TAIL = RPT % BATCH
    if _TAIL:
        pltpu.sync_copy(
            buf0.at[pl.ds(0, _TAIL)],
            acc_sh.at[pl.ds(sid * RPT + (RPT // BATCH) * BATCH, _TAIL)])
    plsc.subcore_barrier()

    H2 = BATCH // 2
    rbase = sid * SPP + cid * S0
    s_my = jnp.where(cid == 0, S0, S1)
    nq = (s_my + CH - 1) // CH

    def glo(j, buf, sem):
        return pltpu.async_copy(
            y_hbm.at[rg_v.at[j, pl.ds(0, H2)]], buf.at[pl.ds(0, H2)], sem)

    def ghi(j, buf, sem):
        return pltpu.async_copy(
            y_hbm.at[rg_v.at[j, pl.ds(H2, H2)]], buf.at[pl.ds(H2, H2)], sem)

    def wlo(j, buf, sem):
        pltpu.make_async_copy(
            y_hbm.at[rg_v.at[j, pl.ds(0, H2)]], buf.at[pl.ds(0, H2)], sem).wait()

    def whi(j, buf, sem):
        pltpu.make_async_copy(
            y_hbm.at[rg_v.at[j, pl.ds(H2, H2)]], buf.at[pl.ds(H2, H2)], sem).wait()

    def chunk(q, c):
        cnt = jnp.minimum(CH, s_my - q * CH)
        pltpu.sync_copy(rc_hbm.at[0, pl.ds(rbase + q * CH, CH)], rg_v)
        pltpu.sync_copy(rc_hbm.at[1, pl.ds(rbase + q * CH, CH)], cl_v)
        glo(0, buf0, sem0)
        ghi(0, buf0, sem1)
        glo(1, buf1, sem2)
        ghi(1, buf1, sem3)

        def pair(t, c2):
            j0 = 2 * t
            j1 = j0 + 1
            wlo(j0, buf0, sem0)
            whi(j0, buf0, sem1)
            pltpu.sync_copy(buf0, acc_sh.at[cl_v.at[j0]], add=True)

            @pl.when(t < cnt // 2 - 1)
            def _():
                glo(j0 + 2, buf0, sem0)
                ghi(j0 + 2, buf0, sem1)

            wlo(j1, buf1, sem2)
            whi(j1, buf1, sem3)
            pltpu.sync_copy(buf1, acc_sh.at[cl_v.at[j1]], add=True)

            @pl.when(t < cnt // 2 - 1)
            def _():
                glo(j1 + 2, buf1, sem2)
                ghi(j1 + 2, buf1, sem3)

            return c2

        lax.fori_loop(0, cnt // 2, pair, 0)
        return c

    lax.fori_loop(0, nq, chunk, 0)
    plsc.subcore_barrier()
    pltpu.sync_copy(acc_sh.at[pl.ds(sid * RPT, RPT)],
                    out_hbm.at[cid, pl.ds(sid * RPT, RPT)])


def _sc_agg(y, rc):
    return pl.kernel(
        _agg_body,
        out_type=jax.ShapeDtypeStruct((NC, NPAD, D), jnp.float32),
        mesh=_sc_mesh(),
        scratch_types=[
            pltpu.VMEM((CH, BATCH), jnp.int32),
            pltpu.VMEM((CH, BATCH), jnp.int32),
            pltpu.VMEM((BATCH, D), jnp.float32),
            pltpu.VMEM((BATCH, D), jnp.float32),
            pltpu.VMEM_SHARED((NPAD, D), jnp.float32),
            pltpu.SemaphoreType.DMA,
            pltpu.SemaphoreType.DMA,
            pltpu.SemaphoreType.DMA,
            pltpu.SemaphoreType.DMA,
        ],
    )(y, rc)



def _y_body(f_ref, w_ref, b_ref, dp_ref, y_ref):
    deg = dp_ref[:, 0:1] + dp_ref[:, 1:2] + 1.0
    dis = lax.rsqrt(deg)
    x = lax.dot_general(f_ref[...], w_ref[...], (((1,), (1,)), ((), ())),
                        preferred_element_type=jnp.float32)
    y_ref[...] = (x + b_ref[...]) * dis


def _tc_y(features, W, b2, degp_t):
    return pl.pallas_call(
        _y_body,
        grid=(GRID,),
        in_specs=[
            pl.BlockSpec((BLK, D), lambda i: (i, 0)),
            pl.BlockSpec((D, D), lambda i: (0, 0)),
            pl.BlockSpec((1, D), lambda i: (0, 0)),
            pl.BlockSpec((BLK, 2), lambda i: (i, 0)),
        ],
        out_specs=pl.BlockSpec((BLK, D), lambda i: (i, 0)),
        out_shape=jax.ShapeDtypeStruct((N, D), jnp.float32),
    )(features, W, b2, degp_t)



def _out_body(p0_ref, p1_ref, y_ref, dp_ref, o_ref):
    deg = dp_ref[:, 0:1] + dp_ref[:, 1:2] + 1.0
    dis = lax.rsqrt(deg)
    o_ref[...] = (p0_ref[...] + p1_ref[...] + y_ref[...]) * dis


def _tc_out(p0, p1, y, degp_t):
    return pl.pallas_call(
        _out_body,
        grid=(GRID,),
        in_specs=[
            pl.BlockSpec((BLK, D), lambda i: (i, 0)),
            pl.BlockSpec((BLK, D), lambda i: (i, 0)),
            pl.BlockSpec((BLK, D), lambda i: (i, 0)),
            pl.BlockSpec((BLK, 2), lambda i: (i, 0)),
        ],
        out_specs=pl.BlockSpec((BLK, D), lambda i: (i, 0)),
        out_shape=jax.ShapeDtypeStruct((N, D), jnp.float32),
    )(p0, p1, y, degp_t)



def kernel(features, edges, W, b):
    row = edges[0].astype(jnp.int32)
    col = edges[1].astype(jnp.int32)
    pad = EPAD - E
    row_g = jnp.concatenate(
        [row, jnp.zeros((pad,), jnp.int32)]).reshape(NBATCH, BATCH)
    row_d = jnp.concatenate(
        [row, jnp.full((pad,), GARBAGE, jnp.int32)]).reshape(NW, DSTEPS, BATCH)
    col_s = jnp.concatenate(
        [col, jnp.full((pad,), GARBAGE, jnp.int32)]).reshape(NBATCH, BATCH)

    degp = _sc_deg(row_d).reshape(NC, NPAD_DEG)
    degp_t = degp.T
    y = _tc_y(features, W, b.reshape(1, D), degp_t)
    zpad = jnp.zeros((CH, BATCH), jnp.int32)
    rc = jnp.stack([jnp.concatenate([row_g, zpad]),
                    jnp.concatenate([col_s, zpad])])
    aggp = _sc_agg(y, rc)
    return _tc_out(aggp[0], aggp[1], y, degp_t)

# --- scband reference (transcript-rebuilt; emitter-appended) ---
"""Pipeline reference for scband-gcn-72000831750590 (READ-ONLY COPY).

The authoritative reference and input builder live on the scoring server;
editing this copy changes nothing except your own understanding.
"""

import jax, jax.numpy as jnp
import numpy as np

N_NODES = 10000
N_EDGES = 320000
D_IN = 128
D_OUT = 128


def setup_inputs(seed: int = 0) -> dict:
    key = jax.random.key(seed)
    k1, k2, k3, k4 = jax.random.split(key, 4)
    features = jax.random.normal(k1, (N_NODES, D_IN), dtype=jnp.float32)
    edges = jax.random.randint(k2, (2, N_EDGES), 0, N_NODES, dtype=jnp.int64)
    # Linear layer params (torch.nn.Linear: y = x @ W.T + b)
    bound = 1.0 / np.sqrt(D_IN)
    W = jax.random.uniform(k3, (D_OUT, D_IN), minval=-bound, maxval=bound, dtype=jnp.float32)
    b = jax.random.uniform(k4, (D_OUT,), minval=-bound, maxval=bound, dtype=jnp.float32)
    return {"features": features, "edges": edges, "W": W, "b": b}


def reference(features, edges, W, b):
    N = features.shape[0]
    # add_self_loops
    loop = jnp.arange(N, dtype=edges.dtype)
    edge_index = jnp.concatenate([edges, jnp.stack([loop, loop], axis=0)], axis=1)
    row, col = edge_index[0], edge_index[1]
    # x = self.lin(x)
    x = features @ W.T + b
    # message: deg = degree(row); norm = deg_inv_sqrt[row] * deg_inv_sqrt[col]
    deg = jnp.zeros((N,), dtype=x.dtype).at[row].add(1.0)
    deg_inv_sqrt = deg ** (-0.5)
    norm = deg_inv_sqrt[row] * deg_inv_sqrt[col]
    x_j = jnp.take(x, row, axis=0)
    msgs = norm[:, None] * x_j
    # aggregate (aggr='add') at target nodes (col)
    out = jnp.zeros((N, x.shape[1]), dtype=x.dtype).at[col].add(msgs)
    return out

if __name__ == "__main__":
    import jax
    _d = setup_inputs()
    print(jax.jit(kernel)(*tuple(_d.values())))

</pallas_src>

<mosaic_0001>
#map = affine_map<(d0, d1) -> (0, 0, 0)>
#map1 = affine_map<(d0, d1) -> (0)>
module attributes {stable_mosaic.version = 14 : i64} {
  func.func @_deg_body(%arg0: i32, %arg1: i32, %arg2: memref<32x80x128xi32, #tpu.memory_space<hbm>>, %arg3: memref<20480xf32, #tpu.memory_space<hbm>>, %arg4: memref<80x128xi32, #tpu.memory_space<vmem>>, %arg5: memref<128xf32, #tpu.memory_space<vmem>>, %arg6: memref<640xf32, #tpu.memory_space<vmem>>, %arg7: memref<10240xf32, #tpu.memory_space<vmem_shared>>) attributes {dimension_semantics = [#tpu.dimension_semantics<core_parallel>, #tpu.dimension_semantics<subcore_parallel>], iteration_bounds = array<i64: 2, 16>, scalar_prefetch = 0 : i64, scratch_operands = 4 : i64, tpu.core_type = #tpu.core_type<sc_vector_subcore>, window_params = [{transform_indices = #map}, {transform_indices = #map1}]} {
    %mul3A = arith.constant 2 : i32
    %mul3A_0 = arith.muli %arg1, %mul3A : i32
    %add3A = arith.addi %mul3A_0, %arg0 : i32
    %broadcast_in_dim3A = arith.constant 1.000000e+00 : f32
    %broadcast_in_dim3A_1 = vector.broadcast %broadcast_in_dim3A : f32 to vector<16xf32>
    %swap3A = arith.constant 0 : index
    %swap3A_2 = tpu.vector_load %arg5[%swap3A] {strides = array<i32>} : memref<128xf32, #tpu.memory_space<vmem>>, vector<16xf32>,
    %swap3A_3 = vector.shape_cast %swap3A_2 : vector<16xf32> to vector<16xf32>
    %swap3A_4 = vector.shape_cast %broadcast_in_dim3A_1 : vector<16xf32> to vector<16xf32>
    tpu.vector_store %arg5[%swap3A], %swap3A_4 {strides = array<i32>} : memref<128xf32, #tpu.memory_space<vmem>>, vector<16xf32>,
    %broadcast_in_dim3A_5 = arith.constant 1.000000e+00 : f32
    %broadcast_in_dim3A_6 = vector.broadcast %broadcast_in_dim3A_5 : f32 to vector<16xf32>
    %swap3A_7 = arith.constant 16 : index
    %swap3A_8 = tpu.vector_load %arg5[%swap3A_7] {strides = array<i32>} : memref<128xf32, #tpu.memory_space<vmem>>, vector<16xf32>,
    %swap3A_9 = vector.shape_cast %swap3A_8 : vector<16xf32> to vector<16xf32>
    %swap3A_10 = vector.shape_cast %broadcast_in_dim3A_6 : vector<16xf32> to vector<16xf32>
    tpu.vector_store %arg5[%swap3A_7], %swap3A_10 {strides = array<i32>} : memref<128xf32, #tpu.memory_space<vmem>>, vector<16xf32>,
    %broadcast_in_dim3A_11 = arith.constant 1.000000e+00 : f32
    %broadcast_in_dim3A_12 = vector.broadcast %broadcast_in_dim3A_11 : f32 to vector<16xf32>
    %swap3A_13 = arith.constant 32 : index
    %swap3A_14 = tpu.vector_load %arg5[%swap3A_13] {strides = array<i32>} : memref<128xf32, #tpu.memory_space<vmem>>, vector<16xf32>,
    %swap3A_15 = vector.shape_cast %swap3A_14 : vector<16xf32> to vector<16xf32>
    %swap3A_16 = vector.shape_cast %broadcast_in_dim3A_12 : vector<16xf32> to vector<16xf32>
    tpu.vector_store %arg5[%swap3A_13], %swap3A_16 {strides = array<i32>} : memref<128xf32, #tpu.memory_space<vmem>>, vector<16xf32>,
    %broadcast_in_dim3A_17 = arith.constant 1.000000e+00 : f32
    %broadcast_in_dim3A_18 = vector.broadcast %broadcast_in_dim3A_17 : f32 to vector<16xf32>
    %swap3A_19 = arith.constant 48 : index
    %swap3A_20 = tpu.vector_load %arg5[%swap3A_19] {strides = array<i32>} : memref<128xf32, #tpu.memory_space<vmem>>, vector<16xf32>,
    %swap3A_21 = vector.shape_cast %swap3A_20 : vector<16xf32> to vector<16xf32>
    %swap3A_22 = vector.shape_cast %broadcast_in_dim3A_18 : vector<16xf32> to vector<16xf32>
    tpu.vector_store %arg5[%swap3A_19], %swap3A_22 {strides = array<i32>} : memref<128xf32, #tpu.memory_space<vmem>>, vector<16xf32>,
    %broadcast_in_dim3A_23 = arith.constant 1.000000e+00 : f32
    %broadcast_in_dim3A_24 = vector.broadcast %broadcast_in_dim3A_23 : f32 to vector<16xf32>
    %swap3A_25 = arith.constant 64 : index
    %swap3A_26 = tpu.vector_load %arg5[%swap3A_25] {strides = array<i32>} : memref<128xf32, #tpu.memory_space<vmem>>, vector<16xf32>,
    %swap3A_27 = vector.shape_cast %swap3A_26 : vector<16xf32> to vector<16xf32>
    %swap3A_28 = vector.shape_cast %broadcast_in_dim3A_24 : vector<16xf32> to vector<16xf32>
    tpu.vector_store %arg5[%swap3A_25], %swap3A_28 {strides = array<i32>} : memref<128xf32, #tpu.memory_space<vmem>>, vector<16xf32>,
    %broadcast_in_dim3A_29 = arith.constant 1.000000e+00 : f32
    %broadcast_in_dim3A_30 = vector.broadcast %broadcast_in_dim3A_29 : f32 to vector<16xf32>
    %swap3A_31 = arith.constant 80 : index
    %swap3A_32 = tpu.vector_load %arg5[%swap3A_31] {strides = array<i32>} : memref<128xf32, #tpu.memory_space<vmem>>, vector<16xf32>,
    %swap3A_33 = vector.shape_cast %swap3A_32 : vector<16xf32> to vector<16xf32>
    %swap3A_34 = vector.shape_cast %broadcast_in_dim3A_30 : vector<16xf32> to vector<16xf32>
    tpu.vector_store %arg5[%swap3A_31], %swap3A_34 {strides = array<i32>} : memref<128xf32, #tpu.memory_space<vmem>>, vector<16xf32>,
    %broadcast_in_dim3A_35 = arith.constant 1.000000e+00 : f32
    %broadcast_in_dim3A_36 = vector.broadcast %broadcast_in_dim3A_35 : f32 to vector<16xf32>
    %swap3A_37 = arith.constant 96 : index
    %swap3A_38 = tpu.vector_load %arg5[%swap3A_37] {strides = array<i32>} : memref<128xf32, #tpu.memory_space<vmem>>, vector<16xf32>,
    %swap3A_39 = vector.shape_cast %swap3A_38 : vector<16xf32> to vector<16xf32>
    %swap3A_40 = vector.shape_cast %broadcast_in_dim3A_36 : vector<16xf32> to vector<16xf32>
    tpu.vector_store %arg5[%swap3A_37], %swap3A_40 {strides = array<i32>} : memref<128xf32, #tpu.memory_space<vmem>>, vector<16xf32>,
    %broadcast_in_dim3A_41 = arith.constant 1.000000e+00 : f32
    %broadcast_in_dim3A_42 = vector.broadcast %broadcast_in_dim3A_41 : f32 to vector<16xf32>
    %swap3A_43 = arith.constant 112 : index
    %swap3A_44 = tpu.vector_load %arg5[%swap3A_43] {strides = array<i32>} : memref<128xf32, #tpu.memory_space<vmem>>, vector<16xf32>,
    %swap3A_45 = vector.shape_cast %swap3A_44 : vector<16xf32> to vector<16xf32>
    %swap3A_46 = vector.shape_cast %broadcast_in_dim3A_42 : vector<16xf32> to vector<16xf32>
    tpu.vector_store %arg5[%swap3A_43], %swap3A_46 {strides = array<i32>} : memref<128xf32, #tpu.memory_space<vmem>>, vector<16xf32>,
    %broadcast_in_dim3A_47 = arith.constant 0.000000e+00 : f32
    %broadcast_in_dim3A_48 = vector.broadcast %broadcast_in_dim3A_47 : f32 to vector<16xf32>
    %swap3A_49 = arith.constant 0 : index
    %swap3A_50 = tpu.vector_load %arg6[%swap3A_49] {strides = array<i32>} : memref<640xf32, #tpu.memory_space<vmem>>, vector<16xf32>,
    %swap3A_51 = vector.shape_cast %swap3A_50 : vector<16xf32> to vector<16xf32>
    %swap3A_52 = vector.shape_cast %broadcast_in_dim3A_48 : vector<16xf32> to vector<16xf32>
    tpu.vector_store %arg6[%swap3A_49], %swap3A_52 {strides = array<i32>} : memref<640xf32, #tpu.memory_space<vmem>>, vector<16xf32>,
    %broadcast_in_dim3A_53 = arith.constant 0.000000e+00 : f32
    %broadcast_in_dim3A_54 = vector.broadcast %broadcast_in_dim3A_53 : f32 to vector<16xf32>
    %swap3A_55 = arith.constant 16 : index
    %swap3A_56 = tpu.vector_load %arg6[%swap3A_55] {strides = array<i32>} : memref<640xf32, #tpu.memory_space<vmem>>, vector<16xf32>,
    %swap3A_57 = vector.shape_cast %swap3A_56 : vector<16xf32> to vector<16xf32>
    %swap3A_58 = vector.shape_cast %broadcast_in_dim3A_54 : vector<16xf32> to vector<16xf32>
    tpu.vector_store %arg6[%swap3A_55], %swap3A_58 {strides = array<i32>} : memref<640xf32, #tpu.memory_space<vmem>>, vector<16xf32>,
    %broadcast_in_dim3A_59 = arith.constant 0.000000e+00 : f32
    %broadcast_in_dim3A_60 = vector.broadcast %broadcast_in_dim3A_59 : f32 to vector<16xf32>
    %swap3A_61 = arith.constant 32 : index
    %swap3A_62 = tpu.vector_load %arg6[%swap3A_61] {strides = array<i32>} : memref<640xf32, #tpu.memory_space<vmem>>, vector<16xf32>,
    %swap3A_63 = vector.shape_cast %swap3A_62 : vector<16xf32> to vector<16xf32>
    %swap3A_64 = vector.shape_cast %broadcast_in_dim3A_60 : vector<16xf32> to vector<16xf32>
    tpu.vector_store %arg6[%swap3A_61], %swap3A_64 {strides = array<i32>} : memref<640xf32, #tpu.memory_space<vmem>>, vector<16xf32>,
    %broadcast_in_dim3A_65 = arith.constant 0.000000e+00 : f32
    %broadcast_in_dim3A_66 = vector.broadcast %broadcast_in_dim3A_65 : f32 to vector<16xf32>
    %swap3A_67 = arith.constant 48 : index
    %swap3A_68 = tpu.vector_load %arg6[%swap3A_67] {strides = array<i32>} : memref<640xf32, #tpu.memory_space<vmem>>, vector<16xf32>,
    %swap3A_69 = vector.shape_cast %swap3A_68 : vector<16xf32> to vector<16xf32>
    %swap3A_70 = vector.shape_cast %broadcast_in_dim3A_66 : vector<16xf32> to vector<16xf32>
    tpu.vector_store %arg6[%swap3A_67], %swap3A_70 {strides = array<i32>} : memref<640xf32, #tpu.memory_space<vmem>>, vector<16xf32>,
    %broadcast_in_dim3A_71 = arith.constant 0.000000e+00 : f32
    %broadcast_in_dim3A_72 = vector.broadcast %broadcast_in_dim3A_71 : f32 to vector<16xf32>
    %swap3A_73 = arith.constant 64 : index
    %swap3A_74 = tpu.vector_load %arg6[%swap3A_73] {strides = array<i32>} : memref<640xf32, #tpu.memory_space<vmem>>, vector<16xf32>,
    %swap3A_75 = vector.shape_cast %swap3A_74 : vector<16xf32> to vector<16xf32>
    %swap3A_76 = vector.shape_cast %broadcast_in_dim3A_72 : vector<16xf32> to vector<16xf32>
    tpu.vector_store %arg6[%swap3A_73], %swap3A_76 {strides = array<i32>} : memref<640xf32, #tpu.memory_space<vmem>>, vector<16xf32>,
    %broadcast_in_dim3A_77 = arith.constant 0.000000e+00 : f32
    %broadcast_in_dim3A_78 = vector.broadcast %broadcast_in_dim3A_77 : f32 to vector<16xf32>
    %swap3A_79 = arith.constant 80 : index
    %swap3A_80 = tpu.vector_load %arg6[%swap3A_79] {strides = array<i32>} : memref<640xf32, #tpu.memory_space<vmem>>, vector<16xf32>,
    %swap3A_81 = vector.shape_cast %swap3A_80 : vector<16xf32> to vector<16xf32>
    %swap3A_82 = vector.shape_cast %broadcast_in_dim3A_78 : vector<16xf32> to vector<16xf32>
    tpu.vector_store %arg6[%swap3A_79], %swap3A_82 {strides = array<i32>} : memref<640xf32, #tpu.memory_space<vmem>>, vector<16xf32>,
    %broadcast_in_dim3A_83 = arith.constant 0.000000e+00 : f32
    %broadcast_in_dim3A_84 = vector.broadcast %broadcast_in_dim3A_83 : f32 to vector<16xf32>
    %swap3A_85 = arith.constant 96 : index
    %swap3A_86 = tpu.vector_load %arg6[%swap3A_85] {strides = array<i32>} : memref<640xf32, #tpu.memory_space<vmem>>, vector<16xf32>,
    %swap3A_87 = vector.shape_cast %swap3A_86 : vector<16xf32> to vector<16xf32>
    %swap3A_88 = vector.shape_cast %broadcast_in_dim3A_84 : vector<16xf32> to vector<16xf32>
    tpu.vector_store %arg6[%swap3A_85], %swap3A_88 {strides = array<i32>} : memref<640xf32, #tpu.memory_space<vmem>>, vector<16xf32>,
    %broadcast_in_dim3A_89 = arith.constant 0.000000e+00 : f32
    %broadcast_in_dim3A_90 = vector.broadcast %broadcast_in_dim3A_89 : f32 to vector<16xf32>
    %swap3A_91 = arith.constant 112 : index
    %swap3A_92 = tpu.vector_load %arg6[%swap3A_91] {strides = array<i32>} : memref<640xf32, #tpu.memory_space<vmem>>, vector<16xf32>,
    %swap3A_93 = vector.shape_cast %swap3A_92 : vector<16xf32> to vector<16xf32>
    %swap3A_94 = vector.shape_cast %broadcast_in_dim3A_90 : vector<16xf32> to vector<16xf32>
    tpu.vector_store %arg6[%swap3A_91], %swap3A_94 {strides = array<i32>} : memref<640xf32, #tpu.memory_space<vmem>>, vector<16xf32>,
    %broadcast_in_dim3A_95 = arith.constant 0.000000e+00 : f32
    %broadcast_in_dim3A_96 = vector.broadcast %broadcast_in_dim3A_95 : f32 to vector<16xf32>
    %swap3A_97 = arith.constant 128 : index
    %swap3A_98 = tpu.vector_load %arg6[%swap3A_97] {strides = array<i32>} : memref<640xf32, #tpu.memory_space<vmem>>, vector<16xf32>,
    %swap3A_99 = vector.shape_cast %swap3A_98 : vector<16xf32> to vector<16xf32>
    %swap3A_100 = vector.shape_cast %broadcast_in_dim3A_96 : vector<16xf32> to vector<16xf32>
    tpu.vector_store %arg6[%swap3A_97], %swap3A_100 {strides = array<i32>} : memref<640xf32, #tpu.memory_space<vmem>>, vector<16xf32>,
    %broadcast_in_dim3A_101 = arith.constant 0.000000e+00 : f32
    %broadcast_in_dim3A_102 = vector.broadcast %broadcast_in_dim3A_101 : f32 to vector<16xf32>
    %swap3A_103 = arith.constant 144 : index
    %swap3A_104 = tpu.vector_load %arg6[%swap3A_103] {strides = array<i32>} : memref<640xf32, #tpu.memory_space<vmem>>, vector<16xf32>,
    %swap3A_105 = vector.shape_cast %swap3A_104 : vector<16xf32> to vector<16xf32>
    %swap3A_106 = vector.shape_cast %broadcast_in_dim3A_102 : vector<16xf32> to vector<16xf32>
    tpu.vector_store %arg6[%swap3A_103], %swap3A_106 {strides = array<i32>} : memref<640xf32, #tpu.memory_space<vmem>>, vector<16xf32>,
    %broadcast_in_dim3A_107 = arith.constant 0.000000e+00 : f32
    %broadcast_in_dim3A_108 = vector.broadcast %broadcast_in_dim3A_107 : f32 to vector<16xf32>
    %swap3A_109 = arith.constant 160 : index
    %swap3A_110 = tpu.vector_load %arg6[%swap3A_109] {strides = array<i32>} : memref<640xf32, #tpu.memory_space<vmem>>, vector<16xf32>,
    %swap3A_111 = vector.shape_cast %swap3A_110 : vector<16xf32> to vector<16xf32>
    %swap3A_112 = vector.shape_cast %broadcast_in_dim3A_108 : vector<16xf32> to vector<16xf32>
    tpu.vector_store %arg6[%swap3A_109], %swap3A_112 {strides = array<i32>} : memref<640xf32, #tpu.memory_space<vmem>>, vector<16xf32>,
    %broadcast_in_dim3A_113 = arith.constant 0.000000e+00 : f32
    %broadcast_in_dim3A_114 = vector.broadcast %broadcast_in_dim3A_113 : f32 to vector<16xf32>
    %swap3A_115 = arith.constant 176 : index
    %swap3A_116 = tpu.vector_load %arg6[%swap3A_115] {strides = array<i32>} : memref<640xf32, #tpu.memory_space<vmem>>, vector<16xf32>,
    %swap3A_117 = vector.shape_cast %swap3A_116 : vector<16xf32> to vector<16xf32>
    %swap3A_118 = vector.shape_cast %broadcast_in_dim3A_114 : vector<16xf32> to vector<16xf32>
    tpu.vector_store %arg6[%swap3A_115], %swap3A_118 {strides = array<i32>} : memref<640xf32, #tpu.memory_space<vmem>>, vector<16xf32>,
    %broadcast_in_dim3A_119 = arith.constant 0.000000e+00 : f32
    %broadcast_in_dim3A_120 = vector.broadcast %broadcast_in_dim3A_119 : f32 to vector<16xf32>
    %swap3A_121 = arith.constant 192 : index
    %swap3A_122 = tpu.vector_load %arg6[%swap3A_121] {strides = array<i32>} : memref<640xf32, #tpu.memory_space<vmem>>, vector<16xf32>,
    %swap3A_123 = vector.shape_cast %swap3A_122 : vector<16xf32> to vector<16xf32>
    %swap3A_124 = vector.shape_cast %broadcast_in_dim3A_120 : vector<16xf32> to vector<16xf32>
    tpu.vector_store %arg6[%swap3A_121], %swap3A_124 {strides = array<i32>} : memref<640xf32, #tpu.memory_space<vmem>>, vector<16xf32>,
    %broadcast_in_dim3A_125 = arith.constant 0.000000e+00 : f32
    %broadcast_in_dim3A_126 = vector.broadcast %broadcast_in_dim3A_125 : f32 to vector<16xf32>
    %swap3A_127 = arith.constant 208 : index
    %swap3A_128 = tpu.vector_load %arg6[%swap3A_127] {strides = array<i32>} : memref<640xf32, #tpu.memory_space<vmem>>, vector<16xf32>,
    %swap3A_129 = vector.shape_cast %swap3A_128 : vector<16xf32> to vector<16xf32>
    %swap3A_130 = vector.shape_cast %broadcast_in_dim3A_126 : vector<16xf32> to vector<16xf32>
    tpu.vector_store %arg6[%swap3A_127], %swap3A_130 {strides = array<i32>} : memref<640xf32, #tpu.memory_space<vmem>>, vector<16xf32>,
    %broadcast_in_dim3A_131 = arith.constant 0.000000e+00 : f32
    %broadcast_in_dim3A_132 = vector.broadcast %broadcast_in_dim3A_131 : f32 to vector<16xf32>
    %swap3A_133 = arith.constant 224 : index
    %swap3A_134 = tpu.vector_load %arg6[%swap3A_133] {strides = array<i32>} : memref<640xf32, #tpu.memory_space<vmem>>, vector<16xf32>,
    %swap3A_135 = vector.shape_cast %swap3A_134 : vector<16xf32> to vector<16xf32>
    %swap3A_136 = vector.shape_cast %broadcast_in_dim3A_132 : vector<16xf32> to vector<16xf32>
    tpu.vector_store %arg6[%swap3A_133], %swap3A_136 {strides = array<i32>} : memref<640xf32, #tpu.memory_space<vmem>>, vector<16xf32>,
    %broadcast_in_dim3A_137 = arith.constant 0.000000e+00 : f32
    %broadcast_in_dim3A_138 = vector.broadcast %broadcast_in_dim3A_137 : f32 to vector<16xf32>
    %swap3A_139 = arith.constant 240 : index
    %swap3A_140 = tpu.vector_load %arg6[%swap3A_139] {strides = array<i32>} : memref<640xf32, #tpu.memory_space<vmem>>, vector<16xf32>,
    %swap3A_141 = vector.shape_cast %swap3A_140 : vector<16xf32> to vector<16xf32>
    %swap3A_142 = vector.shape_cast %broadcast_in_dim3A_138 : vector<16xf32> to vector<16xf32>
    tpu.vector_store %arg6[%swap3A_139], %swap3A_142 {strides = array<i32>} : memref<640xf32, #tpu.memory_space<vmem>>, vector<16xf32>,
    %broadcast_in_dim3A_143 = arith.constant 0.000000e+00 : f32
    %broadcast_in_dim3A_144 = vector.broadcast %broadcast_in_dim3A_143 : f32 to vector<16xf32>
    %swap3A_145 = arith.constant 256 : index
    %swap3A_146 = tpu.vector_load %arg6[%swap3A_145] {strides = array<i32>} : memref<640xf32, #tpu.memory_space<vmem>>, vector<16xf32>,
    %swap3A_147 = vector.shape_cast %swap3A_146 : vector<16xf32> to vector<16xf32>
    %swap3A_148 = vector.shape_cast %broadcast_in_dim3A_144 : vector<16xf32> to vector<16xf32>
    tpu.vector_store %arg6[%swap3A_145], %swap3A_148 {strides = array<i32>} : memref<640xf32, #tpu.memory_space<vmem>>, vector<16xf32>,
    %broadcast_in_dim3A_149 = arith.constant 0.000000e+00 : f32
    %broadcast_in_dim3A_150 = vector.broadcast %broadcast_in_dim3A_149 : f32 to vector<16xf32>
    %swap3A_151 = arith.constant 272 : index
    %swap3A_152 = tpu.vector_load %arg6[%swap3A_151] {strides = array<i32>} : memref<640xf32, #tpu.memory_space<vmem>>, vector<16xf32>,
    %swap3A_153 = vector.shape_cast %swap3A_152 : vector<16xf32> to vector<16xf32>
    %swap3A_154 = vector.shape_cast %broadcast_in_dim3A_150 : vector<16xf32> to vector<16xf32>
    tpu.vector_store %arg6[%swap3A_151], %swap3A_154 {strides = array<i32>} : memref<640xf32, #tpu.memory_space<vmem>>, vector<16xf32>,
    %broadcast_in_dim3A_155 = arith.constant 0.000000e+00 : f32
    %broadcast_in_dim3A_156 = vector.broadcast %broadcast_in_dim3A_155 : f32 to vector<16xf32>
    %swap3A_157 = arith.constant 288 : index
    %swap3A_158 = tpu.vector_load %arg6[%swap3A_157] {strides = array<i32>} : memref<640xf32, #tpu.memory_space<vmem>>, vector<16xf32>,
    %swap3A_159 = vector.shape_cast %swap3A_158 : vector<16xf32> to vector<16xf32>
    %swap3A_160 = vector.shape_cast %broadcast_in_dim3A_156 : vector<16xf32> to vector<16xf32>
    tpu.vector_store %arg6[%swap3A_157], %swap3A_160 {strides = array<i32>} : memref<640xf32, #tpu.memory_space<vmem>>, vector<16xf32>,
    %broadcast_in_dim3A_161 = arith.constant 0.000000e+00 : f32
    %broadcast_in_dim3A_162 = vector.broadcast %broadcast_in_dim3A_161 : f32 to vector<16xf32>
    %swap3A_163 = arith.constant 304 : index
    %swap3A_164 = tpu.vector_load %arg6[%swap3A_163] {strides = array<i32>} : memref<640xf32, #tpu.memory_space<vmem>>, vector<16xf32>,
    %swap3A_165 = vector.shape_cast %swap3A_164 : vector<16xf32> to vector<16xf32>
    %swap3A_166 = vector.shape_cast %broadcast_in_dim3A_162 : vector<16xf32> to vector<16xf32>
    tpu.vector_store %arg6[%swap3A_163], %swap3A_166 {strides = array<i32>} : memref<640xf32, #tpu.memory_space<vmem>>, vector<16xf32>,
    %broadcast_in_dim3A_167 = arith.constant 0.000000e+00 : f32
    %broadcast_in_dim3A_168 = vector.broadcast %broadcast_in_dim3A_167 : f32 to vector<16xf32>
    %swap3A_169 = arith.constant 320 : index
    %swap3A_170 = tpu.vector_load %arg6[%swap3A_169] {strides = array<i32>} : memref<640xf32, #tpu.memory_space<vmem>>, vector<16xf32>,
    %swap3A_171 = vector.shape_cast %swap3A_170 : vector<16xf32> to vector<16xf32>
    %swap3A_172 = vector.shape_cast %broadcast_in_dim3A_168 : vector<16xf32> to vector<16xf32>
    tpu.vector_store %arg6[%swap3A_169], %swap3A_172 {strides = array<i32>} : memref<640xf32, #tpu.memory_space<vmem>>, vector<16xf32>,
    %broadcast_in_dim3A_173 = arith.constant 0.000000e+00 : f32
    %broadcast_in_dim3A_174 = vector.broadcast %broadcast_in_dim3A_173 : f32 to vector<16xf32>
    %swap3A_175 = arith.constant 336 : index
    %swap3A_176 = tpu.vector_load %arg6[%swap3A_175] {strides = array<i32>} : memref<640xf32, #tpu.memory_space<vmem>>, vector<16xf32>,
    %swap3A_177 = vector.shape_cast %swap3A_176 : vector<16xf32> to vector<16xf32>
    %swap3A_178 = vector.shape_cast %broadcast_in_dim3A_174 : vector<16xf32> to vector<16xf32>
    tpu.vector_store %arg6[%swap3A_175], %swap3A_178 {strides = array<i32>} : memref<640xf32, #tpu.memory_space<vmem>>, vector<16xf32>,
    %broadcast_in_dim3A_179 = arith.constant 0.000000e+00 : f32
    %broadcast_in_dim3A_180 = vector.broadcast %broadcast_in_dim3A_179 : f32 to vector<16xf32>
    %swap3A_181 = arith.constant 352 : index
    %swap3A_182 = tpu.vector_load %arg6[%swap3A_181] {strides = array<i32>} : memref<640xf32, #tpu.memory_space<vmem>>, vector<16xf32>,
    %swap3A_183 = vector.shape_cast %swap3A_182 : vector<16xf32> to vector<16xf32>
    %swap3A_184 = vector.shape_cast %broadcast_in_dim3A_180 : vector<16xf32> to vector<16xf32>
    tpu.vector_store %arg6[%swap3A_181], %swap3A_184 {strides = array<i32>} : memref<640xf32, #tpu.memory_space<vmem>>, vector<16xf32>,
    %broadcast_in_dim3A_185 = arith.constant 0.000000e+00 : f32
    %broadcast_in_dim3A_186 = vector.broadcast %broadcast_in_dim3A_185 : f32 to vector<16xf32>
    %swap3A_187 = arith.constant 368 : index
    %swap3A_188 = tpu.vector_load %arg6[%swap3A_187] {strides = array<i32>} : memref<640xf32, #tpu.memory_space<vmem>>, vector<16xf32>,
    %swap3A_189 = vector.shape_cast %swap3A_188 : vector<16xf32> to vector<16xf32>
    %swap3A_190 = vector.shape_cast %broadcast_in_dim3A_186 : vector<16xf32> to vector<16xf32>
    tpu.vector_store %arg6[%swap3A_187], %swap3A_190 {strides = array<i32>} : memref<640xf32, #tpu.memory_space<vmem>>, vector<16xf32>,
    %broadcast_in_dim3A_191 = arith.constant 0.000000e+00 : f32
    %broadcast_in_dim3A_192 = vector.broadcast %broadcast_in_dim3A_191 : f32 to vector<16xf32>
    %swap3A_193 = arith.constant 384 : index
    %swap3A_194 = tpu.vector_load %arg6[%swap3A_193] {strides = array<i32>} : memref<640xf32, #tpu.memory_space<vmem>>, vector<16xf32>,
    %swap3A_195 = vector.shape_cast %swap3A_194 : vector<16xf32> to vector<16xf32>
    %swap3A_196 = vector.shape_cast %broadcast_in_dim3A_192 : vector<16xf32> to vector<16xf32>
    tpu.vector_store %arg6[%swap3A_193], %swap3A_196 {strides = array<i32>} : memref<640xf32, #tpu.memory_space<vmem>>, vector<16xf32>,
    %broadcast_in_dim3A_197 = arith.constant 0.000000e+00 : f32
    %broadcast_in_dim3A_198 = vector.broadcast %broadcast_in_dim3A_197 : f32 to vector<16xf32>
    %swap3A_199 = arith.constant 400 : index
    %swap3A_200 = tpu.vector_load %arg6[%swap3A_199] {strides = array<i32>} : memref<640xf32, #tpu.memory_space<vmem>>, vector<16xf32>,
    %swap3A_201 = vector.shape_cast %swap3A_200 : vector<16xf32> to vector<16xf32>
    %swap3A_202 = vector.shape_cast %broadcast_in_dim3A_198 : vector<16xf32> to vector<16xf32>
    tpu.vector_store %arg6[%swap3A_199], %swap3A_202 {strides = array<i32>} : memref<640xf32, #tpu.memory_space<vmem>>, vector<16xf32>,
    %broadcast_in_dim3A_203 = arith.constant 0.000000e+00 : f32
    %broadcast_in_dim3A_204 = vector.broadcast %broadcast_in_dim3A_203 : f32 to vector<16xf32>
    %swap3A_205 = arith.constant 416 : index
    %swap3A_206 = tpu.vector_load %arg6[%swap3A_205] {strides = array<i32>} : memref<640xf32, #tpu.memory_space<vmem>>, vector<16xf32>,
    %swap3A_207 = vector.shape_cast %swap3A_206 : vector<16xf32> to vector<16xf32>
    %swap3A_208 = vector.shape_cast %broadcast_in_dim3A_204 : vector<16xf32> to vector<16xf32>
    tpu.vector_store %arg6[%swap3A_205], %swap3A_208 {strides = array<i32>} : memref<640xf32, #tpu.memory_space<vmem>>, vector<16xf32>,
    %broadcast_in_dim3A_209 = arith.constant 0.000000e+00 : f32
    %broadcast_in_dim3A_210 = vector.broadcast %broadcast_in_dim3A_209 : f32 to vector<16xf32>
    %swap3A_211 = arith.constant 432 : index
    %swap3A_212 = tpu.vector_load %arg6[%swap3A_211] {strides = array<i32>} : memref<640xf32, #tpu.memory_space<vmem>>, vector<16xf32>,
    %swap3A_213 = vector.shape_cast %swap3A_212 : vector<16xf32> to vector<16xf32>
    %swap3A_214 = vector.shape_cast %broadcast_in_dim3A_210 : vector<16xf32> to vector<16xf32>
    tpu.vector_store %arg6[%swap3A_211], %swap3A_214 {strides = array<i32>} : memref<640xf32, #tpu.memory_space<vmem>>, vector<16xf32>,
    %broadcast_in_dim3A_215 = arith.constant 0.000000e+00 : f32
    %broadcast_in_dim3A_216 = vector.broadcast %broadcast_in_dim3A_215 : f32 to vector<16xf32>
    %swap3A_217 = arith.constant 448 : index
    %swap3A_218 = tpu.vector_load %arg6[%swap3A_217] {strides = array<i32>} : memref<640xf32, #tpu.memory_space<vmem>>, vector<16xf32>,
    %swap3A_219 = vector.shape_cast %swap3A_218 : vector<16xf32> to vector<16xf32>
    %swap3A_220 = vector.shape_cast %broadcast_in_dim3A_216 : vector<16xf32> to vector<16xf32>
    tpu.vector_store %arg6[%swap3A_217], %swap3A_220 {strides = array<i32>} : memref<640xf32, #tpu.memory_space<vmem>>, vector<16xf32>,
    %broadcast_in_dim3A_221 = arith.constant 0.000000e+00 : f32
    %broadcast_in_dim3A_222 = vector.broadcast %broadcast_in_dim3A_221 : f32 to vector<16xf32>
    %swap3A_223 = arith.constant 464 : index
    %swap3A_224 = tpu.vector_load %arg6[%swap3A_223] {strides = array<i32>} : memref<640xf32, #tpu.memory_space<vmem>>, vector<16xf32>,
    %swap3A_225 = vector.shape_cast %swap3A_224 : vector<16xf32> to vector<16xf32>
    %swap3A_226 = vector.shape_cast %broadcast_in_dim3A_222 : vector<16xf32> to vector<16xf32>
    tpu.vector_store %arg6[%swap3A_223], %swap3A_226 {strides = array<i32>} : memref<640xf32, #tpu.memory_space<vmem>>, vector<16xf32>,
    %broadcast_in_dim3A_227 = arith.constant 0.000000e+00 : f32
    %broadcast_in_dim3A_228 = vector.broadcast %broadcast_in_dim3A_227 : f32 to vector<16xf32>
    %swap3A_229 = arith.constant 480 : index
    %swap3A_230 = tpu.vector_load %arg6[%swap3A_229] {strides = array<i32>} : memref<640xf32, #tpu.memory_space<vmem>>, vector<16xf32>,
    %swap3A_231 = vector.shape_cast %swap3A_230 : vector<16xf32> to vector<16xf32>
    %swap3A_232 = vector.shape_cast %broadcast_in_dim3A_228 : vector<16xf32> to vector<16xf32>
    tpu.vector_store %arg6[%swap3A_229], %swap3A_232 {strides = array<i32>} : memref<640xf32, #tpu.memory_space<vmem>>, vector<16xf32>,
    %broadcast_in_dim3A_233 = arith.constant 0.000000e+00 : f32
    %broadcast_in_dim3A_234 = vector.broadcast %broadcast_in_dim3A_233 : f32 to vector<16xf32>
    %swap3A_235 = arith.constant 496 : index
    %swap3A_236 = tpu.vector_load %arg6[%swap3A_235] {strides = array<i32>} : memref<640xf32, #tpu.memory_space<vmem>>, vector<16xf32>,
    %swap3A_237 = vector.shape_cast %swap3A_236 : vector<16xf32> to vector<16xf32>
    %swap3A_238 = vector.shape_cast %broadcast_in_dim3A_234 : vector<16xf32> to vector<16xf32>
    tpu.vector_store %arg6[%swap3A_235], %swap3A_238 {strides = array<i32>} : memref<640xf32, #tpu.memory_space<vmem>>, vector<16xf32>,
    %broadcast_in_dim3A_239 = arith.constant 0.000000e+00 : f32
    %broadcast_in_dim3A_240 = vector.broadcast %broadcast_in_dim3A_239 : f32 to vector<16xf32>
    %swap3A_241 = arith.constant 512 : index
    %swap3A_242 = tpu.vector_load %arg6[%swap3A_241] {strides = array<i32>} : memref<640xf32, #tpu.memory_space<vmem>>, vector<16xf32>,
    %swap3A_243 = vector.shape_cast %swap3A_242 : vector<16xf32> to vector<16xf32>
    %swap3A_244 = vector.shape_cast %broadcast_in_dim3A_240 : vector<16xf32> to vector<16xf32>
    tpu.vector_store %arg6[%swap3A_241], %swap3A_244 {strides = array<i32>} : memref<640xf32, #tpu.memory_space<vmem>>, vector<16xf32>,
    %broadcast_in_dim3A_245 = arith.constant 0.000000e+00 : f32
    %broadcast_in_dim3A_246 = vector.broadcast %broadcast_in_dim3A_245 : f32 to vector<16xf32>
    %swap3A_247 = arith.constant 528 : index
    %swap3A_248 = tpu.vector_load %arg6[%swap3A_247] {strides = array<i32>} : memref<640xf32, #tpu.memory_space<vmem>>, vector<16xf32>,
    %swap3A_249 = vector.shape_cast %swap3A_248 : vector<16xf32> to vector<16xf32>
    %swap3A_250 = vector.shape_cast %broadcast_in_dim3A_246 : vector<16xf32> to vector<16xf32>
    tpu.vector_store %arg6[%swap3A_247], %swap3A_250 {strides = array<i32>} : memref<640xf32, #tpu.memory_space<vmem>>, vector<16xf32>,
    %broadcast_in_dim3A_251 = arith.constant 0.000000e+00 : f32
    %broadcast_in_dim3A_252 = vector.broadcast %broadcast_in_dim3A_251 : f32 to vector<16xf32>
    %swap3A_253 = arith.constant 544 : index
    %swap3A_254 = tpu.vector_load %arg6[%swap3A_253] {strides = array<i32>} : memref<640xf32, #tpu.memory_space<vmem>>, vector<16xf32>,
    %swap3A_255 = vector.shape_cast %swap3A_254 : vector<16xf32> to vector<16xf32>
    %swap3A_256 = vector.shape_cast %broadcast_in_dim3A_252 : vector<16xf32> to vector<16xf32>
    tpu.vector_store %arg6[%swap3A_253], %swap3A_256 {strides = array<i32>} : memref<640xf32, #tpu.memory_space<vmem>>, vector<16xf32>,
    %broadcast_in_dim3A_257 = arith.constant 0.000000e+00 : f32
    %broadcast_in_dim3A_258 = vector.broadcast %broadcast_in_dim3A_257 : f32 to vector<16xf32>
    %swap3A_259 = arith.constant 560 : index
    %swap3A_260 = tpu.vector_load %arg6[%swap3A_259] {strides = array<i32>} : memref<640xf32, #tpu.memory_space<vmem>>, vector<16xf32>,
    %swap3A_261 = vector.shape_cast %swap3A_260 : vector<16xf32> to vector<16xf32>
    %swap3A_262 = vector.shape_cast %broadcast_in_dim3A_258 : vector<16xf32> to vector<16xf32>
    tpu.vector_store %arg6[%swap3A_259], %swap3A_262 {strides = array<i32>} : memref<640xf32, #tpu.memory_space<vmem>>, vector<16xf32>,
    %broadcast_in_dim3A_263 = arith.constant 0.000000e+00 : f32
    %broadcast_in_dim3A_264 = vector.broadcast %broadcast_in_dim3A_263 : f32 to vector<16xf32>
    %swap3A_265 = arith.constant 576 : index
    %swap3A_266 = tpu.vector_load %arg6[%swap3A_265] {strides = array<i32>} : memref<640xf32, #tpu.memory_space<vmem>>, vector<16xf32>,
    %swap3A_267 = vector.shape_cast %swap3A_266 : vector<16xf32> to vector<16xf32>
    %swap3A_268 = vector.shape_cast %broadcast_in_dim3A_264 : vector<16xf32> to vector<16xf32>
    tpu.vector_store %arg6[%swap3A_265], %swap3A_268 {strides = array<i32>} : memref<640xf32, #tpu.memory_space<vmem>>, vector<16xf32>,
    %broadcast_in_dim3A_269 = arith.constant 0.000000e+00 : f32
    %broadcast_in_dim3A_270 = vector.broadcast %broadcast_in_dim3A_269 : f32 to vector<16xf32>
    %swap3A_271 = arith.constant 592 : index
    %swap3A_272 = tpu.vector_load %arg6[%swap3A_271] {strides = array<i32>} : memref<640xf32, #tpu.memory_space<vmem>>, vector<16xf32>,
    %swap3A_273 = vector.shape_cast %swap3A_272 : vector<16xf32> to vector<16xf32>
    %swap3A_274 = vector.shape_cast %broadcast_in_dim3A_270 : vector<16xf32> to vector<16xf32>
    tpu.vector_store %arg6[%swap3A_271], %swap3A_274 {strides = array<i32>} : memref<640xf32, #tpu.memory_space<vmem>>, vector<16xf32>,
    %broadcast_in_dim3A_275 = arith.constant 0.000000e+00 : f32
    %broadcast_in_dim3A_276 = vector.broadcast %broadcast_in_dim3A_275 : f32 to vector<16xf32>
    %swap3A_277 = arith.constant 608 : index
    %swap3A_278 = tpu.vector_load %arg6[%swap3A_277] {strides = array<i32>} : memref<640xf32, #tpu.memory_space<vmem>>, vector<16xf32>,
    %swap3A_279 = vector.shape_cast %swap3A_278 : vector<16xf32> to vector<16xf32>
    %swap3A_280 = vector.shape_cast %broadcast_in_dim3A_276 : vector<16xf32> to vector<16xf32>
    tpu.vector_store %arg6[%swap3A_277], %swap3A_280 {strides = array<i32>} : memref<640xf32, #tpu.memory_space<vmem>>, vector<16xf32>,
    %broadcast_in_dim3A_281 = arith.constant 0.000000e+00 : f32
    %broadcast_in_dim3A_282 = vector.broadcast %broadcast_in_dim3A_281 : f32 to vector<16xf32>
    %swap3A_283 = arith.constant 624 : index
    %swap3A_284 = tpu.vector_load %arg6[%swap3A_283] {strides = array<i32>} : memref<640xf32, #tpu.memory_space<vmem>>, vector<16xf32>,
    %swap3A_285 = vector.shape_cast %swap3A_284 : vector<16xf32> to vector<16xf32>
    %swap3A_286 = vector.shape_cast %broadcast_in_dim3A_282 : vector<16xf32> to vector<16xf32>
    tpu.vector_store %arg6[%swap3A_283], %swap3A_286 {strides = array<i32>} : memref<640xf32, #tpu.memory_space<vmem>>, vector<16xf32>,
    %mul3A_287 = arith.constant 640 : i32
    %mul3A_288 = arith.muli %arg1, %mul3A_287 : i32
    "tpu.region"() ({
      %run_scoped3A = tpu.sem_alloc : memref<!tpu.dma_semaphore, #tpu.memory_space<semaphore_mem>>
      %dma_start3A = tpu.memref_slice %arg7[%mul3A_288] : memref<10240xf32, #tpu.memory_space<vmem_shared>> -> memref<640xf32, #tpu.memory_space<vmem_shared>>
      %dma_start3A_302 = tpu.memref_slice %arg7[%mul3A_288] : memref<10240xf32, #tpu.memory_space<vmem_shared>> -> memref<640xf32, #tpu.memory_space<vmem_shared>>
      tpu.enqueue_dma source(%arg6 : memref<640xf32, #tpu.memory_space<vmem>>) target(%dma_start3A_302 : memref<640xf32, #tpu.memory_space<vmem_shared>>) target_semaphore(%run_scoped3A : memref<!tpu.dma_semaphore, #tpu.memory_space<semaphore_mem>>)
      %dma_wait3A = tpu.memref_slice %arg7[%mul3A_288] : memref<10240xf32, #tpu.memory_space<vmem_shared>> -> memref<640xf32, #tpu.memory_space<vmem_shared>>
      %dma_wait3A_303 = tpu.memref_slice %arg7[%mul3A_288] : memref<10240xf32, #tpu.memory_space<vmem_shared>> -> memref<640xf32, #tpu.memory_space<vmem_shared>>
      tpu.wait_dma2 semaphore(%run_scoped3A : memref<!tpu.dma_semaphore, #tpu.memory_space<semaphore_mem>>) src(%arg6 : memref<640xf32, #tpu.memory_space<vmem>>) dst(%dma_wait3A_303 : memref<640xf32, #tpu.memory_space<vmem_shared>>)
      tpu.yield
    }) : () -> ()
    "tpu.region"() ({
      %run_scoped3A = tpu.sem_alloc : memref<!tpu.dma_semaphore, #tpu.memory_space<semaphore_mem>>
      %dma_start3A = arith.constant 0 : i32
      %dma_start3A_302 = arith.constant 0 : i32
      %dma_start3A_303 = tpu.memref_slice %arg2[%add3A, %dma_start3A, %dma_start3A_302] : memref<32x80x128xi32, #tpu.memory_space<hbm>> -> memref<1x80x128xi32, #tpu.memory_space<hbm>>
      %dma_start3A_304 = tpu.memref_squeeze %dma_start3A_303 : memref<1x80x128xi32, #tpu.memory_space<hbm>> -> memref<80x128xi32, #tpu.memory_space<hbm>>
      %dma_start3A_305 = arith.constant 0 : i32
      %dma_start3A_306 = arith.constant 0 : i32
      %dma_start3A_307 = tpu.memref_slice %arg2[%add3A, %dma_start3A_305, %dma_start3A_306] : memref<32x80x128xi32, #tpu.memory_space<hbm>> -> memref<1x80x128xi32, #tpu.memory_space<hbm>>
      %dma_start3A_308 = tpu.memref_squeeze %dma_start3A_307 : memref<1x80x128xi32, #tpu.memory_space<hbm>> -> memref<80x128xi32, #tpu.memory_space<hbm>>
      tpu.enqueue_dma source(%dma_start3A_308 : memref<80x128xi32, #tpu.memory_space<hbm>>) target(%arg4 : memref<80x128xi32, #tpu.memory_space<vmem>>) target_semaphore(%run_scoped3A : memref<!tpu.dma_semaphore, #tpu.memory_space<semaphore_mem>>)
      %dma_wait3A = arith.constant 0 : i32
      %dma_wait3A_309 = arith.constant 0 : i32
      %dma_wait3A_310 = tpu.memref_slice %arg2[%add3A, %dma_wait3A, %dma_wait3A_309] : memref<32x80x128xi32, #tpu.memory_space<hbm>> -> memref<1x80x128xi32, #tpu.memory_space<hbm>>
      %dma_wait3A_311 = tpu.memref_squeeze %dma_wait3A_310 : memref<1x80x128xi32, #tpu.memory_space<hbm>> -> memref<80x128xi32, #tpu.memory_space<hbm>>
      %dma_wait3A_312 = arith.constant 0 : i32
      %dma_wait3A_313 = arith.constant 0 : i32
      %dma_wait3A_314 = tpu.memref_slice %arg2[%add3A, %dma_wait3A_312, %dma_wait3A_313] : memref<32x80x128xi32, #tpu.memory_space<hbm>> -> memref<1x80x128xi32, #tpu.memory_space<hbm>>
      %dma_wait3A_315 = tpu.memref_squeeze %dma_wait3A_314 : memref<1x80x128xi32, #tpu.memory_space<hbm>> -> memref<80x128xi32, #tpu.memory_space<hbm>>
      tpu.wait_dma2 semaphore(%run_scoped3A : memref<!tpu.dma_semaphore, #tpu.memory_space<semaphore_mem>>) src(%dma_wait3A_315 : memref<80x128xi32, #tpu.memory_space<hbm>>) dst(%arg4 : memref<80x128xi32, #tpu.memory_space<vmem>>)
      tpu.yield
    }) : () -> ()
    %barrier3A = arith.constant 0 : index
    tpu.barrier barrier_id(%barrier3A)
    %scan3A = arith.constant 0 : i32
    %scan3A_289 = arith.constant 0 : i32
    %scan3A_290 = arith.constant 80 : i32
    %scan3A_291 = arith.addi %scan3A_289, %scan3A_290 : i32
    %scan3A_292 = arith.constant 1 : i32
    scf.for %scan3A_302 = %scan3A_289 to %scan3A_291 step %scan3A_292  : i32 {
      "tpu.region"() ({
        %run_scoped3A = tpu.sem_alloc : memref<!tpu.dma_semaphore, #tpu.memory_space<semaphore_mem>>
        %dma_start3A = arith.constant 0 : i32
        %dma_start3A_303 = tpu.memref_slice %arg4[%scan3A_302, %dma_start3A] : memref<80x128xi32, #tpu.memory_space<vmem>> -> memref<1x128xi32, #tpu.memory_space<vmem>>
        %dma_start3A_304 = tpu.memref_squeeze %dma_start3A_303 : memref<1x128xi32, #tpu.memory_space<vmem>> -> memref<128xi32, #tpu.memory_space<vmem>>
        %dma_start3A_305 = arith.constant 0 : i32
        %dma_start3A_306 = tpu.memref_slice %arg7[%dma_start3A_305] : memref<10240xf32, #tpu.memory_space<vmem_shared>> -> memref<10240xf32, #tpu.memory_space<vmem_shared>>
        tpu.enqueue_indirect_dma source(%arg5 : memref<128xf32, #tpu.memory_space<vmem>>) target(%dma_start3A_306 : memref<10240xf32, #tpu.memory_space<vmem_shared>>) offsets(%dma_start3A_304 : memref<128xi32, #tpu.memory_space<vmem>>) semaphore(%run_scoped3A : memref<!tpu.dma_semaphore, #tpu.memory_space<semaphore_mem>>) {add = true}
        %dma_wait3A = arith.constant 0 : i32
        %dma_wait3A_307 = tpu.memref_slice %arg4[%scan3A_302, %dma_wait3A] : memref<80x128xi32, #tpu.memory_space<vmem>> -> memref<1x128xi32, #tpu.memory_space<vmem>>
        %dma_wait3A_308 = tpu.memref_squeeze %dma_wait3A_307 : memref<1x128xi32, #tpu.memory_space<vmem>> -> memref<128xi32, #tpu.memory_space<vmem>>
        %dma_wait3A_309 = arith.constant 0 : i32
        %dma_wait3A_310 = tpu.memref_slice %arg7[%dma_wait3A_309] : memref<10240xf32, #tpu.memory_space<vmem_shared>> -> memref<10240xf32, #tpu.memory_space<vmem_shared>>
        tpu.wait_indirect_dma semaphore(%run_scoped3A : memref<!tpu.dma_semaphore, #tpu.memory_space<semaphore_mem>>) src(%arg5 : memref<128xf32, #tpu.memory_space<vmem>>) dst(%dma_wait3A_310 : memref<10240xf32, #tpu.memory_space<vmem_shared>>)
        tpu.yield
      }) : () -> ()
    }
    %scan3A_293 = arith.constant 80 : i32
    %barrier3A_294 = arith.constant 0 : index
    tpu.barrier barrier_id(%barrier3A_294)
    %mul3A_295 = arith.constant 640 : i32
    %mul3A_296 = arith.muli %arg1, %mul3A_295 : i32
    %mul3A_297 = arith.constant 10240 : i32
    %mul3A_298 = arith.muli %arg0, %mul3A_297 : i32
    %mul3A_299 = arith.constant 640 : i32
    %mul3A_300 = arith.muli %arg1, %mul3A_299 : i32
    %add3A_301 = arith.addi %mul3A_298, %mul3A_300 : i32
    "tpu.region"() ({
      %run_scoped3A = tpu.sem_alloc : memref<!tpu.dma_semaphore, #tpu.memory_space<semaphore_mem>>
      %dma_start3A = tpu.memref_slice %arg3[%add3A_301] : memref<20480xf32, #tpu.memory_space<hbm>> -> memref<640xf32, #tpu.memory_space<hbm>>
      %dma_start3A_302 = tpu.memref_slice %arg7[%mul3A_296] : memref<10240xf32, #tpu.memory_space<vmem_shared>> -> memref<640xf32, #tpu.memory_space<vmem_shared>>
      tpu.enqueue_dma source(%dma_start3A_302 : memref<640xf32, #tpu.memory_space<vmem_shared>>) target(%dma_start3A : memref<640xf32, #tpu.memory_space<hbm>>) target_semaphore(%run_scoped3A : memref<!tpu.dma_semaphore, #tpu.memory_space<semaphore_mem>>)
      %dma_wait3A = tpu.memref_slice %arg3[%add3A_301] : memref<20480xf32, #tpu.memory_space<hbm>> -> memref<640xf32, #tpu.memory_space<hbm>>
      %dma_wait3A_303 = tpu.memref_slice %arg7[%mul3A_296] : memref<10240xf32, #tpu.memory_space<vmem_shared>> -> memref<640xf32, #tpu.memory_space<vmem_shared>>
      tpu.wait_dma2 semaphore(%run_scoped3A : memref<!tpu.dma_semaphore, #tpu.memory_space<semaphore_mem>>) src(%dma_wait3A_303 : memref<640xf32, #tpu.memory_space<vmem_shared>>) dst(%dma_wait3A : memref<640xf32, #tpu.memory_space<hbm>>)
      tpu.yield
    }) : () -> ()
    return
  }
}

#map = affine_map<(d0, d1) -> (0, 0)>
#map1 = affine_map<(d0, d1) -> (0, 0, 0)>
module attributes {stable_mosaic.version = 14 : i64} {
  func.func @_agg_body(%arg0: i32, %arg1: i32, %arg2: memref<10000x128xf32, #tpu.memory_space<hbm>>, %arg3: memref<2x2624x128xi32, #tpu.memory_space<hbm>>, %arg4: memref<2x10112x128xf32, #tpu.memory_space<hbm>>, %arg5: memref<64x128xi32, #tpu.memory_space<vmem>>, %arg6: memref<64x128xi32, #tpu.memory_space<vmem>>, %arg7: memref<128x128xf32, #tpu.memory_space<vmem>>, %arg8: memref<128x128xf32, #tpu.memory_space<vmem>>, %arg9: memref<10112x128xf32, #tpu.memory_space<vmem_shared>>, %arg10: memref<!tpu.dma_semaphore, #tpu.memory_space<semaphore_mem>>, %arg11: memref<!tpu.dma_semaphore, #tpu.memory_space<semaphore_mem>>, %arg12: memref<!tpu.dma_semaphore, #tpu.memory_space<semaphore_mem>>, %arg13: memref<!tpu.dma_semaphore, #tpu.memory_space<semaphore_mem>>) attributes {dimension_semantics = [#tpu.dimension_semantics<core_parallel>, #tpu.dimension_semantics<subcore_parallel>], iteration_bounds = array<i64: 2, 16>, scalar_prefetch = 0 : i64, scratch_operands = 9 : i64, tpu.core_type = #tpu.core_type<sc_vector_subcore>, window_params = [{transform_indices = #map}, {transform_indices = #map1}, {transform_indices = #map1}]} {
    %scan3A = arith.constant 0 : i32
    %scan3A_0 = arith.constant 0 : i32
    %scan3A_1 = arith.constant 128 : i32
    %scan3A_2 = arith.addi %scan3A_0, %scan3A_1 : i32
    %scan3A_3 = arith.constant 1 : i32
    scf.for %scan3A_66 = %scan3A_0 to %scan3A_2 step %scan3A_3  : i32 {
      %broadcast_in_dim3A = arith.constant 0.000000e+00 : f32
      %broadcast_in_dim3A_67 = vector.broadcast %broadcast_in_dim3A : f32 to vector<16xf32>
      %swap3A = arith.index_cast %scan3A_66 : i32 to index
      %swap3A_68 = arith.constant 0 : index
      %swap3A_69 = tpu.vector_load %arg7[%swap3A, %swap3A_68] {strides = array<i32>} : memref<128x128xf32, #tpu.memory_space<vmem>>, vector<1x16xf32>,
      %swap3A_70 = vector.shape_cast %swap3A_69 : vector<1x16xf32> to vector<16xf32>
      %swap3A_71 = vector.shape_cast %broadcast_in_dim3A_67 : vector<16xf32> to vector<1x16xf32>
      tpu.vector_store %arg7[%swap3A, %swap3A_68], %swap3A_71 {strides = array<i32>} : memref<128x128xf32, #tpu.memory_space<vmem>>, vector<1x16xf32>,
      %broadcast_in_dim3A_72 = arith.constant 0.000000e+00 : f32
      %broadcast_in_dim3A_73 = vector.broadcast %broadcast_in_dim3A_72 : f32 to vector<16xf32>
      %swap3A_74 = arith.index_cast %scan3A_66 : i32 to index
      %swap3A_75 = arith.constant 16 : index
      %swap3A_76 = tpu.vector_load %arg7[%swap3A_74, %swap3A_75] {strides = array<i32>} : memref<128x128xf32, #tpu.memory_space<vmem>>, vector<1x16xf32>,
      %swap3A_77 = vector.shape_cast %swap3A_76 : vector<1x16xf32> to vector<16xf32>
      %swap3A_78 = vector.shape_cast %broadcast_in_dim3A_73 : vector<16xf32> to vector<1x16xf32>
      tpu.vector_store %arg7[%swap3A_74, %swap3A_75], %swap3A_78 {strides = array<i32>} : memref<128x128xf32, #tpu.memory_space<vmem>>, vector<1x16xf32>,
      %broadcast_in_dim3A_79 = arith.constant 0.000000e+00 : f32
      %broadcast_in_dim3A_80 = vector.broadcast %broadcast_in_dim3A_79 : f32 to vector<16xf32>
      %swap3A_81 = arith.index_cast %scan3A_66 : i32 to index
      %swap3A_82 = arith.constant 32 : index
      %swap3A_83 = tpu.vector_load %arg7[%swap3A_81, %swap3A_82] {strides = array<i32>} : memref<128x128xf32, #tpu.memory_space<vmem>>, vector<1x16xf32>,
      %swap3A_84 = vector.shape_cast %swap3A_83 : vector<1x16xf32> to vector<16xf32>
      %swap3A_85 = vector.shape_cast %broadcast_in_dim3A_80 : vector<16xf32> to vector<1x16xf32>
      tpu.vector_store %arg7[%swap3A_81, %swap3A_82], %swap3A_85 {strides = array<i32>} : memref<128x128xf32, #tpu.memory_space<vmem>>, vector<1x16xf32>,
      %broadcast_in_dim3A_86 = arith.constant 0.000000e+00 : f32
      %broadcast_in_dim3A_87 = vector.broadcast %broadcast_in_dim3A_86 : f32 to vector<16xf32>
      %swap3A_88 = arith.index_cast %scan3A_66 : i32 to index
      %swap3A_89 = arith.constant 48 : index
      %swap3A_90 = tpu.vector_load %arg7[%swap3A_88, %swap3A_89] {strides = array<i32>} : memref<128x128xf32, #tpu.memory_space<vmem>>, vector<1x16xf32>,
      %swap3A_91 = vector.shape_cast %swap3A_90 : vector<1x16xf32> to vector<16xf32>
      %swap3A_92 = vector.shape_cast %broadcast_in_dim3A_87 : vector<16xf32> to vector<1x16xf32>
      tpu.vector_store %arg7[%swap3A_88, %swap3A_89], %swap3A_92 {strides = array<i32>} : memref<128x128xf32, #tpu.memory_space<vmem>>, vector<1x16xf32>,
      %broadcast_in_dim3A_93 = arith.constant 0.000000e+00 : f32
      %broadcast_in_dim3A_94 = vector.broadcast %broadcast_in_dim3A_93 : f32 to vector<16xf32>
      %swap3A_95 = arith.index_cast %scan3A_66 : i32 to index
      %swap3A_96 = arith.constant 64 : index
      %swap3A_97 = tpu.vector_load %arg7[%swap3A_95, %swap3A_96] {strides = array<i32>} : memref<128x128xf32, #tpu.memory_space<vmem>>, vector<1x16xf32>,
      %swap3A_98 = vector.shape_cast %swap3A_97 : vector<1x16xf32> to vector<16xf32>
      %swap3A_99 = vector.shape_cast %broadcast_in_dim3A_94 : vector<16xf32> to vector<1x16xf32>
      tpu.vector_store %arg7[%swap3A_95, %swap3A_96], %swap3A_99 {strides = array<i32>} : memref<128x128xf32, #tpu.memory_space<vmem>>, vector<1x16xf32>,
      %broadcast_in_dim3A_100 = arith.constant 0.000000e+00 : f32
      %broadcast_in_dim3A_101 = vector.broadcast %broadcast_in_dim3A_100 : f32 to vector<16xf32>
      %swap3A_102 = arith.index_cast %scan3A_66 : i32 to index
      %swap3A_103 = arith.constant 80 : index
      %swap3A_104 = tpu.vector_load %arg7[%swap3A_102, %swap3A_103] {strides = array<i32>} : memref<128x128xf32, #tpu.memory_space<vmem>>, vector<1x16xf32>,
      %swap3A_105 = vector.shape_cast %swap3A_104 : vector<1x16xf32> to vector<16xf32>
      %swap3A_106 = vector.shape_cast %broadcast_in_dim3A_101 : vector<16xf32> to vector<1x16xf32>
      tpu.vector_store %arg7[%swap3A_102, %swap3A_103], %swap3A_106 {strides = array<i32>} : memref<128x128xf32, #tpu.memory_space<vmem>>, vector<1x16xf32>,
      %broadcast_in_dim3A_107 = arith.constant 0.000000e+00 : f32
      %broadcast_in_dim3A_108 = vector.broadcast %broadcast_in_dim3A_107 : f32 to vector<16xf32>
      %swap3A_109 = arith.index_cast %scan3A_66 : i32 to index
      %swap3A_110 = arith.constant 96 : index
      %swap3A_111 = tpu.vector_load %arg7[%swap3A_109, %swap3A_110] {strides = array<i32>} : memref<128x128xf32, #tpu.memory_space<vmem>>, vector<1x16xf32>,
      %swap3A_112 = vector.shape_cast %swap3A_111 : vector<1x16xf32> to vector<16xf32>
      %swap3A_113 = vector.shape_cast %broadcast_in_dim3A_108 : vector<16xf32> to vector<1x16xf32>
      tpu.vector_store %arg7[%swap3A_109, %swap3A_110], %swap3A_113 {strides = array<i32>} : memref<128x128xf32, #tpu.memory_space<vmem>>, vector<1x16xf32>,
      %broadcast_in_dim3A_114 = arith.constant 0.000000e+00 : f32
      %broadcast_in_dim3A_115 = vector.broadcast %broadcast_in_dim3A_114 : f32 to vector<16xf32>
      %swap3A_116 = arith.index_cast %scan3A_66 : i32 to index
      %swap3A_117 = arith.constant 112 : index
      %swap3A_118 = tpu.vector_load %arg7[%swap3A_116, %swap3A_117] {strides = array<i32>} : memref<128x128xf32, #tpu.memory_space<vmem>>, vector<1x16xf32>,
      %swap3A_119 = vector.shape_cast %swap3A_118 : vector<1x16xf32> to vector<16xf32>
      %swap3A_120 = vector.shape_cast %broadcast_in_dim3A_115 : vector<16xf32> to vector<1x16xf32>
      tpu.vector_store %arg7[%swap3A_116, %swap3A_117], %swap3A_120 {strides = array<i32>} : memref<128x128xf32, #tpu.memory_space<vmem>>, vector<1x16xf32>,
    }
    %scan3A_4 = arith.constant 128 : i32
    %mul3A = arith.constant 632 : i32
    %mul3A_5 = arith.muli %arg1, %mul3A : i32
    %add3A = arith.constant 0 : i32
    %add3A_6 = arith.addi %mul3A_5, %add3A : i32
    "tpu.region"() ({
      %run_scoped3A = tpu.sem_alloc : memref<!tpu.dma_semaphore, #tpu.memory_space<semaphore_mem>>
      %dma_start3A = arith.constant 0 : i32
      %dma_start3A_66 = tpu.memref_slice %arg9[%add3A_6, %dma_start3A] : memref<10112x128xf32, #tpu.memory_space<vmem_shared>> -> memref<128x128xf32, #tpu.memory_space<vmem_shared>>
      %dma_start3A_67 = arith.constant 0 : i32
      %dma_start3A_68 = tpu.memref_slice %arg9[%add3A_6, %dma_start3A_67] : memref<10112x128xf32, #tpu.memory_space<vmem_shared>> -> memref<128x128xf32, #tpu.memory_space<vmem_shared>>
      tpu.enqueue_dma source(%arg7 : memref<128x128xf32, #tpu.memory_space<vmem>>) target(%dma_start3A_68 : memref<128x128xf32, #tpu.memory_space<vmem_shared>>) target_semaphore(%run_scoped3A : memref<!tpu.dma_semaphore, #tpu.memory_space<semaphore_mem>>)
      %dma_wait3A = arith.constant 0 : i32
      %dma_wait3A_69 = tpu.memref_slice %arg9[%add3A_6, %dma_wait3A] : memref<10112x128xf32, #tpu.memory_space<vmem_shared>> -> memref<128x128xf32, #tpu.memory_space<vmem_shared>>
      %dma_wait3A_70 = arith.constant 0 : i32
      %dma_wait3A_71 = tpu.memref_slice %arg9[%add3A_6, %dma_wait3A_70] : memref<10112x128xf32, #tpu.memory_space<vmem_shared>> -> memref<128x128xf32, #tpu.memory_space<vmem_shared>>
      tpu.wait_dma2 semaphore(%run_scoped3A : memref<!tpu.dma_semaphore, #tpu.memory_space<semaphore_mem>>) src(%arg7 : memref<128x128xf32, #tpu.memory_space<vmem>>) dst(%dma_wait3A_71 : memref<128x128xf32, #tpu.memory_space<vmem_shared>>)
      tpu.yield
    }) : () -> ()
    %mul3A_7 = arith.constant 632 : i32
    %mul3A_8 = arith.muli %arg1, %mul3A_7 : i32
    %add3A_9 = arith.constant 128 : i32
    %add3A_10 = arith.addi %mul3A_8, %add3A_9 : i32
    "tpu.region"() ({
      %run_scoped3A = tpu.sem_alloc : memref<!tpu.dma_semaphore, #tpu.memory_space<semaphore_mem>>
      %dma_start3A = arith.constant 0 : i32
      %dma_start3A_66 = tpu.memref_slice %arg9[%add3A_10, %dma_start3A] : memref<10112x128xf32, #tpu.memory_space<vmem_shared>> -> memref<128x128xf32, #tpu.memory_space<vmem_shared>>
      %dma_start3A_67 = arith.constant 0 : i32
      %dma_start3A_68 = tpu.memref_slice %arg9[%add3A_10, %dma_start3A_67] : memref<10112x128xf32, #tpu.memory_space<vmem_shared>> -> memref<128x128xf32, #tpu.memory_space<vmem_shared>>
      tpu.enqueue_dma source(%arg7 : memref<128x128xf32, #tpu.memory_space<vmem>>) target(%dma_start3A_68 : memref<128x128xf32, #tpu.memory_space<vmem_shared>>) target_semaphore(%run_scoped3A : memref<!tpu.dma_semaphore, #tpu.memory_space<semaphore_mem>>)
      %dma_wait3A = arith.constant 0 : i32
      %dma_wait3A_69 = tpu.memref_slice %arg9[%add3A_10, %dma_wait3A] : memref<10112x128xf32, #tpu.memory_space<vmem_shared>> -> memref<128x128xf32, #tpu.memory_space<vmem_shared>>
      %dma_wait3A_70 = arith.constant 0 : i32
      %dma_wait3A_71 = tpu.memref_slice %arg9[%add3A_10, %dma_wait3A_70] : memref<10112x128xf32, #tpu.memory_space<vmem_shared>> -> memref<128x128xf32, #tpu.memory_space<vmem_shared>>
      tpu.wait_dma2 semaphore(%run_scoped3A : memref<!tpu.dma_semaphore, #tpu.memory_space<semaphore_mem>>) src(%arg7 : memref<128x128xf32, #tpu.memory_space<vmem>>) dst(%dma_wait3A_71 : memref<128x128xf32, #tpu.memory_space<vmem_shared>>)
      tpu.yield
    }) : () -> ()
    %mul3A_11 = arith.constant 632 : i32
    %mul3A_12 = arith.muli %arg1, %mul3A_11 : i32
    %add3A_13 = arith.constant 256 : i32
    %add3A_14 = arith.addi %mul3A_12, %add3A_13 : i32
    "tpu.region"() ({
      %run_scoped3A = tpu.sem_alloc : memref<!tpu.dma_semaphore, #tpu.memory_space<semaphore_mem>>
      %dma_start3A = arith.constant 0 : i32
      %dma_start3A_66 = tpu.memref_slice %arg9[%add3A_14, %dma_start3A] : memref<10112x128xf32, #tpu.memory_space<vmem_shared>> -> memref<128x128xf32, #tpu.memory_space<vmem_shared>>
      %dma_start3A_67 = arith.constant 0 : i32
      %dma_start3A_68 = tpu.memref_slice %arg9[%add3A_14, %dma_start3A_67] : memref<10112x128xf32, #tpu.memory_space<vmem_shared>> -> memref<128x128xf32, #tpu.memory_space<vmem_shared>>
      tpu.enqueue_dma source(%arg7 : memref<128x128xf32, #tpu.memory_space<vmem>>) target(%dma_start3A_68 : memref<128x128xf32, #tpu.memory_space<vmem_shared>>) target_semaphore(%run_scoped3A : memref<!tpu.dma_semaphore, #tpu.memory_space<semaphore_mem>>)
      %dma_wait3A = arith.constant 0 : i32
      %dma_wait3A_69 = tpu.memref_slice %arg9[%add3A_14, %dma_wait3A] : memref<10112x128xf32, #tpu.memory_space<vmem_shared>> -> memref<128x128xf32, #tpu.memory_space<vmem_shared>>
      %dma_wait3A_70 = arith.constant 0 : i32
      %dma_wait3A_71 = tpu.memref_slice %arg9[%add3A_14, %dma_wait3A_70] : memref<10112x128xf32, #tpu.memory_space<vmem_shared>> -> memref<128x128xf32, #tpu.memory_space<vmem_shared>>
      tpu.wait_dma2 semaphore(%run_scoped3A : memref<!tpu.dma_semaphore, #tpu.memory_space<semaphore_mem>>) src(%arg7 : memref<128x128xf32, #tpu.memory_space<vmem>>) dst(%dma_wait3A_71 : memref<128x128xf32, #tpu.memory_space<vmem_shared>>)
      tpu.yield
    }) : () -> ()
    %mul3A_15 = arith.constant 632 : i32
    %mul3A_16 = arith.muli %arg1, %mul3A_15 : i32
    %add3A_17 = arith.constant 384 : i32
    %add3A_18 = arith.addi %mul3A_16, %add3A_17 : i32
    "tpu.region"() ({
      %run_scoped3A = tpu.sem_alloc : memref<!tpu.dma_semaphore, #tpu.memory_space<semaphore_mem>>
      %dma_start3A = arith.constant 0 : i32
      %dma_start3A_66 = tpu.memref_slice %arg9[%add3A_18, %dma_start3A] : memref<10112x128xf32, #tpu.memory_space<vmem_shared>> -> memref<128x128xf32, #tpu.memory_space<vmem_shared>>
      %dma_start3A_67 = arith.constant 0 : i32
      %dma_start3A_68 = tpu.memref_slice %arg9[%add3A_18, %dma_start3A_67] : memref<10112x128xf32, #tpu.memory_space<vmem_shared>> -> memref<128x128xf32, #tpu.memory_space<vmem_shared>>
      tpu.enqueue_dma source(%arg7 : memref<128x128xf32, #tpu.memory_space<vmem>>) target(%dma_start3A_68 : memref<128x128xf32, #tpu.memory_space<vmem_shared>>) target_semaphore(%run_scoped3A : memref<!tpu.dma_semaphore, #tpu.memory_space<semaphore_mem>>)
      %dma_wait3A = arith.constant 0 : i32
      %dma_wait3A_69 = tpu.memref_slice %arg9[%add3A_18, %dma_wait3A] : memref<10112x128xf32, #tpu.memory_space<vmem_shared>> -> memref<128x128xf32, #tpu.memory_space<vmem_shared>>
      %dma_wait3A_70 = arith.constant 0 : i32
      %dma_wait3A_71 = tpu.memref_slice %arg9[%add3A_18, %dma_wait3A_70] : memref<10112x128xf32, #tpu.memory_space<vmem_shared>> -> memref<128x128xf32, #tpu.memory_space<vmem_shared>>
      tpu.wait_dma2 semaphore(%run_scoped3A : memref<!tpu.dma_semaphore, #tpu.memory_space<semaphore_mem>>) src(%arg7 : memref<128x128xf32, #tpu.memory_space<vmem>>) dst(%dma_wait3A_71 : memref<128x128xf32, #tpu.memory_space<vmem_shared>>)
      tpu.yield
    }) : () -> ()
    %mul3A_19 = arith.constant 632 : i32
    %mul3A_20 = arith.muli %arg1, %mul3A_19 : i32
    %add3A_21 = arith.constant 512 : i32
    %add3A_22 = arith.addi %mul3A_20, %add3A_21 : i32
    "tpu.region"() ({
      %run_scoped3A = tpu.sem_alloc : memref<!tpu.dma_semaphore, #tpu.memory_space<semaphore_mem>>
      %dma_start3A = arith.constant 0 : i32
      %dma_start3A_66 = arith.constant 0 : i32
      %dma_start3A_67 = tpu.memref_slice %arg7[%dma_start3A, %dma_start3A_66] : memref<128x128xf32, #tpu.memory_space<vmem>> -> memref<120x128xf32, #tpu.memory_space<vmem>>
      %dma_start3A_68 = arith.constant 0 : i32
      %dma_start3A_69 = tpu.memref_slice %arg9[%add3A_22, %dma_start3A_68] : memref<10112x128xf32, #tpu.memory_space<vmem_shared>> -> memref<120x128xf32, #tpu.memory_space<vmem_shared>>
      %dma_start3A_70 = arith.constant 0 : i32
      %dma_start3A_71 = tpu.memref_slice %arg9[%add3A_22, %dma_start3A_70] : memref<10112x128xf32, #tpu.memory_space<vmem_shared>> -> memref<120x128xf32, #tpu.memory_space<vmem_shared>>
      %dma_start3A_72 = arith.constant 0 : i32
      %dma_start3A_73 = arith.constant 0 : i32
      %dma_start3A_74 = tpu.memref_slice %arg7[%dma_start3A_72, %dma_start3A_73] : memref<128x128xf32, #tpu.memory_space<vmem>> -> memref<120x128xf32, #tpu.memory_space<vmem>>
      tpu.enqueue_dma source(%dma_start3A_74 : memref<120x128xf32, #tpu.memory_space<vmem>>) target(%dma_start3A_71 : memref<120x128xf32, #tpu.memory_space<vmem_shared>>) target_semaphore(%run_scoped3A : memref<!tpu.dma_semaphore, #tpu.memory_space<semaphore_mem>>)
      %dma_wait3A = arith.constant 0 : i32
      %dma_wait3A_75 = arith.constant 0 : i32
      %dma_wait3A_76 = tpu.memref_slice %arg7[%dma_wait3A, %dma_wait3A_75] : memref<128x128xf32, #tpu.memory_space<vmem>> -> memref<120x128xf32, #tpu.memory_space<vmem>>
      %dma_wait3A_77 = arith.constant 0 : i32
      %dma_wait3A_78 = tpu.memref_slice %arg9[%add3A_22, %dma_wait3A_77] : memref<10112x128xf32, #tpu.memory_space<vmem_shared>> -> memref<120x128xf32, #tpu.memory_space<vmem_shared>>
      %dma_wait3A_79 = arith.constant 0 : i32
      %dma_wait3A_80 = tpu.memref_slice %arg9[%add3A_22, %dma_wait3A_79] : memref<10112x128xf32, #tpu.memory_space<vmem_shared>> -> memref<120x128xf32, #tpu.memory_space<vmem_shared>>
      %dma_wait3A_81 = arith.constant 0 : i32
      %dma_wait3A_82 = arith.constant 0 : i32
      %dma_wait3A_83 = tpu.memref_slice %arg7[%dma_wait3A_81, %dma_wait3A_82] : memref<128x128xf32, #tpu.memory_space<vmem>> -> memref<120x128xf32, #tpu.memory_space<vmem>>
      tpu.wait_dma2 semaphore(%run_scoped3A : memref<!tpu.dma_semaphore, #tpu.memory_space<semaphore_mem>>) src(%dma_wait3A_83 : memref<120x128xf32, #tpu.memory_space<vmem>>) dst(%dma_wait3A_80 : memref<120x128xf32, #tpu.memory_space<vmem_shared>>)
      tpu.yield
    }) : () -> ()
    %barrier3A = arith.constant 0 : index
    tpu.barrier barrier_id(%barrier3A)
    %mul3A_23 = arith.constant 160 : i32
    %mul3A_24 = arith.muli %arg1, %mul3A_23 : i32
    %mul3A_25 = arith.constant 120 : i32
    %mul3A_26 = arith.muli %arg0, %mul3A_25 : i32
    %add3A_27 = arith.addi %mul3A_24, %mul3A_26 : i32
    %eq3A = arith.constant 0 : i32
    %eq3A_28 = arith.cmpi eq, %arg0, %eq3A : i32
    %jit3A = arith.constant 120 : i32
    %jit3A_29 = arith.constant 40 : i32
    %select_n3A = arith.select %eq3A_28, %jit3A, %jit3A_29 : i32
    %add3A_30 = arith.constant 64 : i32
    %add3A_31 = arith.addi %select_n3A, %add3A_30 : i32
    %sub3A = arith.constant 1 : i32
    %sub3A_32 = arith.subi %add3A_31, %sub3A : i32
    %jit3A_33 = arith.constant 64 : i32
    %div3A = arith.divsi %sub3A_32, %jit3A_33 : i32
    %sign3A = arith.constant 0 : i32
    %sign3A_34 = arith.cmpi sgt, %sub3A_32, %sign3A : i32
    %sign3A_35 = arith.extui %sign3A_34 : i1 to i32
    %sign3A_36 = arith.constant 0 : i32
    %sign3A_37 = arith.cmpi slt, %sub3A_32, %sign3A_36 : i32
    %sign3A_38 = arith.extui %sign3A_37 : i1 to i32
    %sign3A_39 = arith.subi %sign3A_35, %sign3A_38 : i32
    %sign3A_40 = arith.constant 0 : i32
    %sign3A_41 = arith.cmpi sgt, %jit3A_33, %sign3A_40 : i32
    %sign3A_42 = arith.extui %sign3A_41 : i1 to i32
    %sign3A_43 = arith.constant 0 : i32
    %sign3A_44 = arith.cmpi slt, %jit3A_33, %sign3A_43 : i32
    %sign3A_45 = arith.extui %sign3A_44 : i1 to i32
    %sign3A_46 = arith.subi %sign3A_42, %sign3A_45 : i32
    %ne3A = arith.cmpi ne, %sign3A_39, %sign3A_46 : i32
    %rem3A = arith.remsi %sub3A_32, %jit3A_33 : i32
    %ne3A_47 = arith.constant 0 : i32
    %ne3A_48 = arith.cmpi ne, %rem3A, %ne3A_47 : i32
    %and3A = arith.andi %ne3A, %ne3A_48 : i1
    %sub3A_49 = arith.constant 1 : i32
    %sub3A_50 = arith.subi %div3A, %sub3A_49 : i32
    %select_n3A_51 = arith.select %and3A, %sub3A_50, %div3A : i32
    %while3A = arith.constant 0 : i32
    %while3A_52 = arith.constant 0 : i32
    %while3A_53 = arith.subi %select_n3A_51, %while3A_52 : i32
    %while3A_54 = arith.addi %while3A_52, %while3A_53 : i32
    %while3A_55 = arith.constant 1 : i32
    %while3A_56 = arith.divsi %while3A_53, %while3A_55 : i32
    %while3A_57 = arith.muli %while3A_56, %while3A_55 : i32
    %while3A_58 = arith.addi %while3A_52, %while3A_57 : i32
    %while3A_59 = arith.constant 1 : i32
    scf.for %while3A_66 = %while3A_52 to %while3A_58 step %while3A_59  : i32 {
      %mul3A_67 = arith.constant 64 : i32
      %mul3A_68 = arith.muli %while3A_66, %mul3A_67 : i32
      %sub3A_69 = arith.subi %select_n3A, %mul3A_68 : i32
      %min3A = arith.constant 64 : i32
      %min3A_70 = arith.minsi %min3A, %sub3A_69 : i32
      %mul3A_71 = arith.constant 64 : i32
      %mul3A_72 = arith.muli %while3A_66, %mul3A_71 : i32
      %add3A_73 = arith.addi %add3A_27, %mul3A_72 : i32
      %run_scoped3A = arith.constant 0 : i32
      "tpu.region"() ({
        %run_scoped3A_151 = tpu.sem_alloc : memref<!tpu.dma_semaphore, #tpu.memory_space<semaphore_mem>>
        %dma_start3A_152 = arith.constant 0 : i32
        %dma_start3A_153 = tpu.memref_slice %arg3[%run_scoped3A, %add3A_73, %dma_start3A_152] : memref<2x2624x128xi32, #tpu.memory_space<hbm>> -> memref<1x64x128xi32, #tpu.memory_space<hbm>>
        %dma_start3A_154 = tpu.memref_squeeze %dma_start3A_153 : memref<1x64x128xi32, #tpu.memory_space<hbm>> -> memref<64x128xi32, #tpu.memory_space<hbm>>
        %dma_start3A_155 = arith.constant 0 : i32
        %dma_start3A_156 = tpu.memref_slice %arg3[%run_scoped3A, %add3A_73, %dma_start3A_155] : memref<2x2624x128xi32, #tpu.memory_space<hbm>> -> memref<1x64x128xi32, #tpu.memory_space<hbm>>
        %dma_start3A_157 = tpu.memref_squeeze %dma_start3A_156 : memref<1x64x128xi32, #tpu.memory_space<hbm>> -> memref<64x128xi32, #tpu.memory_space<hbm>>
        tpu.enqueue_dma source(%dma_start3A_157 : memref<64x128xi32, #tpu.memory_space<hbm>>) target(%arg5 : memref<64x128xi32, #tpu.memory_space<vmem>>) target_semaphore(%run_scoped3A_151 : memref<!tpu.dma_semaphore, #tpu.memory_space<semaphore_mem>>)
        %dma_wait3A = arith.constant 0 : i32
        %dma_wait3A_158 = tpu.memref_slice %arg3[%run_scoped3A, %add3A_73, %dma_wait3A] : memref<2x2624x128xi32, #tpu.memory_space<hbm>> -> memref<1x64x128xi32, #tpu.memory_space<hbm>>
        %dma_wait3A_159 = tpu.memref_squeeze %dma_wait3A_158 : memref<1x64x128xi32, #tpu.memory_space<hbm>> -> memref<64x128xi32, #tpu.memory_space<hbm>>
        %dma_wait3A_160 = arith.constant 0 : i32
        %dma_wait3A_161 = tpu.memref_slice %arg3[%run_scoped3A, %add3A_73, %dma_wait3A_160] : memref<2x2624x128xi32, #tpu.memory_space<hbm>> -> memref<1x64x128xi32, #tpu.memory_space<hbm>>
        %dma_wait3A_162 = tpu.memref_squeeze %dma_wait3A_161 : memref<1x64x128xi32, #tpu.memory_space<hbm>> -> memref<64x128xi32, #tpu.memory_space<hbm>>
        tpu.wait_dma2 semaphore(%run_scoped3A_151 : memref<!tpu.dma_semaphore, #tpu.memory_space<semaphore_mem>>) src(%dma_wait3A_162 : memref<64x128xi32, #tpu.memory_space<hbm>>) dst(%arg5 : memref<64x128xi32, #tpu.memory_space<vmem>>)
        tpu.yield
      }) : () -> ()
      %mul3A_74 = arith.constant 64 : i32
      %mul3A_75 = arith.muli %while3A_66, %mul3A_74 : i32
      %add3A_76 = arith.addi %add3A_27, %mul3A_75 : i32
      %run_scoped3A_77 = arith.constant 1 : i32
      "tpu.region"() ({
        %run_scoped3A_151 = tpu.sem_alloc : memref<!tpu.dma_semaphore, #tpu.memory_space<semaphore_mem>>
        %dma_start3A_152 = arith.constant 0 : i32
        %dma_start3A_153 = tpu.memref_slice %arg3[%run_scoped3A_77, %add3A_76, %dma_start3A_152] : memref<2x2624x128xi32, #tpu.memory_space<hbm>> -> memref<1x64x128xi32, #tpu.memory_space<hbm>>
        %dma_start3A_154 = tpu.memref_squeeze %dma_start3A_153 : memref<1x64x128xi32, #tpu.memory_space<hbm>> -> memref<64x128xi32, #tpu.memory_space<hbm>>
        %dma_start3A_155 = arith.constant 0 : i32
        %dma_start3A_156 = tpu.memref_slice %arg3[%run_scoped3A_77, %add3A_76, %dma_start3A_155] : memref<2x2624x128xi32, #tpu.memory_space<hbm>> -> memref<1x64x128xi32, #tpu.memory_space<hbm>>
        %dma_start3A_157 = tpu.memref_squeeze %dma_start3A_156 : memref<1x64x128xi32, #tpu.memory_space<hbm>> -> memref<64x128xi32, #tpu.memory_space<hbm>>
        tpu.enqueue_dma source(%dma_start3A_157 : memref<64x128xi32, #tpu.memory_space<hbm>>) target(%arg6 : memref<64x128xi32, #tpu.memory_space<vmem>>) target_semaphore(%run_scoped3A_151 : memref<!tpu.dma_semaphore, #tpu.memory_space<semaphore_mem>>)
        %dma_wait3A = arith.constant 0 : i32
        %dma_wait3A_158 = tpu.memref_slice %arg3[%run_scoped3A_77, %add3A_76, %dma_wait3A] : memref<2x2624x128xi32, #tpu.memory_space<hbm>> -> memref<1x64x128xi32, #tpu.memory_space<hbm>>
        %dma_wait3A_159 = tpu.memref_squeeze %dma_wait3A_158 : memref<1x64x128xi32, #tpu.memory_space<hbm>> -> memref<64x128xi32, #tpu.memory_space<hbm>>
        %dma_wait3A_160 = arith.constant 0 : i32
        %dma_wait3A_161 = tpu.memref_slice %arg3[%run_scoped3A_77, %add3A_76, %dma_wait3A_160] : memref<2x2624x128xi32, #tpu.memory_space<hbm>> -> memref<1x64x128xi32, #tpu.memory_space<hbm>>
        %dma_wait3A_162 = tpu.memref_squeeze %dma_wait3A_161 : memref<1x64x128xi32, #tpu.memory_space<hbm>> -> memref<64x128xi32, #tpu.memory_space<hbm>>
        tpu.wait_dma2 semaphore(%run_scoped3A_151 : memref<!tpu.dma_semaphore, #tpu.memory_space<semaphore_mem>>) src(%dma_wait3A_162 : memref<64x128xi32, #tpu.memory_space<hbm>>) dst(%arg6 : memref<64x128xi32, #tpu.memory_space<vmem>>)
        tpu.yield
      }) : () -> ()
      %dma_start3A = arith.constant 0 : i32
      %dma_start3A_78 = arith.constant 0 : i32
      %dma_start3A_79 = arith.constant 0 : i32
      %dma_start3A_80 = tpu.memref_slice %arg7[%dma_start3A_78, %dma_start3A_79] : memref<128x128xf32, #tpu.memory_space<vmem>> -> memref<64x128xf32, #tpu.memory_space<vmem>>
      %dma_start3A_81 = arith.constant 0 : i32
      %dma_start3A_82 = tpu.memref_slice %arg5[%dma_start3A, %dma_start3A_81] : memref<64x128xi32, #tpu.memory_space<vmem>> -> memref<1x64xi32, #tpu.memory_space<vmem>>
      %dma_start3A_83 = tpu.memref_squeeze %dma_start3A_82 : memref<1x64xi32, #tpu.memory_space<vmem>> -> memref<64xi32, #tpu.memory_space<vmem>>
      %dma_start3A_84 = arith.constant 0 : i32
      %dma_start3A_85 = arith.constant 0 : i32
      %dma_start3A_86 = tpu.memref_slice %arg2[%dma_start3A_84, %dma_start3A_85] : memref<10000x128xf32, #tpu.memory_space<hbm>> -> memref<10000x128xf32, #tpu.memory_space<hbm>>
      tpu.enqueue_indirect_dma source(%dma_start3A_86 : memref<10000x128xf32, #tpu.memory_space<hbm>>) target(%dma_start3A_80 : memref<64x128xf32, #tpu.memory_space<vmem>>) offsets(%dma_start3A_83 : memref<64xi32, #tpu.memory_space<vmem>>) semaphore(%arg10 : memref<!tpu.dma_semaphore, #tpu.memory_space<semaphore_mem>>)
      %dma_start3A_87 = arith.constant 0 : i32
      %dma_start3A_88 = arith.constant 64 : i32
      %dma_start3A_89 = arith.constant 0 : i32
      %dma_start3A_90 = tpu.memref_slice %arg7[%dma_start3A_88, %dma_start3A_89] : memref<128x128xf32, #tpu.memory_space<vmem>> -> memref<64x128xf32, #tpu.memory_space<vmem>>
      %dma_start3A_91 = arith.constant 64 : i32
      %dma_start3A_92 = tpu.memref_slice %arg5[%dma_start3A_87, %dma_start3A_91] : memref<64x128xi32, #tpu.memory_space<vmem>> -> memref<1x64xi32, #tpu.memory_space<vmem>>
      %dma_start3A_93 = tpu.memref_squeeze %dma_start3A_92 : memref<1x64xi32, #tpu.memory_space<vmem>> -> memref<64xi32, #tpu.memory_space<vmem>>
      %dma_start3A_94 = arith.constant 0 : i32
      %dma_start3A_95 = arith.constant 0 : i32
      %dma_start3A_96 = tpu.memref_slice %arg2[%dma_start3A_94, %dma_start3A_95] : memref<10000x128xf32, #tpu.memory_space<hbm>> -> memref<10000x128xf32, #tpu.memory_space<hbm>>
      tpu.enqueue_indirect_dma source(%dma_start3A_96 : memref<10000x128xf32, #tpu.memory_space<hbm>>) target(%dma_start3A_90 : memref<64x128xf32, #tpu.memory_space<vmem>>) offsets(%dma_start3A_93 : memref<64xi32, #tpu.memory_space<vmem>>) semaphore(%arg11 : memref<!tpu.dma_semaphore, #tpu.memory_space<semaphore_mem>>)
      %dma_start3A_97 = arith.constant 1 : i32
      %dma_start3A_98 = arith.constant 0 : i32
      %dma_start3A_99 = arith.constant 0 : i32
      %dma_start3A_100 = tpu.memref_slice %arg8[%dma_start3A_98, %dma_start3A_99] : memref<128x128xf32, #tpu.memory_space<vmem>> -> memref<64x128xf32, #tpu.memory_space<vmem>>
      %dma_start3A_101 = arith.constant 0 : i32
      %dma_start3A_102 = tpu.memref_slice %arg5[%dma_start3A_97, %dma_start3A_101] : memref<64x128xi32, #tpu.memory_space<vmem>> -> memref<1x64xi32, #tpu.memory_space<vmem>>
      %dma_start3A_103 = tpu.memref_squeeze %dma_start3A_102 : memref<1x64xi32, #tpu.memory_space<vmem>> -> memref<64xi32, #tpu.memory_space<vmem>>
      %dma_start3A_104 = arith.constant 0 : i32
      %dma_start3A_105 = arith.constant 0 : i32
      %dma_start3A_106 = tpu.memref_slice %arg2[%dma_start3A_104, %dma_start3A_105] : memref<10000x128xf32, #tpu.memory_space<hbm>> -> memref<10000x128xf32, #tpu.memory_space<hbm>>
      tpu.enqueue_indirect_dma source(%dma_start3A_106 : memref<10000x128xf32, #tpu.memory_space<hbm>>) target(%dma_start3A_100 : memref<64x128xf32, #tpu.memory_space<vmem>>) offsets(%dma_start3A_103 : memref<64xi32, #tpu.memory_space<vmem>>) semaphore(%arg12 : memref<!tpu.dma_semaphore, #tpu.memory_space<semaphore_mem>>)
      %dma_start3A_107 = arith.constant 1 : i32
      %dma_start3A_108 = arith.constant 64 : i32
      %dma_start3A_109 = arith.constant 0 : i32
      %dma_start3A_110 = tpu.memref_slice %arg8[%dma_start3A_108, %dma_start3A_109] : memref<128x128xf32, #tpu.memory_space<vmem>> -> memref<64x128xf32, #tpu.memory_space<vmem>>
      %dma_start3A_111 = arith.constant 64 : i32
      %dma_start3A_112 = tpu.memref_slice %arg5[%dma_start3A_107, %dma_start3A_111] : memref<64x128xi32, #tpu.memory_space<vmem>> -> memref<1x64xi32, #tpu.memory_space<vmem>>
      %dma_start3A_113 = tpu.memref_squeeze %dma_start3A_112 : memref<1x64xi32, #tpu.memory_space<vmem>> -> memref<64xi32, #tpu.memory_space<vmem>>
      %dma_start3A_114 = arith.constant 0 : i32
      %dma_start3A_115 = arith.constant 0 : i32
      %dma_start3A_116 = tpu.memref_slice %arg2[%dma_start3A_114, %dma_start3A_115] : memref<10000x128xf32, #tpu.memory_space<hbm>> -> memref<10000x128xf32, #tpu.memory_space<hbm>>
      tpu.enqueue_indirect_dma source(%dma_start3A_116 : memref<10000x128xf32, #tpu.memory_space<hbm>>) target(%dma_start3A_110 : memref<64x128xf32, #tpu.memory_space<vmem>>) offsets(%dma_start3A_113 : memref<64xi32, #tpu.memory_space<vmem>>) semaphore(%arg13 : memref<!tpu.dma_semaphore, #tpu.memory_space<semaphore_mem>>)
      %jit3A_117 = arith.constant 2 : i32
      %div3A_118 = arith.divsi %min3A_70, %jit3A_117 : i32
      %sign3A_119 = arith.constant 0 : i32
      %sign3A_120 = arith.cmpi sgt, %min3A_70, %sign3A_119 : i32
      %sign3A_121 = arith.extui %sign3A_120 : i1 to i32
      %sign3A_122 = arith.constant 0 : i32
      %sign3A_123 = arith.cmpi slt, %min3A_70, %sign3A_122 : i32
      %sign3A_124 = arith.extui %sign3A_123 : i1 to i32
      %sign3A_125 = arith.subi %sign3A_121, %sign3A_124 : i32
      %sign3A_126 = arith.constant 0 : i32
      %sign3A_127 = arith.cmpi sgt, %jit3A_117, %sign3A_126 : i32
      %sign3A_128 = arith.extui %sign3A_127 : i1 to i32
      %sign3A_129 = arith.constant 0 : i32
      %sign3A_130 = arith.cmpi slt, %jit3A_117, %sign3A_129 : i32
      %sign3A_131 = arith.extui %sign3A_130 : i1 to i32
      %sign3A_132 = arith.subi %sign3A_128, %sign3A_131 : i32
      %ne3A_133 = arith.cmpi ne, %sign3A_125, %sign3A_132 : i32
      %rem3A_134 = arith.remsi %min3A_70, %jit3A_117 : i32
      %ne3A_135 = arith.constant 0 : i32
      %ne3A_136 = arith.cmpi ne, %rem3A_134, %ne3A_135 : i32
      %and3A_137 = arith.andi %ne3A_133, %ne3A_136 : i1
      %sub3A_138 = arith.constant 1 : i32
      %sub3A_139 = arith.subi %div3A_118, %sub3A_138 : i32
      %select_n3A_140 = arith.select %and3A_137, %sub3A_139, %div3A_118 : i32
      %while3A_141 = arith.constant 0 : i32
      %while3A_142 = arith.constant 0 : i32
      %while3A_143 = arith.subi %select_n3A_140, %while3A_142 : i32
      %while3A_144 = arith.addi %while3A_142, %while3A_143 : i32
      %while3A_145 = arith.constant 1 : i32
      %while3A_146 = arith.divsi %while3A_143, %while3A_145 : i32
      %while3A_147 = arith.muli %while3A_146, %while3A_145 : i32
      %while3A_148 = arith.addi %while3A_142, %while3A_147 : i32
      %while3A_149 = arith.constant 1 : i32
      scf.for %while3A_151 = %while3A_142 to %while3A_148 step %while3A_149  : i32 {
        %mul3A_152 = arith.constant 2 : i32
        %mul3A_153 = arith.muli %mul3A_152, %while3A_151 : i32
        %add3A_154 = arith.constant 1 : i32
        %add3A_155 = arith.addi %mul3A_153, %add3A_154 : i32
        %dma_wait3A = arith.constant 0 : i32
        %dma_wait3A_156 = arith.constant 0 : i32
        %dma_wait3A_157 = tpu.memref_slice %arg7[%dma_wait3A, %dma_wait3A_156] : memref<128x128xf32, #tpu.memory_space<vmem>> -> memref<64x128xf32, #tpu.memory_space<vmem>>
        %dma_wait3A_158 = arith.constant 0 : i32
        %dma_wait3A_159 = tpu.memref_slice %arg5[%mul3A_153, %dma_wait3A_158] : memref<64x128xi32, #tpu.memory_space<vmem>> -> memref<1x64xi32, #tpu.memory_space<vmem>>
        %dma_wait3A_160 = tpu.memref_squeeze %dma_wait3A_159 : memref<1x64xi32, #tpu.memory_space<vmem>> -> memref<64xi32, #tpu.memory_space<vmem>>
        %dma_wait3A_161 = arith.constant 0 : i32
        %dma_wait3A_162 = arith.constant 0 : i32
        %dma_wait3A_163 = tpu.memref_slice %arg2[%dma_wait3A_161, %dma_wait3A_162] : memref<10000x128xf32, #tpu.memory_space<hbm>> -> memref<10000x128xf32, #tpu.memory_space<hbm>>
        tpu.wait_indirect_dma semaphore(%arg10 : memref<!tpu.dma_semaphore, #tpu.memory_space<semaphore_mem>>) src(%dma_wait3A_163 : memref<10000x128xf32, #tpu.memory_space<hbm>>) dst(%dma_wait3A_157 : memref<64x128xf32, #tpu.memory_space<vmem>>)
        %dma_wait3A_164 = arith.constant 64 : i32
        %dma_wait3A_165 = arith.constant 0 : i32
        %dma_wait3A_166 = tpu.memref_slice %arg7[%dma_wait3A_164, %dma_wait3A_165] : memref<128x128xf32, #tpu.memory_space<vmem>> -> memref<64x128xf32, #tpu.memory_space<vmem>>
        %dma_wait3A_167 = arith.constant 64 : i32
        %dma_wait3A_168 = tpu.memref_slice %arg5[%mul3A_153, %dma_wait3A_167] : memref<64x128xi32, #tpu.memory_space<vmem>> -> memref<1x64xi32, #tpu.memory_space<vmem>>
        %dma_wait3A_169 = tpu.memref_squeeze %dma_wait3A_168 : memref<1x64xi32, #tpu.memory_space<vmem>> -> memref<64xi32, #tpu.memory_space<vmem>>
        %dma_wait3A_170 = arith.constant 0 : i32
        %dma_wait3A_171 = arith.constant 0 : i32
        %dma_wait3A_172 = tpu.memref_slice %arg2[%dma_wait3A_170, %dma_wait3A_171] : memref<10000x128xf32, #tpu.memory_space<hbm>> -> memref<10000x128xf32, #tpu.memory_space<hbm>>
        tpu.wait_indirect_dma semaphore(%arg11 : memref<!tpu.dma_semaphore, #tpu.memory_space<semaphore_mem>>) src(%dma_wait3A_172 : memref<10000x128xf32, #tpu.memory_space<hbm>>) dst(%dma_wait3A_166 : memref<64x128xf32, #tpu.memory_space<vmem>>)
        "tpu.region"() ({
          %run_scoped3A_248 = tpu.sem_alloc : memref<!tpu.dma_semaphore, #tpu.memory_space<semaphore_mem>>
          %dma_start3A_249 = arith.constant 0 : i32
          %dma_start3A_250 = tpu.memref_slice %arg6[%mul3A_153, %dma_start3A_249] : memref<64x128xi32, #tpu.memory_space<vmem>> -> memref<1x128xi32, #tpu.memory_space<vmem>>
          %dma_start3A_251 = tpu.memref_squeeze %dma_start3A_250 : memref<1x128xi32, #tpu.memory_space<vmem>> -> memref<128xi32, #tpu.memory_space<vmem>>
          %dma_start3A_252 = arith.constant 0 : i32
          %dma_start3A_253 = arith.constant 0 : i32
          %dma_start3A_254 = tpu.memref_slice %arg9[%dma_start3A_252, %dma_start3A_253] : memref<10112x128xf32, #tpu.memory_space<vmem_shared>> -> memref<10112x128xf32, #tpu.memory_space<vmem_shared>>
          tpu.enqueue_indirect_dma source(%arg7 : memref<128x128xf32, #tpu.memory_space<vmem>>) target(%dma_start3A_254 : memref<10112x128xf32, #tpu.memory_space<vmem_shared>>) offsets(%dma_start3A_251 : memref<128xi32, #tpu.memory_space<vmem>>) semaphore(%run_scoped3A_248 : memref<!tpu.dma_semaphore, #tpu.memory_space<semaphore_mem>>) {add = true}
          %dma_wait3A_255 = arith.constant 0 : i32
          %dma_wait3A_256 = tpu.memref_slice %arg6[%mul3A_153, %dma_wait3A_255] : memref<64x128xi32, #tpu.memory_space<vmem>> -> memref<1x128xi32, #tpu.memory_space<vmem>>
          %dma_wait3A_257 = tpu.memref_squeeze %dma_wait3A_256 : memref<1x128xi32, #tpu.memory_space<vmem>> -> memref<128xi32, #tpu.memory_space<vmem>>
          %dma_wait3A_258 = arith.constant 0 : i32
          %dma_wait3A_259 = arith.constant 0 : i32
          %dma_wait3A_260 = tpu.memref_slice %arg9[%dma_wait3A_258, %dma_wait3A_259] : memref<10112x128xf32, #tpu.memory_space<vmem_shared>> -> memref<10112x128xf32, #tpu.memory_space<vmem_shared>>
          tpu.wait_indirect_dma semaphore(%run_scoped3A_248 : memref<!tpu.dma_semaphore, #tpu.memory_space<semaphore_mem>>) src(%arg7 : memref<128x128xf32, #tpu.memory_space<vmem>>) dst(%dma_wait3A_260 : memref<10112x128xf32, #tpu.memory_space<vmem_shared>>)
          tpu.yield
        }) : () -> ()
        %jit3A_173 = arith.constant 2 : i32
        %div3A_174 = arith.divsi %min3A_70, %jit3A_173 : i32
        %sign3A_175 = arith.constant 0 : i32
        %sign3A_176 = arith.cmpi sgt, %min3A_70, %sign3A_175 : i32
        %sign3A_177 = arith.extui %sign3A_176 : i1 to i32
        %sign3A_178 = arith.constant 0 : i32
        %sign3A_179 = arith.cmpi slt, %min3A_70, %sign3A_178 : i32
        %sign3A_180 = arith.extui %sign3A_179 : i1 to i32
        %sign3A_181 = arith.subi %sign3A_177, %sign3A_180 : i32
        %sign3A_182 = arith.constant 0 : i32
        %sign3A_183 = arith.cmpi sgt, %jit3A_173, %sign3A_182 : i32
        %sign3A_184 = arith.extui %sign3A_183 : i1 to i32
        %sign3A_185 = arith.constant 0 : i32
        %sign3A_186 = arith.cmpi slt, %jit3A_173, %sign3A_185 : i32
        %sign3A_187 = arith.extui %sign3A_186 : i1 to i32
        %sign3A_188 = arith.subi %sign3A_184, %sign3A_187 : i32
        %ne3A_189 = arith.cmpi ne, %sign3A_181, %sign3A_188 : i32
        %rem3A_190 = arith.remsi %min3A_70, %jit3A_173 : i32
        %ne3A_191 = arith.constant 0 : i32
        %ne3A_192 = arith.cmpi ne, %rem3A_190, %ne3A_191 : i32
        %and3A_193 = arith.andi %ne3A_189, %ne3A_192 : i1
        %sub3A_194 = arith.constant 1 : i32
        %sub3A_195 = arith.subi %div3A_174, %sub3A_194 : i32
        %select_n3A_196 = arith.select %and3A_193, %sub3A_195, %div3A_174 : i32
        %sub3A_197 = arith.constant 1 : i32
        %sub3A_198 = arith.subi %select_n3A_196, %sub3A_197 : i32
        %lt3A = arith.cmpi slt, %while3A_151, %sub3A_198 : i32
        %convert_element_type3A = arith.extui %lt3A : i1 to i32
        %cond3A = arith.constant 0 : i32
        %cond3A_199 = arith.cmpi ne, %convert_element_type3A, %cond3A : i32
        scf.if %cond3A_199 {
          %add3A_248 = arith.constant 2 : i32
          %add3A_249 = arith.addi %mul3A_153, %add3A_248 : i32
          %dma_start3A_250 = arith.constant 0 : i32
          %dma_start3A_251 = arith.constant 0 : i32
          %dma_start3A_252 = tpu.memref_slice %arg7[%dma_start3A_250, %dma_start3A_251] : memref<128x128xf32, #tpu.memory_space<vmem>> -> memref<64x128xf32, #tpu.memory_space<vmem>>
          %dma_start3A_253 = arith.constant 0 : i32
          %dma_start3A_254 = tpu.memref_slice %arg5[%add3A_249, %dma_start3A_253] : memref<64x128xi32, #tpu.memory_space<vmem>> -> memref<1x64xi32, #tpu.memory_space<vmem>>
          %dma_start3A_255 = tpu.memref_squeeze %dma_start3A_254 : memref<1x64xi32, #tpu.memory_space<vmem>> -> memref<64xi32, #tpu.memory_space<vmem>>
          %dma_start3A_256 = arith.constant 0 : i32
          %dma_start3A_257 = arith.constant 0 : i32
          %dma_start3A_258 = tpu.memref_slice %arg2[%dma_start3A_256, %dma_start3A_257] : memref<10000x128xf32, #tpu.memory_space<hbm>> -> memref<10000x128xf32, #tpu.memory_space<hbm>>
          tpu.enqueue_indirect_dma source(%dma_start3A_258 : memref<10000x128xf32, #tpu.memory_space<hbm>>) target(%dma_start3A_252 : memref<64x128xf32, #tpu.memory_space<vmem>>) offsets(%dma_start3A_255 : memref<64xi32, #tpu.memory_space<vmem>>) semaphore(%arg10 : memref<!tpu.dma_semaphore, #tpu.memory_space<semaphore_mem>>)
          %add3A_259 = arith.constant 2 : i32
          %add3A_260 = arith.addi %mul3A_153, %add3A_259 : i32
          %dma_start3A_261 = arith.constant 64 : i32
          %dma_start3A_262 = arith.constant 0 : i32
          %dma_start3A_263 = tpu.memref_slice %arg7[%dma_start3A_261, %dma_start3A_262] : memref<128x128xf32, #tpu.memory_space<vmem>> -> memref<64x128xf32, #tpu.memory_space<vmem>>
          %dma_start3A_264 = arith.constant 64 : i32
          %dma_start3A_265 = tpu.memref_slice %arg5[%add3A_260, %dma_start3A_264] : memref<64x128xi32, #tpu.memory_space<vmem>> -> memref<1x64xi32, #tpu.memory_space<vmem>>
          %dma_start3A_266 = tpu.memref_squeeze %dma_start3A_265 : memref<1x64xi32, #tpu.memory_space<vmem>> -> memref<64xi32, #tpu.memory_space<vmem>>
          %dma_start3A_267 = arith.constant 0 : i32
          %dma_start3A_268 = arith.constant 0 : i32
          %dma_start3A_269 = tpu.memref_slice %arg2[%dma_start3A_267, %dma_start3A_268] : memref<10000x128xf32, #tpu.memory_space<hbm>> -> memref<10000x128xf32, #tpu.memory_space<hbm>>
          tpu.enqueue_indirect_dma source(%dma_start3A_269 : memref<10000x128xf32, #tpu.memory_space<hbm>>) target(%dma_start3A_263 : memref<64x128xf32, #tpu.memory_space<vmem>>) offsets(%dma_start3A_266 : memref<64xi32, #tpu.memory_space<vmem>>) semaphore(%arg11 : memref<!tpu.dma_semaphore, #tpu.memory_space<semaphore_mem>>)
        } else {
        }
        %dma_wait3A_200 = arith.constant 0 : i32
        %dma_wait3A_201 = arith.constant 0 : i32
        %dma_wait3A_202 = tpu.memref_slice %arg8[%dma_wait3A_200, %dma_wait3A_201] : memref<128x128xf32, #tpu.memory_space<vmem>> -> memref<64x128xf32, #tpu.memory_space<vmem>>
        %dma_wait3A_203 = arith.constant 0 : i32
        %dma_wait3A_204 = tpu.memref_slice %arg5[%add3A_155, %dma_wait3A_203] : memref<64x128xi32, #tpu.memory_space<vmem>> -> memref<1x64xi32, #tpu.memory_space<vmem>>
        %dma_wait3A_205 = tpu.memref_squeeze %dma_wait3A_204 : memref<1x64xi32, #tpu.memory_space<vmem>> -> memref<64xi32, #tpu.memory_space<vmem>>
        %dma_wait3A_206 = arith.constant 0 : i32
        %dma_wait3A_207 = arith.constant 0 : i32
        %dma_wait3A_208 = tpu.memref_slice %arg2[%dma_wait3A_206, %dma_wait3A_207] : memref<10000x128xf32, #tpu.memory_space<hbm>> -> memref<10000x128xf32, #tpu.memory_space<hbm>>
        tpu.wait_indirect_dma semaphore(%arg12 : memref<!tpu.dma_semaphore, #tpu.memory_space<semaphore_mem>>) src(%dma_wait3A_208 : memref<10000x128xf32, #tpu.memory_space<hbm>>) dst(%dma_wait3A_202 : memref<64x128xf32, #tpu.memory_space<vmem>>)
        %dma_wait3A_209 = arith.constant 64 : i32
        %dma_wait3A_210 = arith.constant 0 : i32
        %dma_wait3A_211 = tpu.memref_slice %arg8[%dma_wait3A_209, %dma_wait3A_210] : memref<128x128xf32, #tpu.memory_space<vmem>> -> memref<64x128xf32, #tpu.memory_space<vmem>>
        %dma_wait3A_212 = arith.constant 64 : i32
        %dma_wait3A_213 = tpu.memref_slice %arg5[%add3A_155, %dma_wait3A_212] : memref<64x128xi32, #tpu.memory_space<vmem>> -> memref<1x64xi32, #tpu.memory_space<vmem>>
        %dma_wait3A_214 = tpu.memref_squeeze %dma_wait3A_213 : memref<1x64xi32, #tpu.memory_space<vmem>> -> memref<64xi32, #tpu.memory_space<vmem>>
        %dma_wait3A_215 = arith.constant 0 : i32
        %dma_wait3A_216 = arith.constant 0 : i32
        %dma_wait3A_217 = tpu.memref_slice %arg2[%dma_wait3A_215, %dma_wait3A_216] : memref<10000x128xf32, #tpu.memory_space<hbm>> -> memref<10000x128xf32, #tpu.memory_space<hbm>>
        tpu.wait_indirect_dma semaphore(%arg13 : memref<!tpu.dma_semaphore, #tpu.memory_space<semaphore_mem>>) src(%dma_wait3A_217 : memref<10000x128xf32, #tpu.memory_space<hbm>>) dst(%dma_wait3A_211 : memref<64x128xf32, #tpu.memory_space<vmem>>)
        "tpu.region"() ({
          %run_scoped3A_248 = tpu.sem_alloc : memref<!tpu.dma_semaphore, #tpu.memory_space<semaphore_mem>>
          %dma_start3A_249 = arith.constant 0 : i32
          %dma_start3A_250 = tpu.memref_slice %arg6[%add3A_155, %dma_start3A_249] : memref<64x128xi32, #tpu.memory_space<vmem>> -> memref<1x128xi32, #tpu.memory_space<vmem>>
          %dma_start3A_251 = tpu.memref_squeeze %dma_start3A_250 : memref<1x128xi32, #tpu.memory_space<vmem>> -> memref<128xi32, #tpu.memory_space<vmem>>
          %dma_start3A_252 = arith.constant 0 : i32
          %dma_start3A_253 = arith.constant 0 : i32
          %dma_start3A_254 = tpu.memref_slice %arg9[%dma_start3A_252, %dma_start3A_253] : memref<10112x128xf32, #tpu.memory_space<vmem_shared>> -> memref<10112x128xf32, #tpu.memory_space<vmem_shared>>
          tpu.enqueue_indirect_dma source(%arg8 : memref<128x128xf32, #tpu.memory_space<vmem>>) target(%dma_start3A_254 : memref<10112x128xf32, #tpu.memory_space<vmem_shared>>) offsets(%dma_start3A_251 : memref<128xi32, #tpu.memory_space<vmem>>) semaphore(%run_scoped3A_248 : memref<!tpu.dma_semaphore, #tpu.memory_space<semaphore_mem>>) {add = true}
          %dma_wait3A_255 = arith.constant 0 : i32
          %dma_wait3A_256 = tpu.memref_slice %arg6[%add3A_155, %dma_wait3A_255] : memref<64x128xi32, #tpu.memory_space<vmem>> -> memref<1x128xi32, #tpu.memory_space<vmem>>
          %dma_wait3A_257 = tpu.memref_squeeze %dma_wait3A_256 : memref<1x128xi32, #tpu.memory_space<vmem>> -> memref<128xi32, #tpu.memory_space<vmem>>
          %dma_wait3A_258 = arith.constant 0 : i32
          %dma_wait3A_259 = arith.constant 0 : i32
          %dma_wait3A_260 = tpu.memref_slice %arg9[%dma_wait3A_258, %dma_wait3A_259] : memref<10112x128xf32, #tpu.memory_space<vmem_shared>> -> memref<10112x128xf32, #tpu.memory_space<vmem_shared>>
          tpu.wait_indirect_dma semaphore(%run_scoped3A_248 : memref<!tpu.dma_semaphore, #tpu.memory_space<semaphore_mem>>) src(%arg8 : memref<128x128xf32, #tpu.memory_space<vmem>>) dst(%dma_wait3A_260 : memref<10112x128xf32, #tpu.memory_space<vmem_shared>>)
          tpu.yield
        }) : () -> ()
        %jit3A_218 = arith.constant 2 : i32
        %div3A_219 = arith.divsi %min3A_70, %jit3A_218 : i32
        %sign3A_220 = arith.constant 0 : i32
        %sign3A_221 = arith.cmpi sgt, %min3A_70, %sign3A_220 : i32
        %sign3A_222 = arith.extui %sign3A_221 : i1 to i32
        %sign3A_223 = arith.constant 0 : i32
        %sign3A_224 = arith.cmpi slt, %min3A_70, %sign3A_223 : i32
        %sign3A_225 = arith.extui %sign3A_224 : i1 to i32
        %sign3A_226 = arith.subi %sign3A_222, %sign3A_225 : i32
        %sign3A_227 = arith.constant 0 : i32
        %sign3A_228 = arith.cmpi sgt, %jit3A_218, %sign3A_227 : i32
        %sign3A_229 = arith.extui %sign3A_228 : i1 to i32
        %sign3A_230 = arith.constant 0 : i32
        %sign3A_231 = arith.cmpi slt, %jit3A_218, %sign3A_230 : i32
        %sign3A_232 = arith.extui %sign3A_231 : i1 to i32
        %sign3A_233 = arith.subi %sign3A_229, %sign3A_232 : i32
        %ne3A_234 = arith.cmpi ne, %sign3A_226, %sign3A_233 : i32
        %rem3A_235 = arith.remsi %min3A_70, %jit3A_218 : i32
        %ne3A_236 = arith.constant 0 : i32
        %ne3A_237 = arith.cmpi ne, %rem3A_235, %ne3A_236 : i32
        %and3A_238 = arith.andi %ne3A_234, %ne3A_237 : i1
        %sub3A_239 = arith.constant 1 : i32
        %sub3A_240 = arith.subi %div3A_219, %sub3A_239 : i32
        %select_n3A_241 = arith.select %and3A_238, %sub3A_240, %div3A_219 : i32
        %sub3A_242 = arith.constant 1 : i32
        %sub3A_243 = arith.subi %select_n3A_241, %sub3A_242 : i32
        %lt3A_244 = arith.cmpi slt, %while3A_151, %sub3A_243 : i32
        %convert_element_type3A_245 = arith.extui %lt3A_244 : i1 to i32
        %cond3A_246 = arith.constant 0 : i32
        %cond3A_247 = arith.cmpi ne, %convert_element_type3A_245, %cond3A_246 : i32
        scf.if %cond3A_247 {
          %add3A_248 = arith.constant 2 : i32
          %add3A_249 = arith.addi %add3A_155, %add3A_248 : i32
          %dma_start3A_250 = arith.constant 0 : i32
          %dma_start3A_251 = arith.constant 0 : i32
          %dma_start3A_252 = tpu.memref_slice %arg8[%dma_start3A_250, %dma_start3A_251] : memref<128x128xf32, #tpu.memory_space<vmem>> -> memref<64x128xf32, #tpu.memory_space<vmem>>
          %dma_start3A_253 = arith.constant 0 : i32
          %dma_start3A_254 = tpu.memref_slice %arg5[%add3A_249, %dma_start3A_253] : memref<64x128xi32, #tpu.memory_space<vmem>> -> memref<1x64xi32, #tpu.memory_space<vmem>>
          %dma_start3A_255 = tpu.memref_squeeze %dma_start3A_254 : memref<1x64xi32, #tpu.memory_space<vmem>> -> memref<64xi32, #tpu.memory_space<vmem>>
          %dma_start3A_256 = arith.constant 0 : i32
          %dma_start3A_257 = arith.constant 0 : i32
          %dma_start3A_258 = tpu.memref_slice %arg2[%dma_start3A_256, %dma_start3A_257] : memref<10000x128xf32, #tpu.memory_space<hbm>> -> memref<10000x128xf32, #tpu.memory_space<hbm>>
          tpu.enqueue_indirect_dma source(%dma_start3A_258 : memref<10000x128xf32, #tpu.memory_space<hbm>>) target(%dma_start3A_252 : memref<64x128xf32, #tpu.memory_space<vmem>>) offsets(%dma_start3A_255 : memref<64xi32, #tpu.memory_space<vmem>>) semaphore(%arg12 : memref<!tpu.dma_semaphore, #tpu.memory_space<semaphore_mem>>)
          %add3A_259 = arith.constant 2 : i32
          %add3A_260 = arith.addi %add3A_155, %add3A_259 : i32
          %dma_start3A_261 = arith.constant 64 : i32
          %dma_start3A_262 = arith.constant 0 : i32
          %dma_start3A_263 = tpu.memref_slice %arg8[%dma_start3A_261, %dma_start3A_262] : memref<128x128xf32, #tpu.memory_space<vmem>> -> memref<64x128xf32, #tpu.memory_space<vmem>>
          %dma_start3A_264 = arith.constant 64 : i32
          %dma_start3A_265 = tpu.memref_slice %arg5[%add3A_260, %dma_start3A_264] : memref<64x128xi32, #tpu.memory_space<vmem>> -> memref<1x64xi32, #tpu.memory_space<vmem>>
          %dma_start3A_266 = tpu.memref_squeeze %dma_start3A_265 : memref<1x64xi32, #tpu.memory_space<vmem>> -> memref<64xi32, #tpu.memory_space<vmem>>
          %dma_start3A_267 = arith.constant 0 : i32
          %dma_start3A_268 = arith.constant 0 : i32
          %dma_start3A_269 = tpu.memref_slice %arg2[%dma_start3A_267, %dma_start3A_268] : memref<10000x128xf32, #tpu.memory_space<hbm>> -> memref<10000x128xf32, #tpu.memory_space<hbm>>
          tpu.enqueue_indirect_dma source(%dma_start3A_269 : memref<10000x128xf32, #tpu.memory_space<hbm>>) target(%dma_start3A_263 : memref<64x128xf32, #tpu.memory_space<vmem>>) offsets(%dma_start3A_266 : memref<64xi32, #tpu.memory_space<vmem>>) semaphore(%arg13 : memref<!tpu.dma_semaphore, #tpu.memory_space<semaphore_mem>>)
        } else {
        }
      }
      %while3A_150 = arith.constant 1 : i32
      scf.for %while3A_151 = %while3A_148 to %while3A_144 step %while3A_150  : i32 {
        %mul3A_152 = arith.constant 2 : i32
        %mul3A_153 = arith.muli %mul3A_152, %while3A_151 : i32
        %add3A_154 = arith.constant 1 : i32
        %add3A_155 = arith.addi %mul3A_153, %add3A_154 : i32
        %dma_wait3A = arith.constant 0 : i32
        %dma_wait3A_156 = arith.constant 0 : i32
        %dma_wait3A_157 = tpu.memref_slice %arg7[%dma_wait3A, %dma_wait3A_156] : memref<128x128xf32, #tpu.memory_space<vmem>> -> memref<64x128xf32, #tpu.memory_space<vmem>>
        %dma_wait3A_158 = arith.constant 0 : i32
        %dma_wait3A_159 = tpu.memref_slice %arg5[%mul3A_153, %dma_wait3A_158] : memref<64x128xi32, #tpu.memory_space<vmem>> -> memref<1x64xi32, #tpu.memory_space<vmem>>
        %dma_wait3A_160 = tpu.memref_squeeze %dma_wait3A_159 : memref<1x64xi32, #tpu.memory_space<vmem>> -> memref<64xi32, #tpu.memory_space<vmem>>
        %dma_wait3A_161 = arith.constant 0 : i32
        %dma_wait3A_162 = arith.constant 0 : i32
        %dma_wait3A_163 = tpu.memref_slice %arg2[%dma_wait3A_161, %dma_wait3A_162] : memref<10000x128xf32, #tpu.memory_space<hbm>> -> memref<10000x128xf32, #tpu.memory_space<hbm>>
        tpu.wait_indirect_dma semaphore(%arg10 : memref<!tpu.dma_semaphore, #tpu.memory_space<semaphore_mem>>) src(%dma_wait3A_163 : memref<10000x128xf32, #tpu.memory_space<hbm>>) dst(%dma_wait3A_157 : memref<64x128xf32, #tpu.memory_space<vmem>>)
        %dma_wait3A_164 = arith.constant 64 : i32
        %dma_wait3A_165 = arith.constant 0 : i32
        %dma_wait3A_166 = tpu.memref_slice %arg7[%dma_wait3A_164, %dma_wait3A_165] : memref<128x128xf32, #tpu.memory_space<vmem>> -> memref<64x128xf32, #tpu.memory_space<vmem>>
        %dma_wait3A_167 = arith.constant 64 : i32
        %dma_wait3A_168 = tpu.memref_slice %arg5[%mul3A_153, %dma_wait3A_167] : memref<64x128xi32, #tpu.memory_space<vmem>> -> memref<1x64xi32, #tpu.memory_space<vmem>>
        %dma_wait3A_169 = tpu.memref_squeeze %dma_wait3A_168 : memref<1x64xi32, #tpu.memory_space<vmem>> -> memref<64xi32, #tpu.memory_space<vmem>>
        %dma_wait3A_170 = arith.constant 0 : i32
        %dma_wait3A_171 = arith.constant 0 : i32
        %dma_wait3A_172 = tpu.memref_slice %arg2[%dma_wait3A_170, %dma_wait3A_171] : memref<10000x128xf32, #tpu.memory_space<hbm>> -> memref<10000x128xf32, #tpu.memory_space<hbm>>
        tpu.wait_indirect_dma semaphore(%arg11 : memref<!tpu.dma_semaphore, #tpu.memory_space<semaphore_mem>>) src(%dma_wait3A_172 : memref<10000x128xf32, #tpu.memory_space<hbm>>) dst(%dma_wait3A_166 : memref<64x128xf32, #tpu.memory_space<vmem>>)
        "tpu.region"() ({
          %run_scoped3A_248 = tpu.sem_alloc : memref<!tpu.dma_semaphore, #tpu.memory_space<semaphore_mem>>
          %dma_start3A_249 = arith.constant 0 : i32
          %dma_start3A_250 = tpu.memref_slice %arg6[%mul3A_153, %dma_start3A_249] : memref<64x128xi32, #tpu.memory_space<vmem>> -> memref<1x128xi32, #tpu.memory_space<vmem>>
          %dma_start3A_251 = tpu.memref_squeeze %dma_start3A_250 : memref<1x128xi32, #tpu.memory_space<vmem>> -> memref<128xi32, #tpu.memory_space<vmem>>
          %dma_start3A_252 = arith.constant 0 : i32
          %dma_start3A_253 = arith.constant 0 : i32
          %dma_start3A_254 = tpu.memref_slice %arg9[%dma_start3A_252, %dma_start3A_253] : memref<10112x128xf32, #tpu.memory_space<vmem_shared>> -> memref<10112x128xf32, #tpu.memory_space<vmem_shared>>
          tpu.enqueue_indirect_dma source(%arg7 : memref<128x128xf32, #tpu.memory_space<vmem>>) target(%dma_start3A_254 : memref<10112x128xf32, #tpu.memory_space<vmem_shared>>) offsets(%dma_start3A_251 : memref<128xi32, #tpu.memory_space<vmem>>) semaphore(%run_scoped3A_248 : memref<!tpu.dma_semaphore, #tpu.memory_space<semaphore_mem>>) {add = true}
          %dma_wait3A_255 = arith.constant 0 : i32
          %dma_wait3A_256 = tpu.memref_slice %arg6[%mul3A_153, %dma_wait3A_255] : memref<64x128xi32, #tpu.memory_space<vmem>> -> memref<1x128xi32, #tpu.memory_space<vmem>>
          %dma_wait3A_257 = tpu.memref_squeeze %dma_wait3A_256 : memref<1x128xi32, #tpu.memory_space<vmem>> -> memref<128xi32, #tpu.memory_space<vmem>>
          %dma_wait3A_258 = arith.constant 0 : i32
          %dma_wait3A_259 = arith.constant 0 : i32
          %dma_wait3A_260 = tpu.memref_slice %arg9[%dma_wait3A_258, %dma_wait3A_259] : memref<10112x128xf32, #tpu.memory_space<vmem_shared>> -> memref<10112x128xf32, #tpu.memory_space<vmem_shared>>
          tpu.wait_indirect_dma semaphore(%run_scoped3A_248 : memref<!tpu.dma_semaphore, #tpu.memory_space<semaphore_mem>>) src(%arg7 : memref<128x128xf32, #tpu.memory_space<vmem>>) dst(%dma_wait3A_260 : memref<10112x128xf32, #tpu.memory_space<vmem_shared>>)
          tpu.yield
        }) : () -> ()
        %jit3A_173 = arith.constant 2 : i32
        %div3A_174 = arith.divsi %min3A_70, %jit3A_173 : i32
        %sign3A_175 = arith.constant 0 : i32
        %sign3A_176 = arith.cmpi sgt, %min3A_70, %sign3A_175 : i32
        %sign3A_177 = arith.extui %sign3A_176 : i1 to i32
        %sign3A_178 = arith.constant 0 : i32
        %sign3A_179 = arith.cmpi slt, %min3A_70, %sign3A_178 : i32
        %sign3A_180 = arith.extui %sign3A_179 : i1 to i32
        %sign3A_181 = arith.subi %sign3A_177, %sign3A_180 : i32
        %sign3A_182 = arith.constant 0 : i32
        %sign3A_183 = arith.cmpi sgt, %jit3A_173, %sign3A_182 : i32
        %sign3A_184 = arith.extui %sign3A_183 : i1 to i32
        %sign3A_185 = arith.constant 0 : i32
        %sign3A_186 = arith.cmpi slt, %jit3A_173, %sign3A_185 : i32
        %sign3A_187 = arith.extui %sign3A_186 : i1 to i32
        %sign3A_188 = arith.subi %sign3A_184, %sign3A_187 : i32
        %ne3A_189 = arith.cmpi ne, %sign3A_181, %sign3A_188 : i32
        %rem3A_190 = arith.remsi %min3A_70, %jit3A_173 : i32
        %ne3A_191 = arith.constant 0 : i32
        %ne3A_192 = arith.cmpi ne, %rem3A_190, %ne3A_191 : i32
        %and3A_193 = arith.andi %ne3A_189, %ne3A_192 : i1
        %sub3A_194 = arith.constant 1 : i32
        %sub3A_195 = arith.subi %div3A_174, %sub3A_194 : i32
        %select_n3A_196 = arith.select %and3A_193, %sub3A_195, %div3A_174 : i32
        %sub3A_197 = arith.constant 1 : i32
        %sub3A_198 = arith.subi %select_n3A_196, %sub3A_197 : i32
        %lt3A = arith.cmpi slt, %while3A_151, %sub3A_198 : i32
        %convert_element_type3A = arith.extui %lt3A : i1 to i32
        %cond3A = arith.constant 0 : i32
        %cond3A_199 = arith.cmpi ne, %convert_element_type3A, %cond3A : i32
        scf.if %cond3A_199 {
          %add3A_248 = arith.constant 2 : i32
          %add3A_249 = arith.addi %mul3A_153, %add3A_248 : i32
          %dma_start3A_250 = arith.constant 0 : i32
          %dma_start3A_251 = arith.constant 0 : i32
          %dma_start3A_252 = tpu.memref_slice %arg7[%dma_start3A_250, %dma_start3A_251] : memref<128x128xf32, #tpu.memory_space<vmem>> -> memref<64x128xf32, #tpu.memory_space<vmem>>
          %dma_start3A_253 = arith.constant 0 : i32
          %dma_start3A_254 = tpu.memref_slice %arg5[%add3A_249, %dma_start3A_253] : memref<64x128xi32, #tpu.memory_space<vmem>> -> memref<1x64xi32, #tpu.memory_space<vmem>>
          %dma_start3A_255 = tpu.memref_squeeze %dma_start3A_254 : memref<1x64xi32, #tpu.memory_space<vmem>> -> memref<64xi32, #tpu.memory_space<vmem>>
          %dma_start3A_256 = arith.constant 0 : i32
          %dma_start3A_257 = arith.constant 0 : i32
          %dma_start3A_258 = tpu.memref_slice %arg2[%dma_start3A_256, %dma_start3A_257] : memref<10000x128xf32, #tpu.memory_space<hbm>> -> memref<10000x128xf32, #tpu.memory_space<hbm>>
          tpu.enqueue_indirect_dma source(%dma_start3A_258 : memref<10000x128xf32, #tpu.memory_space<hbm>>) target(%dma_start3A_252 : memref<64x128xf32, #tpu.memory_space<vmem>>) offsets(%dma_start3A_255 : memref<64xi32, #tpu.memory_space<vmem>>) semaphore(%arg10 : memref<!tpu.dma_semaphore, #tpu.memory_space<semaphore_mem>>)
          %add3A_259 = arith.constant 2 : i32
          %add3A_260 = arith.addi %mul3A_153, %add3A_259 : i32
          %dma_start3A_261 = arith.constant 64 : i32
          %dma_start3A_262 = arith.constant 0 : i32
          %dma_start3A_263 = tpu.memref_slice %arg7[%dma_start3A_261, %dma_start3A_262] : memref<128x128xf32, #tpu.memory_space<vmem>> -> memref<64x128xf32, #tpu.memory_space<vmem>>
          %dma_start3A_264 = arith.constant 64 : i32
          %dma_start3A_265 = tpu.memref_slice %arg5[%add3A_260, %dma_start3A_264] : memref<64x128xi32, #tpu.memory_space<vmem>> -> memref<1x64xi32, #tpu.memory_space<vmem>>
          %dma_start3A_266 = tpu.memref_squeeze %dma_start3A_265 : memref<1x64xi32, #tpu.memory_space<vmem>> -> memref<64xi32, #tpu.memory_space<vmem>>
          %dma_start3A_267 = arith.constant 0 : i32
          %dma_start3A_268 = arith.constant 0 : i32
          %dma_start3A_269 = tpu.memref_slice %arg2[%dma_start3A_267, %dma_start3A_268] : memref<10000x128xf32, #tpu.memory_space<hbm>> -> memref<10000x128xf32, #tpu.memory_space<hbm>>
          tpu.enqueue_indirect_dma source(%dma_start3A_269 : memref<10000x128xf32, #tpu.memory_space<hbm>>) target(%dma_start3A_263 : memref<64x128xf32, #tpu.memory_space<vmem>>) offsets(%dma_start3A_266 : memref<64xi32, #tpu.memory_space<vmem>>) semaphore(%arg11 : memref<!tpu.dma_semaphore, #tpu.memory_space<semaphore_mem>>)
        } else {
        }
        %dma_wait3A_200 = arith.constant 0 : i32
        %dma_wait3A_201 = arith.constant 0 : i32
        %dma_wait3A_202 = tpu.memref_slice %arg8[%dma_wait3A_200, %dma_wait3A_201] : memref<128x128xf32, #tpu.memory_space<vmem>> -> memref<64x128xf32, #tpu.memory_space<vmem>>
        %dma_wait3A_203 = arith.constant 0 : i32
        %dma_wait3A_204 = tpu.memref_slice %arg5[%add3A_155, %dma_wait3A_203] : memref<64x128xi32, #tpu.memory_space<vmem>> -> memref<1x64xi32, #tpu.memory_space<vmem>>
        %dma_wait3A_205 = tpu.memref_squeeze %dma_wait3A_204 : memref<1x64xi32, #tpu.memory_space<vmem>> -> memref<64xi32, #tpu.memory_space<vmem>>
        %dma_wait3A_206 = arith.constant 0 : i32
        %dma_wait3A_207 = arith.constant 0 : i32
        %dma_wait3A_208 = tpu.memref_slice %arg2[%dma_wait3A_206, %dma_wait3A_207] : memref<10000x128xf32, #tpu.memory_space<hbm>> -> memref<10000x128xf32, #tpu.memory_space<hbm>>
        tpu.wait_indirect_dma semaphore(%arg12 : memref<!tpu.dma_semaphore, #tpu.memory_space<semaphore_mem>>) src(%dma_wait3A_208 : memref<10000x128xf32, #tpu.memory_space<hbm>>) dst(%dma_wait3A_202 : memref<64x128xf32, #tpu.memory_space<vmem>>)
        %dma_wait3A_209 = arith.constant 64 : i32
        %dma_wait3A_210 = arith.constant 0 : i32
        %dma_wait3A_211 = tpu.memref_slice %arg8[%dma_wait3A_209, %dma_wait3A_210] : memref<128x128xf32, #tpu.memory_space<vmem>> -> memref<64x128xf32, #tpu.memory_space<vmem>>
        %dma_wait3A_212 = arith.constant 64 : i32
        %dma_wait3A_213 = tpu.memref_slice %arg5[%add3A_155, %dma_wait3A_212] : memref<64x128xi32, #tpu.memory_space<vmem>> -> memref<1x64xi32, #tpu.memory_space<vmem>>
        %dma_wait3A_214 = tpu.memref_squeeze %dma_wait3A_213 : memref<1x64xi32, #tpu.memory_space<vmem>> -> memref<64xi32, #tpu.memory_space<vmem>>
        %dma_wait3A_215 = arith.constant 0 : i32
        %dma_wait3A_216 = arith.constant 0 : i32
        %dma_wait3A_217 = tpu.memref_slice %arg2[%dma_wait3A_215, %dma_wait3A_216] : memref<10000x128xf32, #tpu.memory_space<hbm>> -> memref<10000x128xf32, #tpu.memory_space<hbm>>
        tpu.wait_indirect_dma semaphore(%arg13 : memref<!tpu.dma_semaphore, #tpu.memory_space<semaphore_mem>>) src(%dma_wait3A_217 : memref<10000x128xf32, #tpu.memory_space<hbm>>) dst(%dma_wait3A_211 : memref<64x128xf32, #tpu.memory_space<vmem>>)
        "tpu.region"() ({
          %run_scoped3A_248 = tpu.sem_alloc : memref<!tpu.dma_semaphore, #tpu.memory_space<semaphore_mem>>
          %dma_start3A_249 = arith.constant 0 : i32
          %dma_start3A_250 = tpu.memref_slice %arg6[%add3A_155, %dma_start3A_249] : memref<64x128xi32, #tpu.memory_space<vmem>> -> memref<1x128xi32, #tpu.memory_space<vmem>>
          %dma_start3A_251 = tpu.memref_squeeze %dma_start3A_250 : memref<1x128xi32, #tpu.memory_space<vmem>> -> memref<128xi32, #tpu.memory_space<vmem>>
          %dma_start3A_252 = arith.constant 0 : i32
          %dma_start3A_253 = arith.constant 0 : i32
          %dma_start3A_254 = tpu.memref_slice %arg9[%dma_start3A_252, %dma_start3A_253] : memref<10112x128xf32, #tpu.memory_space<vmem_shared>> -> memref<10112x128xf32, #tpu.memory_space<vmem_shared>>
          tpu.enqueue_indirect_dma source(%arg8 : memref<128x128xf32, #tpu.memory_space<vmem>>) target(%dma_start3A_254 : memref<10112x128xf32, #tpu.memory_space<vmem_shared>>) offsets(%dma_start3A_251 : memref<128xi32, #tpu.memory_space<vmem>>) semaphore(%run_scoped3A_248 : memref<!tpu.dma_semaphore, #tpu.memory_space<semaphore_mem>>) {add = true}
          %dma_wait3A_255 = arith.constant 0 : i32
          %dma_wait3A_256 = tpu.memref_slice %arg6[%add3A_155, %dma_wait3A_255] : memref<64x128xi32, #tpu.memory_space<vmem>> -> memref<1x128xi32, #tpu.memory_space<vmem>>
          %dma_wait3A_257 = tpu.memref_squeeze %dma_wait3A_256 : memref<1x128xi32, #tpu.memory_space<vmem>> -> memref<128xi32, #tpu.memory_space<vmem>>
          %dma_wait3A_258 = arith.constant 0 : i32
          %dma_wait3A_259 = arith.constant 0 : i32
          %dma_wait3A_260 = tpu.memref_slice %arg9[%dma_wait3A_258, %dma_wait3A_259] : memref<10112x128xf32, #tpu.memory_space<vmem_shared>> -> memref<10112x128xf32, #tpu.memory_space<vmem_shared>>
          tpu.wait_indirect_dma semaphore(%run_scoped3A_248 : memref<!tpu.dma_semaphore, #tpu.memory_space<semaphore_mem>>) src(%arg8 : memref<128x128xf32, #tpu.memory_space<vmem>>) dst(%dma_wait3A_260 : memref<10112x128xf32, #tpu.memory_space<vmem_shared>>)
          tpu.yield
        }) : () -> ()
        %jit3A_218 = arith.constant 2 : i32
        %div3A_219 = arith.divsi %min3A_70, %jit3A_218 : i32
        %sign3A_220 = arith.constant 0 : i32
        %sign3A_221 = arith.cmpi sgt, %min3A_70, %sign3A_220 : i32
        %sign3A_222 = arith.extui %sign3A_221 : i1 to i32
        %sign3A_223 = arith.constant 0 : i32
        %sign3A_224 = arith.cmpi slt, %min3A_70, %sign3A_223 : i32
        %sign3A_225 = arith.extui %sign3A_224 : i1 to i32
        %sign3A_226 = arith.subi %sign3A_222, %sign3A_225 : i32
        %sign3A_227 = arith.constant 0 : i32
        %sign3A_228 = arith.cmpi sgt, %jit3A_218, %sign3A_227 : i32
        %sign3A_229 = arith.extui %sign3A_228 : i1 to i32
        %sign3A_230 = arith.constant 0 : i32
        %sign3A_231 = arith.cmpi slt, %jit3A_218, %sign3A_230 : i32
        %sign3A_232 = arith.extui %sign3A_231 : i1 to i32
        %sign3A_233 = arith.subi %sign3A_229, %sign3A_232 : i32
        %ne3A_234 = arith.cmpi ne, %sign3A_226, %sign3A_233 : i32
        %rem3A_235 = arith.remsi %min3A_70, %jit3A_218 : i32
        %ne3A_236 = arith.constant 0 : i32
        %ne3A_237 = arith.cmpi ne, %rem3A_235, %ne3A_236 : i32
        %and3A_238 = arith.andi %ne3A_234, %ne3A_237 : i1
        %sub3A_239 = arith.constant 1 : i32
        %sub3A_240 = arith.subi %div3A_219, %sub3A_239 : i32
        %select_n3A_241 = arith.select %and3A_238, %sub3A_240, %div3A_219 : i32
        %sub3A_242 = arith.constant 1 : i32
        %sub3A_243 = arith.subi %select_n3A_241, %sub3A_242 : i32
        %lt3A_244 = arith.cmpi slt, %while3A_151, %sub3A_243 : i32
        %convert_element_type3A_245 = arith.extui %lt3A_244 : i1 to i32
        %cond3A_246 = arith.constant 0 : i32
        %cond3A_247 = arith.cmpi ne, %convert_element_type3A_245, %cond3A_246 : i32
        scf.if %cond3A_247 {
          %add3A_248 = arith.constant 2 : i32
          %add3A_249 = arith.addi %add3A_155, %add3A_248 : i32
          %dma_start3A_250 = arith.constant 0 : i32
          %dma_start3A_251 = arith.constant 0 : i32
          %dma_start3A_252 = tpu.memref_slice %arg8[%dma_start3A_250, %dma_start3A_251] : memref<128x128xf32, #tpu.memory_space<vmem>> -> memref<64x128xf32, #tpu.memory_space<vmem>>
          %dma_start3A_253 = arith.constant 0 : i32
          %dma_start3A_254 = tpu.memref_slice %arg5[%add3A_249, %dma_start3A_253] : memref<64x128xi32, #tpu.memory_space<vmem>> -> memref<1x64xi32, #tpu.memory_space<vmem>>
          %dma_start3A_255 = tpu.memref_squeeze %dma_start3A_254 : memref<1x64xi32, #tpu.memory_space<vmem>> -> memref<64xi32, #tpu.memory_space<vmem>>
          %dma_start3A_256 = arith.constant 0 : i32
          %dma_start3A_257 = arith.constant 0 : i32
          %dma_start3A_258 = tpu.memref_slice %arg2[%dma_start3A_256, %dma_start3A_257] : memref<10000x128xf32, #tpu.memory_space<hbm>> -> memref<10000x128xf32, #tpu.memory_space<hbm>>
          tpu.enqueue_indirect_dma source(%dma_start3A_258 : memref<10000x128xf32, #tpu.memory_space<hbm>>) target(%dma_start3A_252 : memref<64x128xf32, #tpu.memory_space<vmem>>) offsets(%dma_start3A_255 : memref<64xi32, #tpu.memory_space<vmem>>) semaphore(%arg12 : memref<!tpu.dma_semaphore, #tpu.memory_space<semaphore_mem>>)
          %add3A_259 = arith.constant 2 : i32
          %add3A_260 = arith.addi %add3A_155, %add3A_259 : i32
          %dma_start3A_261 = arith.constant 64 : i32
          %dma_start3A_262 = arith.constant 0 : i32
          %dma_start3A_263 = tpu.memref_slice %arg8[%dma_start3A_261, %dma_start3A_262] : memref<128x128xf32, #tpu.memory_space<vmem>> -> memref<64x128xf32, #tpu.memory_space<vmem>>
          %dma_start3A_264 = arith.constant 64 : i32
          %dma_start3A_265 = tpu.memref_slice %arg5[%add3A_260, %dma_start3A_264] : memref<64x128xi32, #tpu.memory_space<vmem>> -> memref<1x64xi32, #tpu.memory_space<vmem>>
          %dma_start3A_266 = tpu.memref_squeeze %dma_start3A_265 : memref<1x64xi32, #tpu.memory_space<vmem>> -> memref<64xi32, #tpu.memory_space<vmem>>
          %dma_start3A_267 = arith.constant 0 : i32
          %dma_start3A_268 = arith.constant 0 : i32
          %dma_start3A_269 = tpu.memref_slice %arg2[%dma_start3A_267, %dma_start3A_268] : memref<10000x128xf32, #tpu.memory_space<hbm>> -> memref<10000x128xf32, #tpu.memory_space<hbm>>
          tpu.enqueue_indirect_dma source(%dma_start3A_269 : memref<10000x128xf32, #tpu.memory_space<hbm>>) target(%dma_start3A_263 : memref<64x128xf32, #tpu.memory_space<vmem>>) offsets(%dma_start3A_266 : memref<64xi32, #tpu.memory_space<vmem>>) semaphore(%arg13 : memref<!tpu.dma_semaphore, #tpu.memory_space<semaphore_mem>>)
        } else {
        }
      }
    }
    %while3A_60 = arith.constant 1 : i32
    scf.for %while3A_66 = %while3A_58 to %while3A_54 step %while3A_60  : i32 {
      %mul3A_67 = arith.constant 64 : i32
      %mul3A_68 = arith.muli %while3A_66, %mul3A_67 : i32
      %sub3A_69 = arith.subi %select_n3A, %mul3A_68 : i32
      %min3A = arith.constant 64 : i32
      %min3A_70 = arith.minsi %min3A, %sub3A_69 : i32
      %mul3A_71 = arith.constant 64 : i32
      %mul3A_72 = arith.muli %while3A_66, %mul3A_71 : i32
      %add3A_73 = arith.addi %add3A_27, %mul3A_72 : i32
      %run_scoped3A = arith.constant 0 : i32
      "tpu.region"() ({
        %run_scoped3A_151 = tpu.sem_alloc : memref<!tpu.dma_semaphore, #tpu.memory_space<semaphore_mem>>
        %dma_start3A_152 = arith.constant 0 : i32
        %dma_start3A_153 = tpu.memref_slice %arg3[%run_scoped3A, %add3A_73, %dma_start3A_152] : memref<2x2624x128xi32, #tpu.memory_space<hbm>> -> memref<1x64x128xi32, #tpu.memory_space<hbm>>
        %dma_start3A_154 = tpu.memref_squeeze %dma_start3A_153 : memref<1x64x128xi32, #tpu.memory_space<hbm>> -> memref<64x128xi32, #tpu.memory_space<hbm>>
        %dma_start3A_155 = arith.constant 0 : i32
        %dma_start3A_156 = tpu.memref_slice %arg3[%run_scoped3A, %add3A_73, %dma_start3A_155] : memref<2x2624x128xi32, #tpu.memory_space<hbm>> -> memref<1x64x128xi32, #tpu.memory_space<hbm>>
        %dma_start3A_157 = tpu.memref_squeeze %dma_start3A_156 : memref<1x64x128xi32, #tpu.memory_space<hbm>> -> memref<64x128xi32, #tpu.memory_space<hbm>>
        tpu.enqueue_dma source(%dma_start3A_157 : memref<64x128xi32, #tpu.memory_space<hbm>>) target(%arg5 : memref<64x128xi32, #tpu.memory_space<vmem>>) target_semaphore(%run_scoped3A_151 : memref<!tpu.dma_semaphore, #tpu.memory_space<semaphore_mem>>)
        %dma_wait3A = arith.constant 0 : i32
        %dma_wait3A_158 = tpu.memref_slice %arg3[%run_scoped3A, %add3A_73, %dma_wait3A] : memref<2x2624x128xi32, #tpu.memory_space<hbm>> -> memref<1x64x128xi32, #tpu.memory_space<hbm>>
        %dma_wait3A_159 = tpu.memref_squeeze %dma_wait3A_158 : memref<1x64x128xi32, #tpu.memory_space<hbm>> -> memref<64x128xi32, #tpu.memory_space<hbm>>
        %dma_wait3A_160 = arith.constant 0 : i32
        %dma_wait3A_161 = tpu.memref_slice %arg3[%run_scoped3A, %add3A_73, %dma_wait3A_160] : memref<2x2624x128xi32, #tpu.memory_space<hbm>> -> memref<1x64x128xi32, #tpu.memory_space<hbm>>
        %dma_wait3A_162 = tpu.memref_squeeze %dma_wait3A_161 : memref<1x64x128xi32, #tpu.memory_space<hbm>> -> memref<64x128xi32, #tpu.memory_space<hbm>>
        tpu.wait_dma2 semaphore(%run_scoped3A_151 : memref<!tpu.dma_semaphore, #tpu.memory_space<semaphore_mem>>) src(%dma_wait3A_162 : memref<64x128xi32, #tpu.memory_space<hbm>>) dst(%arg5 : memref<64x128xi32, #tpu.memory_space<vmem>>)
        tpu.yield
      }) : () -> ()
      %mul3A_74 = arith.constant 64 : i32
      %mul3A_75 = arith.muli %while3A_66, %mul3A_74 : i32
      %add3A_76 = arith.addi %add3A_27, %mul3A_75 : i32
      %run_scoped3A_77 = arith.constant 1 : i32
      "tpu.region"() ({
        %run_scoped3A_151 = tpu.sem_alloc : memref<!tpu.dma_semaphore, #tpu.memory_space<semaphore_mem>>
        %dma_start3A_152 = arith.constant 0 : i32
        %dma_start3A_153 = tpu.memref_slice %arg3[%run_scoped3A_77, %add3A_76, %dma_start3A_152] : memref<2x2624x128xi32, #tpu.memory_space<hbm>> -> memref<1x64x128xi32, #tpu.memory_space<hbm>>
        %dma_start3A_154 = tpu.memref_squeeze %dma_start3A_153 : memref<1x64x128xi32, #tpu.memory_space<hbm>> -> memref<64x128xi32, #tpu.memory_space<hbm>>
        %dma_start3A_155 = arith.constant 0 : i32
        %dma_start3A_156 = tpu.memref_slice %arg3[%run_scoped3A_77, %add3A_76, %dma_start3A_155] : memref<2x2624x128xi32, #tpu.memory_space<hbm>> -> memref<1x64x128xi32, #tpu.memory_space<hbm>>
        %dma_start3A_157 = tpu.memref_squeeze %dma_start3A_156 : memref<1x64x128xi32, #tpu.memory_space<hbm>> -> memref<64x128xi32, #tpu.memory_space<hbm>>
        tpu.enqueue_dma source(%dma_start3A_157 : memref<64x128xi32, #tpu.memory_space<hbm>>) target(%arg6 : memref<64x128xi32, #tpu.memory_space<vmem>>) target_semaphore(%run_scoped3A_151 : memref<!tpu.dma_semaphore, #tpu.memory_space<semaphore_mem>>)
        %dma_wait3A = arith.constant 0 : i32
        %dma_wait3A_158 = tpu.memref_slice %arg3[%run_scoped3A_77, %add3A_76, %dma_wait3A] : memref<2x2624x128xi32, #tpu.memory_space<hbm>> -> memref<1x64x128xi32, #tpu.memory_space<hbm>>
        %dma_wait3A_159 = tpu.memref_squeeze %dma_wait3A_158 : memref<1x64x128xi32, #tpu.memory_space<hbm>> -> memref<64x128xi32, #tpu.memory_space<hbm>>
        %dma_wait3A_160 = arith.constant 0 : i32
        %dma_wait3A_161 = tpu.memref_slice %arg3[%run_scoped3A_77, %add3A_76, %dma_wait3A_160] : memref<2x2624x128xi32, #tpu.memory_space<hbm>> -> memref<1x64x128xi32, #tpu.memory_space<hbm>>
        %dma_wait3A_162 = tpu.memref_squeeze %dma_wait3A_161 : memref<1x64x128xi32, #tpu.memory_space<hbm>> -> memref<64x128xi32, #tpu.memory_space<hbm>>
        tpu.wait_dma2 semaphore(%run_scoped3A_151 : memref<!tpu.dma_semaphore, #tpu.memory_space<semaphore_mem>>) src(%dma_wait3A_162 : memref<64x128xi32, #tpu.memory_space<hbm>>) dst(%arg6 : memref<64x128xi32, #tpu.memory_space<vmem>>)
        tpu.yield
      }) : () -> ()
      %dma_start3A = arith.constant 0 : i32
      %dma_start3A_78 = arith.constant 0 : i32
      %dma_start3A_79 = arith.constant 0 : i32
      %dma_start3A_80 = tpu.memref_slice %arg7[%dma_start3A_78, %dma_start3A_79] : memref<128x128xf32, #tpu.memory_space<vmem>> -> memref<64x128xf32, #tpu.memory_space<vmem>>
      %dma_start3A_81 = arith.constant 0 : i32
      %dma_start3A_82 = tpu.memref_slice %arg5[%dma_start3A, %dma_start3A_81] : memref<64x128xi32, #tpu.memory_space<vmem>> -> memref<1x64xi32, #tpu.memory_space<vmem>>
      %dma_start3A_83 = tpu.memref_squeeze %dma_start3A_82 : memref<1x64xi32, #tpu.memory_space<vmem>> -> memref<64xi32, #tpu.memory_space<vmem>>
      %dma_start3A_84 = arith.constant 0 : i32
      %dma_start3A_85 = arith.constant 0 : i32
      %dma_start3A_86 = tpu.memref_slice %arg2[%dma_start3A_84, %dma_start3A_85] : memref<10000x128xf32, #tpu.memory_space<hbm>> -> memref<10000x128xf32, #tpu.memory_space<hbm>>
      tpu.enqueue_indirect_dma source(%dma_start3A_86 : memref<10000x128xf32, #tpu.memory_space<hbm>>) target(%dma_start3A_80 : memref<64x128xf32, #tpu.memory_space<vmem>>) offsets(%dma_start3A_83 : memref<64xi32, #tpu.memory_space<vmem>>) semaphore(%arg10 : memref<!tpu.dma_semaphore, #tpu.memory_space<semaphore_mem>>)
      %dma_start3A_87 = arith.constant 0 : i32
      %dma_start3A_88 = arith.constant 64 : i32
      %dma_start3A_89 = arith.constant 0 : i32
      %dma_start3A_90 = tpu.memref_slice %arg7[%dma_start3A_88, %dma_start3A_89] : memref<128x128xf32, #tpu.memory_space<vmem>> -> memref<64x128xf32, #tpu.memory_space<vmem>>
      %dma_start3A_91 = arith.constant 64 : i32
      %dma_start3A_92 = tpu.memref_slice %arg5[%dma_start3A_87, %dma_start3A_91] : memref<64x128xi32, #tpu.memory_space<vmem>> -> memref<1x64xi32, #tpu.memory_space<vmem>>
      %dma_start3A_93 = tpu.memref_squeeze %dma_start3A_92 : memref<1x64xi32, #tpu.memory_space<vmem>> -> memref<64xi32, #tpu.memory_space<vmem>>
      %dma_start3A_94 = arith.constant 0 : i32
      %dma_start3A_95 = arith.constant 0 : i32
      %dma_start3A_96 = tpu.memref_slice %arg2[%dma_start3A_94, %dma_start3A_95] : memref<10000x128xf32, #tpu.memory_space<hbm>> -> memref<10000x128xf32, #tpu.memory_space<hbm>>
      tpu.enqueue_indirect_dma source(%dma_start3A_96 : memref<10000x128xf32, #tpu.memory_space<hbm>>) target(%dma_start3A_90 : memref<64x128xf32, #tpu.memory_space<vmem>>) offsets(%dma_start3A_93 : memref<64xi32, #tpu.memory_space<vmem>>) semaphore(%arg11 : memref<!tpu.dma_semaphore, #tpu.memory_space<semaphore_mem>>)
      %dma_start3A_97 = arith.constant 1 : i32
      %dma_start3A_98 = arith.constant 0 : i32
      %dma_start3A_99 = arith.constant 0 : i32
      %dma_start3A_100 = tpu.memref_slice %arg8[%dma_start3A_98, %dma_start3A_99] : memref<128x128xf32, #tpu.memory_space<vmem>> -> memref<64x128xf32, #tpu.memory_space<vmem>>
      %dma_start3A_101 = arith.constant 0 : i32
      %dma_start3A_102 = tpu.memref_slice %arg5[%dma_start3A_97, %dma_start3A_101] : memref<64x128xi32, #tpu.memory_space<vmem>> -> memref<1x64xi32, #tpu.memory_space<vmem>>
      %dma_start3A_103 = tpu.memref_squeeze %dma_start3A_102 : memref<1x64xi32, #tpu.memory_space<vmem>> -> memref<64xi32, #tpu.memory_space<vmem>>
      %dma_start3A_104 = arith.constant 0 : i32
      %dma_start3A_105 = arith.constant 0 : i32
      %dma_start3A_106 = tpu.memref_slice %arg2[%dma_start3A_104, %dma_start3A_105] : memref<10000x128xf32, #tpu.memory_space<hbm>> -> memref<10000x128xf32, #tpu.memory_space<hbm>>
      tpu.enqueue_indirect_dma source(%dma_start3A_106 : memref<10000x128xf32, #tpu.memory_space<hbm>>) target(%dma_start3A_100 : memref<64x128xf32, #tpu.memory_space<vmem>>) offsets(%dma_start3A_103 : memref<64xi32, #tpu.memory_space<vmem>>) semaphore(%arg12 : memref<!tpu.dma_semaphore, #tpu.memory_space<semaphore_mem>>)
      %dma_start3A_107 = arith.constant 1 : i32
      %dma_start3A_108 = arith.constant 64 : i32
      %dma_start3A_109 = arith.constant 0 : i32
      %dma_start3A_110 = tpu.memref_slice %arg8[%dma_start3A_108, %dma_start3A_109] : memref<128x128xf32, #tpu.memory_space<vmem>> -> memref<64x128xf32, #tpu.memory_space<vmem>>
      %dma_start3A_111 = arith.constant 64 : i32
      %dma_start3A_112 = tpu.memref_slice %arg5[%dma_start3A_107, %dma_start3A_111] : memref<64x128xi32, #tpu.memory_space<vmem>> -> memref<1x64xi32, #tpu.memory_space<vmem>>
      %dma_start3A_113 = tpu.memref_squeeze %dma_start3A_112 : memref<1x64xi32, #tpu.memory_space<vmem>> -> memref<64xi32, #tpu.memory_space<vmem>>
      %dma_start3A_114 = arith.constant 0 : i32
      %dma_start3A_115 = arith.constant 0 : i32
      %dma_start3A_116 = tpu.memref_slice %arg2[%dma_start3A_114, %dma_start3A_115] : memref<10000x128xf32, #tpu.memory_space<hbm>> -> memref<10000x128xf32, #tpu.memory_space<hbm>>
      tpu.enqueue_indirect_dma source(%dma_start3A_116 : memref<10000x128xf32, #tpu.memory_space<hbm>>) target(%dma_start3A_110 : memref<64x128xf32, #tpu.memory_space<vmem>>) offsets(%dma_start3A_113 : memref<64xi32, #tpu.memory_space<vmem>>) semaphore(%arg13 : memref<!tpu.dma_semaphore, #tpu.memory_space<semaphore_mem>>)
      %jit3A_117 = arith.constant 2 : i32
      %div3A_118 = arith.divsi %min3A_70, %jit3A_117 : i32
      %sign3A_119 = arith.constant 0 : i32
      %sign3A_120 = arith.cmpi sgt, %min3A_70, %sign3A_119 : i32
      %sign3A_121 = arith.extui %sign3A_120 : i1 to i32
      %sign3A_122 = arith.constant 0 : i32
      %sign3A_123 = arith.cmpi slt, %min3A_70, %sign3A_122 : i32
      %sign3A_124 = arith.extui %sign3A_123 : i1 to i32
      %sign3A_125 = arith.subi %sign3A_121, %sign3A_124 : i32
      %sign3A_126 = arith.constant 0 : i32
      %sign3A_127 = arith.cmpi sgt, %jit3A_117, %sign3A_126 : i32
      %sign3A_128 = arith.extui %sign3A_127 : i1 to i32
      %sign3A_129 = arith.constant 0 : i32
      %sign3A_130 = arith.cmpi slt, %jit3A_117, %sign3A_129 : i32
      %sign3A_131 = arith.extui %sign3A_130 : i1 to i32
      %sign3A_132 = arith.subi %sign3A_128, %sign3A_131 : i32
      %ne3A_133 = arith.cmpi ne, %sign3A_125, %sign3A_132 : i32
      %rem3A_134 = arith.remsi %min3A_70, %jit3A_117 : i32
      %ne3A_135 = arith.constant 0 : i32
      %ne3A_136 = arith.cmpi ne, %rem3A_134, %ne3A_135 : i32
      %and3A_137 = arith.andi %ne3A_133, %ne3A_136 : i1
      %sub3A_138 = arith.constant 1 : i32
      %sub3A_139 = arith.subi %div3A_118, %sub3A_138 : i32
      %select_n3A_140 = arith.select %and3A_137, %sub3A_139, %div3A_118 : i32
      %while3A_141 = arith.constant 0 : i32
      %while3A_142 = arith.constant 0 : i32
      %while3A_143 = arith.subi %select_n3A_140, %while3A_142 : i32
      %while3A_144 = arith.addi %while3A_142, %while3A_143 : i32
      %while3A_145 = arith.constant 1 : i32
      %while3A_146 = arith.divsi %while3A_143, %while3A_145 : i32
      %while3A_147 = arith.muli %while3A_146, %while3A_145 : i32
      %while3A_148 = arith.addi %while3A_142, %while3A_147 : i32
      %while3A_149 = arith.constant 1 : i32
      scf.for %while3A_151 = %while3A_142 to %while3A_148 step %while3A_149  : i32 {
        %mul3A_152 = arith.constant 2 : i32
        %mul3A_153 = arith.muli %mul3A_152, %while3A_151 : i32
        %add3A_154 = arith.constant 1 : i32
        %add3A_155 = arith.addi %mul3A_153, %add3A_154 : i32
        %dma_wait3A = arith.constant 0 : i32
        %dma_wait3A_156 = arith.constant 0 : i32
        %dma_wait3A_157 = tpu.memref_slice %arg7[%dma_wait3A, %dma_wait3A_156] : memref<128x128xf32, #tpu.memory_space<vmem>> -> memref<64x128xf32, #tpu.memory_space<vmem>>
        %dma_wait3A_158 = arith.constant 0 : i32
        %dma_wait3A_159 = tpu.memref_slice %arg5[%mul3A_153, %dma_wait3A_158] : memref<64x128xi32, #tpu.memory_space<vmem>> -> memref<1x64xi32, #tpu.memory_space<vmem>>
        %dma_wait3A_160 = tpu.memref_squeeze %dma_wait3A_159 : memref<1x64xi32, #tpu.memory_space<vmem>> -> memref<64xi32, #tpu.memory_space<vmem>>
        %dma_wait3A_161 = arith.constant 0 : i32
        %dma_wait3A_162 = arith.constant 0 : i32
        %dma_wait3A_163 = tpu.memref_slice %arg2[%dma_wait3A_161, %dma_wait3A_162] : memref<10000x128xf32, #tpu.memory_space<hbm>> -> memref<10000x128xf32, #tpu.memory_space<hbm>>
        tpu.wait_indirect_dma semaphore(%arg10 : memref<!tpu.dma_semaphore, #tpu.memory_space<semaphore_mem>>) src(%dma_wait3A_163 : memref<10000x128xf32, #tpu.memory_space<hbm>>) dst(%dma_wait3A_157 : memref<64x128xf32, #tpu.memory_space<vmem>>)
        %dma_wait3A_164 = arith.constant 64 : i32
        %dma_wait3A_165 = arith.constant 0 : i32
        %dma_wait3A_166 = tpu.memref_slice %arg7[%dma_wait3A_164, %dma_wait3A_165] : memref<128x128xf32, #tpu.memory_space<vmem>> -> memref<64x128xf32, #tpu.memory_space<vmem>>
        %dma_wait3A_167 = arith.constant 64 : i32
        %dma_wait3A_168 = tpu.memref_slice %arg5[%mul3A_153, %dma_wait3A_167] : memref<64x128xi32, #tpu.memory_space<vmem>> -> memref<1x64xi32, #tpu.memory_space<vmem>>
        %dma_wait3A_169 = tpu.memref_squeeze %dma_wait3A_168 : memref<1x64xi32, #tpu.memory_space<vmem>> -> memref<64xi32, #tpu.memory_space<vmem>>
        %dma_wait3A_170 = arith.constant 0 : i32
        %dma_wait3A_171 = arith.constant 0 : i32
        %dma_wait3A_172 = tpu.memref_slice %arg2[%dma_wait3A_170, %dma_wait3A_171] : memref<10000x128xf32, #tpu.memory_space<hbm>> -> memref<10000x128xf32, #tpu.memory_space<hbm>>
        tpu.wait_indirect_dma semaphore(%arg11 : memref<!tpu.dma_semaphore, #tpu.memory_space<semaphore_mem>>) src(%dma_wait3A_172 : memref<10000x128xf32, #tpu.memory_space<hbm>>) dst(%dma_wait3A_166 : memref<64x128xf32, #tpu.memory_space<vmem>>)
        "tpu.region"() ({
          %run_scoped3A_248 = tpu.sem_alloc : memref<!tpu.dma_semaphore, #tpu.memory_space<semaphore_mem>>
          %dma_start3A_249 = arith.constant 0 : i32
          %dma_start3A_250 = tpu.memref_slice %arg6[%mul3A_153, %dma_start3A_249] : memref<64x128xi32, #tpu.memory_space<vmem>> -> memref<1x128xi32, #tpu.memory_space<vmem>>
          %dma_start3A_251 = tpu.memref_squeeze %dma_start3A_250 : memref<1x128xi32, #tpu.memory_space<vmem>> -> memref<128xi32, #tpu.memory_space<vmem>>
          %dma_start3A_252 = arith.constant 0 : i32
          %dma_start3A_253 = arith.constant 0 : i32
          %dma_start3A_254 = tpu.memref_slice %arg9[%dma_start3A_252, %dma_start3A_253] : memref<10112x128xf32, #tpu.memory_space<vmem_shared>> -> memref<10112x128xf32, #tpu.memory_space<vmem_shared>>
          tpu.enqueue_indirect_dma source(%arg7 : memref<128x128xf32, #tpu.memory_space<vmem>>) target(%dma_start3A_254 : memref<10112x128xf32, #tpu.memory_space<vmem_shared>>) offsets(%dma_start3A_251 : memref<128xi32, #tpu.memory_space<vmem>>) semaphore(%run_scoped3A_248 : memref<!tpu.dma_semaphore, #tpu.memory_space<semaphore_mem>>) {add = true}
          %dma_wait3A_255 = arith.constant 0 : i32
          %dma_wait3A_256 = tpu.memref_slice %arg6[%mul3A_153, %dma_wait3A_255] : memref<64x128xi32, #tpu.memory_space<vmem>> -> memref<1x128xi32, #tpu.memory_space<vmem>>
          %dma_wait3A_257 = tpu.memref_squeeze %dma_wait3A_256 : memref<1x128xi32, #tpu.memory_space<vmem>> -> memref<128xi32, #tpu.memory_space<vmem>>
          %dma_wait3A_258 = arith.constant 0 : i32
          %dma_wait3A_259 = arith.constant 0 : i32
          %dma_wait3A_260 = tpu.memref_slice %arg9[%dma_wait3A_258, %dma_wait3A_259] : memref<10112x128xf32, #tpu.memory_space<vmem_shared>> -> memref<10112x128xf32, #tpu.memory_space<vmem_shared>>
          tpu.wait_indirect_dma semaphore(%run_scoped3A_248 : memref<!tpu.dma_semaphore, #tpu.memory_space<semaphore_mem>>) src(%arg7 : memref<128x128xf32, #tpu.memory_space<vmem>>) dst(%dma_wait3A_260 : memref<10112x128xf32, #tpu.memory_space<vmem_shared>>)
          tpu.yield
        }) : () -> ()
        %jit3A_173 = arith.constant 2 : i32
        %div3A_174 = arith.divsi %min3A_70, %jit3A_173 : i32
        %sign3A_175 = arith.constant 0 : i32
        %sign3A_176 = arith.cmpi sgt, %min3A_70, %sign3A_175 : i32
        %sign3A_177 = arith.extui %sign3A_176 : i1 to i32
        %sign3A_178 = arith.constant 0 : i32
        %sign3A_179 = arith.cmpi slt, %min3A_70, %sign3A_178 : i32
        %sign3A_180 = arith.extui %sign3A_179 : i1 to i32
        %sign3A_181 = arith.subi %sign3A_177, %sign3A_180 : i32
        %sign3A_182 = arith.constant 0 : i32
        %sign3A_183 = arith.cmpi sgt, %jit3A_173, %sign3A_182 : i32
        %sign3A_184 = arith.extui %sign3A_183 : i1 to i32
        %sign3A_185 = arith.constant 0 : i32
        %sign3A_186 = arith.cmpi slt, %jit3A_173, %sign3A_185 : i32
        %sign3A_187 = arith.extui %sign3A_186 : i1 to i32
        %sign3A_188 = arith.subi %sign3A_184, %sign3A_187 : i32
        %ne3A_189 = arith.cmpi ne, %sign3A_181, %sign3A_188 : i32
        %rem3A_190 = arith.remsi %min3A_70, %jit3A_173 : i32
        %ne3A_191 = arith.constant 0 : i32
        %ne3A_192 = arith.cmpi ne, %rem3A_190, %ne3A_191 : i32
        %and3A_193 = arith.andi %ne3A_189, %ne3A_192 : i1
        %sub3A_194 = arith.constant 1 : i32
        %sub3A_195 = arith.subi %div3A_174, %sub3A_194 : i32
        %select_n3A_196 = arith.select %and3A_193, %sub3A_195, %div3A_174 : i32
        %sub3A_197 = arith.constant 1 : i32
        %sub3A_198 = arith.subi %select_n3A_196, %sub3A_197 : i32
        %lt3A = arith.cmpi slt, %while3A_151, %sub3A_198 : i32
        %convert_element_type3A = arith.extui %lt3A : i1 to i32
        %cond3A = arith.constant 0 : i32
        %cond3A_199 = arith.cmpi ne, %convert_element_type3A, %cond3A : i32
        scf.if %cond3A_199 {
          %add3A_248 = arith.constant 2 : i32
          %add3A_249 = arith.addi %mul3A_153, %add3A_248 : i32
          %dma_start3A_250 = arith.constant 0 : i32
          %dma_start3A_251 = arith.constant 0 : i32
          %dma_start3A_252 = tpu.memref_slice %arg7[%dma_start3A_250, %dma_start3A_251] : memref<128x128xf32, #tpu.memory_space<vmem>> -> memref<64x128xf32, #tpu.memory_space<vmem>>
          %dma_start3A_253 = arith.constant 0 : i32
          %dma_start3A_254 = tpu.memref_slice %arg5[%add3A_249, %dma_start3A_253] : memref<64x128xi32, #tpu.memory_space<vmem>> -> memref<1x64xi32, #tpu.memory_space<vmem>>
          %dma_start3A_255 = tpu.memref_squeeze %dma_start3A_254 : memref<1x64xi32, #tpu.memory_space<vmem>> -> memref<64xi32, #tpu.memory_space<vmem>>
          %dma_start3A_256 = arith.constant 0 : i32
          %dma_start3A_257 = arith.constant 0 : i32
          %dma_start3A_258 = tpu.memref_slice %arg2[%dma_start3A_256, %dma_start3A_257] : memref<10000x128xf32, #tpu.memory_space<hbm>> -> memref<10000x128xf32, #tpu.memory_space<hbm>>
          tpu.enqueue_indirect_dma source(%dma_start3A_258 : memref<10000x128xf32, #tpu.memory_space<hbm>>) target(%dma_start3A_252 : memref<64x128xf32, #tpu.memory_space<vmem>>) offsets(%dma_start3A_255 : memref<64xi32, #tpu.memory_space<vmem>>) semaphore(%arg10 : memref<!tpu.dma_semaphore, #tpu.memory_space<semaphore_mem>>)
          %add3A_259 = arith.constant 2 : i32
          %add3A_260 = arith.addi %mul3A_153, %add3A_259 : i32
          %dma_start3A_261 = arith.constant 64 : i32
          %dma_start3A_262 = arith.constant 0 : i32
          %dma_start3A_263 = tpu.memref_slice %arg7[%dma_start3A_261, %dma_start3A_262] : memref<128x128xf32, #tpu.memory_space<vmem>> -> memref<64x128xf32, #tpu.memory_space<vmem>>
          %dma_start3A_264 = arith.constant 64 : i32
          %dma_start3A_265 = tpu.memref_slice %arg5[%add3A_260, %dma_start3A_264] : memref<64x128xi32, #tpu.memory_space<vmem>> -> memref<1x64xi32, #tpu.memory_space<vmem>>
          %dma_start3A_266 = tpu.memref_squeeze %dma_start3A_265 : memref<1x64xi32, #tpu.memory_space<vmem>> -> memref<64xi32, #tpu.memory_space<vmem>>
          %dma_start3A_267 = arith.constant 0 : i32
          %dma_start3A_268 = arith.constant 0 : i32
          %dma_start3A_269 = tpu.memref_slice %arg2[%dma_start3A_267, %dma_start3A_268] : memref<10000x128xf32, #tpu.memory_space<hbm>> -> memref<10000x128xf32, #tpu.memory_space<hbm>>
          tpu.enqueue_indirect_dma source(%dma_start3A_269 : memref<10000x128xf32, #tpu.memory_space<hbm>>) target(%dma_start3A_263 : memref<64x128xf32, #tpu.memory_space<vmem>>) offsets(%dma_start3A_266 : memref<64xi32, #tpu.memory_space<vmem>>) semaphore(%arg11 : memref<!tpu.dma_semaphore, #tpu.memory_space<semaphore_mem>>)
        } else {
        }
        %dma_wait3A_200 = arith.constant 0 : i32
        %dma_wait3A_201 = arith.constant 0 : i32
        %dma_wait3A_202 = tpu.memref_slice %arg8[%dma_wait3A_200, %dma_wait3A_201] : memref<128x128xf32, #tpu.memory_space<vmem>> -> memref<64x128xf32, #tpu.memory_space<vmem>>
        %dma_wait3A_203 = arith.constant 0 : i32
        %dma_wait3A_204 = tpu.memref_slice %arg5[%add3A_155, %dma_wait3A_203] : memref<64x128xi32, #tpu.memory_space<vmem>> -> memref<1x64xi32, #tpu.memory_space<vmem>>
        %dma_wait3A_205 = tpu.memref_squeeze %dma_wait3A_204 : memref<1x64xi32, #tpu.memory_space<vmem>> -> memref<64xi32, #tpu.memory_space<vmem>>
        %dma_wait3A_206 = arith.constant 0 : i32
        %dma_wait3A_207 = arith.constant 0 : i32
        %dma_wait3A_208 = tpu.memref_slice %arg2[%dma_wait3A_206, %dma_wait3A_207] : memref<10000x128xf32, #tpu.memory_space<hbm>> -> memref<10000x128xf32, #tpu.memory_space<hbm>>
        tpu.wait_indirect_dma semaphore(%arg12 : memref<!tpu.dma_semaphore, #tpu.memory_space<semaphore_mem>>) src(%dma_wait3A_208 : memref<10000x128xf32, #tpu.memory_space<hbm>>) dst(%dma_wait3A_202 : memref<64x128xf32, #tpu.memory_space<vmem>>)
        %dma_wait3A_209 = arith.constant 64 : i32
        %dma_wait3A_210 = arith.constant 0 : i32
        %dma_wait3A_211 = tpu.memref_slice %arg8[%dma_wait3A_209, %dma_wait3A_210] : memref<128x128xf32, #tpu.memory_space<vmem>> -> memref<64x128xf32, #tpu.memory_space<vmem>>
        %dma_wait3A_212 = arith.constant 64 : i32
        %dma_wait3A_213 = tpu.memref_slice %arg5[%add3A_155, %dma_wait3A_212] : memref<64x128xi32, #tpu.memory_space<vmem>> -> memref<1x64xi32, #tpu.memory_space<vmem>>
        %dma_wait3A_214 = tpu.memref_squeeze %dma_wait3A_213 : memref<1x64xi32, #tpu.memory_space<vmem>> -> memref<64xi32, #tpu.memory_space<vmem>>
        %dma_wait3A_215 = arith.constant 0 : i32
        %dma_wait3A_216 = arith.constant 0 : i32
        %dma_wait3A_217 = tpu.memref_slice %arg2[%dma_wait3A_215, %dma_wait3A_216] : memref<10000x128xf32, #tpu.memory_space<hbm>> -> memref<10000x128xf32, #tpu.memory_space<hbm>>
        tpu.wait_indirect_dma semaphore(%arg13 : memref<!tpu.dma_semaphore, #tpu.memory_space<semaphore_mem>>) src(%dma_wait3A_217 : memref<10000x128xf32, #tpu.memory_space<hbm>>) dst(%dma_wait3A_211 : memref<64x128xf32, #tpu.memory_space<vmem>>)
        "tpu.region"() ({
          %run_scoped3A_248 = tpu.sem_alloc : memref<!tpu.dma_semaphore, #tpu.memory_space<semaphore_mem>>
          %dma_start3A_249 = arith.constant 0 : i32
          %dma_start3A_250 = tpu.memref_slice %arg6[%add3A_155, %dma_start3A_249] : memref<64x128xi32, #tpu.memory_space<vmem>> -> memref<1x128xi32, #tpu.memory_space<vmem>>
          %dma_start3A_251 = tpu.memref_squeeze %dma_start3A_250 : memref<1x128xi32, #tpu.memory_space<vmem>> -> memref<128xi32, #tpu.memory_space<vmem>>
          %dma_start3A_252 = arith.constant 0 : i32
          %dma_start3A_253 = arith.constant 0 : i32
          %dma_start3A_254 = tpu.memref_slice %arg9[%dma_start3A_252, %dma_start3A_253] : memref<10112x128xf32, #tpu.memory_space<vmem_shared>> -> memref<10112x128xf32, #tpu.memory_space<vmem_shared>>
          tpu.enqueue_indirect_dma source(%arg8 : memref<128x128xf32, #tpu.memory_space<vmem>>) target(%dma_start3A_254 : memref<10112x128xf32, #tpu.memory_space<vmem_shared>>) offsets(%dma_start3A_251 : memref<128xi32, #tpu.memory_space<vmem>>) semaphore(%run_scoped3A_248 : memref<!tpu.dma_semaphore, #tpu.memory_space<semaphore_mem>>) {add = true}
          %dma_wait3A_255 = arith.constant 0 : i32
          %dma_wait3A_256 = tpu.memref_slice %arg6[%add3A_155, %dma_wait3A_255] : memref<64x128xi32, #tpu.memory_space<vmem>> -> memref<1x128xi32, #tpu.memory_space<vmem>>
          %dma_wait3A_257 = tpu.memref_squeeze %dma_wait3A_256 : memref<1x128xi32, #tpu.memory_space<vmem>> -> memref<128xi32, #tpu.memory_space<vmem>>
          %dma_wait3A_258 = arith.constant 0 : i32
          %dma_wait3A_259 = arith.constant 0 : i32
          %dma_wait3A_260 = tpu.memref_slice %arg9[%dma_wait3A_258, %dma_wait3A_259] : memref<10112x128xf32, #tpu.memory_space<vmem_shared>> -> memref<10112x128xf32, #tpu.memory_space<vmem_shared>>
          tpu.wait_indirect_dma semaphore(%run_scoped3A_248 : memref<!tpu.dma_semaphore, #tpu.memory_space<semaphore_mem>>) src(%arg8 : memref<128x128xf32, #tpu.memory_space<vmem>>) dst(%dma_wait3A_260 : memref<10112x128xf32, #tpu.memory_space<vmem_shared>>)
          tpu.yield
        }) : () -> ()
        %jit3A_218 = arith.constant 2 : i32
        %div3A_219 = arith.divsi %min3A_70, %jit3A_218 : i32
        %sign3A_220 = arith.constant 0 : i32
        %sign3A_221 = arith.cmpi sgt, %min3A_70, %sign3A_220 : i32
        %sign3A_222 = arith.extui %sign3A_221 : i1 to i32
        %sign3A_223 = arith.constant 0 : i32
        %sign3A_224 = arith.cmpi slt, %min3A_70, %sign3A_223 : i32
        %sign3A_225 = arith.extui %sign3A_224 : i1 to i32
        %sign3A_226 = arith.subi %sign3A_222, %sign3A_225 : i32
        %sign3A_227 = arith.constant 0 : i32
        %sign3A_228 = arith.cmpi sgt, %jit3A_218, %sign3A_227 : i32
        %sign3A_229 = arith.extui %sign3A_228 : i1 to i32
        %sign3A_230 = arith.constant 0 : i32
        %sign3A_231 = arith.cmpi slt, %jit3A_218, %sign3A_230 : i32
        %sign3A_232 = arith.extui %sign3A_231 : i1 to i32
        %sign3A_233 = arith.subi %sign3A_229, %sign3A_232 : i32
        %ne3A_234 = arith.cmpi ne, %sign3A_226, %sign3A_233 : i32
        %rem3A_235 = arith.remsi %min3A_70, %jit3A_218 : i32
        %ne3A_236 = arith.constant 0 : i32
        %ne3A_237 = arith.cmpi ne, %rem3A_235, %ne3A_236 : i32
        %and3A_238 = arith.andi %ne3A_234, %ne3A_237 : i1
        %sub3A_239 = arith.constant 1 : i32
        %sub3A_240 = arith.subi %div3A_219, %sub3A_239 : i32
        %select_n3A_241 = arith.select %and3A_238, %sub3A_240, %div3A_219 : i32
        %sub3A_242 = arith.constant 1 : i32
        %sub3A_243 = arith.subi %select_n3A_241, %sub3A_242 : i32
        %lt3A_244 = arith.cmpi slt, %while3A_151, %sub3A_243 : i32
        %convert_element_type3A_245 = arith.extui %lt3A_244 : i1 to i32
        %cond3A_246 = arith.constant 0 : i32
        %cond3A_247 = arith.cmpi ne, %convert_element_type3A_245, %cond3A_246 : i32
        scf.if %cond3A_247 {
          %add3A_248 = arith.constant 2 : i32
          %add3A_249 = arith.addi %add3A_155, %add3A_248 : i32
          %dma_start3A_250 = arith.constant 0 : i32
          %dma_start3A_251 = arith.constant 0 : i32
          %dma_start3A_252 = tpu.memref_slice %arg8[%dma_start3A_250, %dma_start3A_251] : memref<128x128xf32, #tpu.memory_space<vmem>> -> memref<64x128xf32, #tpu.memory_space<vmem>>
          %dma_start3A_253 = arith.constant 0 : i32
          %dma_start3A_254 = tpu.memref_slice %arg5[%add3A_249, %dma_start3A_253] : memref<64x128xi32, #tpu.memory_space<vmem>> -> memref<1x64xi32, #tpu.memory_space<vmem>>
          %dma_start3A_255 = tpu.memref_squeeze %dma_start3A_254 : memref<1x64xi32, #tpu.memory_space<vmem>> -> memref<64xi32, #tpu.memory_space<vmem>>
          %dma_start3A_256 = arith.constant 0 : i32
          %dma_start3A_257 = arith.constant 0 : i32
          %dma_start3A_258 = tpu.memref_slice %arg2[%dma_start3A_256, %dma_start3A_257] : memref<10000x128xf32, #tpu.memory_space<hbm>> -> memref<10000x128xf32, #tpu.memory_space<hbm>>
          tpu.enqueue_indirect_dma source(%dma_start3A_258 : memref<10000x128xf32, #tpu.memory_space<hbm>>) target(%dma_start3A_252 : memref<64x128xf32, #tpu.memory_space<vmem>>) offsets(%dma_start3A_255 : memref<64xi32, #tpu.memory_space<vmem>>) semaphore(%arg12 : memref<!tpu.dma_semaphore, #tpu.memory_space<semaphore_mem>>)
          %add3A_259 = arith.constant 2 : i32
          %add3A_260 = arith.addi %add3A_155, %add3A_259 : i32
          %dma_start3A_261 = arith.constant 64 : i32
          %dma_start3A_262 = arith.constant 0 : i32
          %dma_start3A_263 = tpu.memref_slice %arg8[%dma_start3A_261, %dma_start3A_262] : memref<128x128xf32, #tpu.memory_space<vmem>> -> memref<64x128xf32, #tpu.memory_space<vmem>>
          %dma_start3A_264 = arith.constant 64 : i32
          %dma_start3A_265 = tpu.memref_slice %arg5[%add3A_260, %dma_start3A_264] : memref<64x128xi32, #tpu.memory_space<vmem>> -> memref<1x64xi32, #tpu.memory_space<vmem>>
          %dma_start3A_266 = tpu.memref_squeeze %dma_start3A_265 : memref<1x64xi32, #tpu.memory_space<vmem>> -> memref<64xi32, #tpu.memory_space<vmem>>
          %dma_start3A_267 = arith.constant 0 : i32
          %dma_start3A_268 = arith.constant 0 : i32
          %dma_start3A_269 = tpu.memref_slice %arg2[%dma_start3A_267, %dma_start3A_268] : memref<10000x128xf32, #tpu.memory_space<hbm>> -> memref<10000x128xf32, #tpu.memory_space<hbm>>
          tpu.enqueue_indirect_dma source(%dma_start3A_269 : memref<10000x128xf32, #tpu.memory_space<hbm>>) target(%dma_start3A_263 : memref<64x128xf32, #tpu.memory_space<vmem>>) offsets(%dma_start3A_266 : memref<64xi32, #tpu.memory_space<vmem>>) semaphore(%arg13 : memref<!tpu.dma_semaphore, #tpu.memory_space<semaphore_mem>>)
        } else {
        }
      }
      %while3A_150 = arith.constant 1 : i32
      scf.for %while3A_151 = %while3A_148 to %while3A_144 step %while3A_150  : i32 {
        %mul3A_152 = arith.constant 2 : i32
        %mul3A_153 = arith.muli %mul3A_152, %while3A_151 : i32
        %add3A_154 = arith.constant 1 : i32
        %add3A_155 = arith.addi %mul3A_153, %add3A_154 : i32
        %dma_wait3A = arith.constant 0 : i32
        %dma_wait3A_156 = arith.constant 0 : i32
        %dma_wait3A_157 = tpu.memref_slice %arg7[%dma_wait3A, %dma_wait3A_156] : memref<128x128xf32, #tpu.memory_space<vmem>> -> memref<64x128xf32, #tpu.memory_space<vmem>>
        %dma_wait3A_158 = arith.constant 0 : i32
        %dma_wait3A_159 = tpu.memref_slice %arg5[%mul3A_153, %dma_wait3A_158] : memref<64x128xi32, #tpu.memory_space<vmem>> -> memref<1x64xi32, #tpu.memory_space<vmem>>
        %dma_wait3A_160 = tpu.memref_squeeze %dma_wait3A_159 : memref<1x64xi32, #tpu.memory_space<vmem>> -> memref<64xi32, #tpu.memory_space<vmem>>
        %dma_wait3A_161 = arith.constant 0 : i32
        %dma_wait3A_162 = arith.constant 0 : i32
        %dma_wait3A_163 = tpu.memref_slice %arg2[%dma_wait3A_161, %dma_wait3A_162] : memref<10000x128xf32, #tpu.memory_space<hbm>> -> memref<10000x128xf32, #tpu.memory_space<hbm>>
        tpu.wait_indirect_dma semaphore(%arg10 : memref<!tpu.dma_semaphore, #tpu.memory_space<semaphore_mem>>) src(%dma_wait3A_163 : memref<10000x128xf32, #tpu.memory_space<hbm>>) dst(%dma_wait3A_157 : memref<64x128xf32, #tpu.memory_space<vmem>>)
        %dma_wait3A_164 = arith.constant 64 : i32
        %dma_wait3A_165 = arith.constant 0 : i32
        %dma_wait3A_166 = tpu.memref_slice %arg7[%dma_wait3A_164, %dma_wait3A_165] : memref<128x128xf32, #tpu.memory_space<vmem>> -> memref<64x128xf32, #tpu.memory_space<vmem>>
        %dma_wait3A_167 = arith.constant 64 : i32
        %dma_wait3A_168 = tpu.memref_slice %arg5[%mul3A_153, %dma_wait3A_167] : memref<64x128xi32, #tpu.memory_space<vmem>> -> memref<1x64xi32, #tpu.memory_space<vmem>>
        %dma_wait3A_169 = tpu.memref_squeeze %dma_wait3A_168 : memref<1x64xi32, #tpu.memory_space<vmem>> -> memref<64xi32, #tpu.memory_space<vmem>>
        %dma_wait3A_170 = arith.constant 0 : i32
        %dma_wait3A_171 = arith.constant 0 : i32
        %dma_wait3A_172 = tpu.memref_slice %arg2[%dma_wait3A_170, %dma_wait3A_171] : memref<10000x128xf32, #tpu.memory_space<hbm>> -> memref<10000x128xf32, #tpu.memory_space<hbm>>
        tpu.wait_indirect_dma semaphore(%arg11 : memref<!tpu.dma_semaphore, #tpu.memory_space<semaphore_mem>>) src(%dma_wait3A_172 : memref<10000x128xf32, #tpu.memory_space<hbm>>) dst(%dma_wait3A_166 : memref<64x128xf32, #tpu.memory_space<vmem>>)
        "tpu.region"() ({
          %run_scoped3A_248 = tpu.sem_alloc : memref<!tpu.dma_semaphore, #tpu.memory_space<semaphore_mem>>
          %dma_start3A_249 = arith.constant 0 : i32
          %dma_start3A_250 = tpu.memref_slice %arg6[%mul3A_153, %dma_start3A_249] : memref<64x128xi32, #tpu.memory_space<vmem>> -> memref<1x128xi32, #tpu.memory_space<vmem>>
          %dma_start3A_251 = tpu.memref_squeeze %dma_start3A_250 : memref<1x128xi32, #tpu.memory_space<vmem>> -> memref<128xi32, #tpu.memory_space<vmem>>
          %dma_start3A_252 = arith.constant 0 : i32
          %dma_start3A_253 = arith.constant 0 : i32
          %dma_start3A_254 = tpu.memref_slice %arg9[%dma_start3A_252, %dma_start3A_253] : memref<10112x128xf32, #tpu.memory_space<vmem_shared>> -> memref<10112x128xf32, #tpu.memory_space<vmem_shared>>
          tpu.enqueue_indirect_dma source(%arg7 : memref<128x128xf32, #tpu.memory_space<vmem>>) target(%dma_start3A_254 : memref<10112x128xf32, #tpu.memory_space<vmem_shared>>) offsets(%dma_start3A_251 : memref<128xi32, #tpu.memory_space<vmem>>) semaphore(%run_scoped3A_248 : memref<!tpu.dma_semaphore, #tpu.memory_space<semaphore_mem>>) {add = true}
          %dma_wait3A_255 = arith.constant 0 : i32
          %dma_wait3A_256 = tpu.memref_slice %arg6[%mul3A_153, %dma_wait3A_255] : memref<64x128xi32, #tpu.memory_space<vmem>> -> memref<1x128xi32, #tpu.memory_space<vmem>>
          %dma_wait3A_257 = tpu.memref_squeeze %dma_wait3A_256 : memref<1x128xi32, #tpu.memory_space<vmem>> -> memref<128xi32, #tpu.memory_space<vmem>>
          %dma_wait3A_258 = arith.constant 0 : i32
          %dma_wait3A_259 = arith.constant 0 : i32
          %dma_wait3A_260 = tpu.memref_slice %arg9[%dma_wait3A_258, %dma_wait3A_259] : memref<10112x128xf32, #tpu.memory_space<vmem_shared>> -> memref<10112x128xf32, #tpu.memory_space<vmem_shared>>
          tpu.wait_indirect_dma semaphore(%run_scoped3A_248 : memref<!tpu.dma_semaphore, #tpu.memory_space<semaphore_mem>>) src(%arg7 : memref<128x128xf32, #tpu.memory_space<vmem>>) dst(%dma_wait3A_260 : memref<10112x128xf32, #tpu.memory_space<vmem_shared>>)
          tpu.yield
        }) : () -> ()
        %jit3A_173 = arith.constant 2 : i32
        %div3A_174 = arith.divsi %min3A_70, %jit3A_173 : i32
        %sign3A_175 = arith.constant 0 : i32
        %sign3A_176 = arith.cmpi sgt, %min3A_70, %sign3A_175 : i32
        %sign3A_177 = arith.extui %sign3A_176 : i1 to i32
        %sign3A_178 = arith.constant 0 : i32
        %sign3A_179 = arith.cmpi slt, %min3A_70, %sign3A_178 : i32
        %sign3A_180 = arith.extui %sign3A_179 : i1 to i32
        %sign3A_181 = arith.subi %sign3A_177, %sign3A_180 : i32
        %sign3A_182 = arith.constant 0 : i32
        %sign3A_183 = arith.cmpi sgt, %jit3A_173, %sign3A_182 : i32
        %sign3A_184 = arith.extui %sign3A_183 : i1 to i32
        %sign3A_185 = arith.constant 0 : i32
        %sign3A_186 = arith.cmpi slt, %jit3A_173, %sign3A_185 : i32
        %sign3A_187 = arith.extui %sign3A_186 : i1 to i32
        %sign3A_188 = arith.subi %sign3A_184, %sign3A_187 : i32
        %ne3A_189 = arith.cmpi ne, %sign3A_181, %sign3A_188 : i32
        %rem3A_190 = arith.remsi %min3A_70, %jit3A_173 : i32
        %ne3A_191 = arith.constant 0 : i32
        %ne3A_192 = arith.cmpi ne, %rem3A_190, %ne3A_191 : i32
        %and3A_193 = arith.andi %ne3A_189, %ne3A_192 : i1
        %sub3A_194 = arith.constant 1 : i32
        %sub3A_195 = arith.subi %div3A_174, %sub3A_194 : i32
        %select_n3A_196 = arith.select %and3A_193, %sub3A_195, %div3A_174 : i32
        %sub3A_197 = arith.constant 1 : i32
        %sub3A_198 = arith.subi %select_n3A_196, %sub3A_197 : i32
        %lt3A = arith.cmpi slt, %while3A_151, %sub3A_198 : i32
        %convert_element_type3A = arith.extui %lt3A : i1 to i32
        %cond3A = arith.constant 0 : i32
        %cond3A_199 = arith.cmpi ne, %convert_element_type3A, %cond3A : i32
        scf.if %cond3A_199 {
          %add3A_248 = arith.constant 2 : i32
          %add3A_249 = arith.addi %mul3A_153, %add3A_248 : i32
          %dma_start3A_250 = arith.constant 0 : i32
          %dma_start3A_251 = arith.constant 0 : i32
          %dma_start3A_252 = tpu.memref_slice %arg7[%dma_start3A_250, %dma_start3A_251] : memref<128x128xf32, #tpu.memory_space<vmem>> -> memref<64x128xf32, #tpu.memory_space<vmem>>
          %dma_start3A_253 = arith.constant 0 : i32
          %dma_start3A_254 = tpu.memref_slice %arg5[%add3A_249, %dma_start3A_253] : memref<64x128xi32, #tpu.memory_space<vmem>> -> memref<1x64xi32, #tpu.memory_space<vmem>>
          %dma_start3A_255 = tpu.memref_squeeze %dma_start3A_254 : memref<1x64xi32, #tpu.memory_space<vmem>> -> memref<64xi32, #tpu.memory_space<vmem>>
          %dma_start3A_256 = arith.constant 0 : i32
          %dma_start3A_257 = arith.constant 0 : i32
          %dma_start3A_258 = tpu.memref_slice %arg2[%dma_start3A_256, %dma_start3A_257] : memref<10000x128xf32, #tpu.memory_space<hbm>> -> memref<10000x128xf32, #tpu.memory_space<hbm>>
          tpu.enqueue_indirect_dma source(%dma_start3A_258 : memref<10000x128xf32, #tpu.memory_space<hbm>>) target(%dma_start3A_252 : memref<64x128xf32, #tpu.memory_space<vmem>>) offsets(%dma_start3A_255 : memref<64xi32, #tpu.memory_space<vmem>>) semaphore(%arg10 : memref<!tpu.dma_semaphore, #tpu.memory_space<semaphore_mem>>)
          %add3A_259 = arith.constant 2 : i32
          %add3A_260 = arith.addi %mul3A_153, %add3A_259 : i32
          %dma_start3A_261 = arith.constant 64 : i32
          %dma_start3A_262 = arith.constant 0 : i32
          %dma_start3A_263 = tpu.memref_slice %arg7[%dma_start3A_261, %dma_start3A_262] : memref<128x128xf32, #tpu.memory_space<vmem>> -> memref<64x128xf32, #tpu.memory_space<vmem>>
          %dma_start3A_264 = arith.constant 64 : i32
          %dma_start3A_265 = tpu.memref_slice %arg5[%add3A_260, %dma_start3A_264] : memref<64x128xi32, #tpu.memory_space<vmem>> -> memref<1x64xi32, #tpu.memory_space<vmem>>
          %dma_start3A_266 = tpu.memref_squeeze %dma_start3A_265 : memref<1x64xi32, #tpu.memory_space<vmem>> -> memref<64xi32, #tpu.memory_space<vmem>>
          %dma_start3A_267 = arith.constant 0 : i32
          %dma_start3A_268 = arith.constant 0 : i32
          %dma_start3A_269 = tpu.memref_slice %arg2[%dma_start3A_267, %dma_start3A_268] : memref<10000x128xf32, #tpu.memory_space<hbm>> -> memref<10000x128xf32, #tpu.memory_space<hbm>>
          tpu.enqueue_indirect_dma source(%dma_start3A_269 : memref<10000x128xf32, #tpu.memory_space<hbm>>) target(%dma_start3A_263 : memref<64x128xf32, #tpu.memory_space<vmem>>) offsets(%dma_start3A_266 : memref<64xi32, #tpu.memory_space<vmem>>) semaphore(%arg11 : memref<!tpu.dma_semaphore, #tpu.memory_space<semaphore_mem>>)
        } else {
        }
        %dma_wait3A_200 = arith.constant 0 : i32
        %dma_wait3A_201 = arith.constant 0 : i32
        %dma_wait3A_202 = tpu.memref_slice %arg8[%dma_wait3A_200, %dma_wait3A_201] : memref<128x128xf32, #tpu.memory_space<vmem>> -> memref<64x128xf32, #tpu.memory_space<vmem>>
        %dma_wait3A_203 = arith.constant 0 : i32
        %dma_wait3A_204 = tpu.memref_slice %arg5[%add3A_155, %dma_wait3A_203] : memref<64x128xi32, #tpu.memory_space<vmem>> -> memref<1x64xi32, #tpu.memory_space<vmem>>
        %dma_wait3A_205 = tpu.memref_squeeze %dma_wait3A_204 : memref<1x64xi32, #tpu.memory_space<vmem>> -> memref<64xi32, #tpu.memory_space<vmem>>
        %dma_wait3A_206 = arith.constant 0 : i32
        %dma_wait3A_207 = arith.constant 0 : i32
        %dma_wait3A_208 = tpu.memref_slice %arg2[%dma_wait3A_206, %dma_wait3A_207] : memref<10000x128xf32, #tpu.memory_space<hbm>> -> memref<10000x128xf32, #tpu.memory_space<hbm>>
        tpu.wait_indirect_dma semaphore(%arg12 : memref<!tpu.dma_semaphore, #tpu.memory_space<semaphore_mem>>) src(%dma_wait3A_208 : memref<10000x128xf32, #tpu.memory_space<hbm>>) dst(%dma_wait3A_202 : memref<64x128xf32, #tpu.memory_space<vmem>>)
        %dma_wait3A_209 = arith.constant 64 : i32
        %dma_wait3A_210 = arith.constant 0 : i32
        %dma_wait3A_211 = tpu.memref_slice %arg8[%dma_wait3A_209, %dma_wait3A_210] : memref<128x128xf32, #tpu.memory_space<vmem>> -> memref<64x128xf32, #tpu.memory_space<vmem>>
        %dma_wait3A_212 = arith.constant 64 : i32
        %dma_wait3A_213 = tpu.memref_slice %arg5[%add3A_155, %dma_wait3A_212] : memref<64x128xi32, #tpu.memory_space<vmem>> -> memref<1x64xi32, #tpu.memory_space<vmem>>
        %dma_wait3A_214 = tpu.memref_squeeze %dma_wait3A_213 : memref<1x64xi32, #tpu.memory_space<vmem>> -> memref<64xi32, #tpu.memory_space<vmem>>
        %dma_wait3A_215 = arith.constant 0 : i32
        %dma_wait3A_216 = arith.constant 0 : i32
        %dma_wait3A_217 = tpu.memref_slice %arg2[%dma_wait3A_215, %dma_wait3A_216] : memref<10000x128xf32, #tpu.memory_space<hbm>> -> memref<10000x128xf32, #tpu.memory_space<hbm>>
        tpu.wait_indirect_dma semaphore(%arg13 : memref<!tpu.dma_semaphore, #tpu.memory_space<semaphore_mem>>) src(%dma_wait3A_217 : memref<10000x128xf32, #tpu.memory_space<hbm>>) dst(%dma_wait3A_211 : memref<64x128xf32, #tpu.memory_space<vmem>>)
        "tpu.region"() ({
          %run_scoped3A_248 = tpu.sem_alloc : memref<!tpu.dma_semaphore, #tpu.memory_space<semaphore_mem>>
          %dma_start3A_249 = arith.constant 0 : i32
          %dma_start3A_250 = tpu.memref_slice %arg6[%add3A_155, %dma_start3A_249] : memref<64x128xi32, #tpu.memory_space<vmem>> -> memref<1x128xi32, #tpu.memory_space<vmem>>
          %dma_start3A_251 = tpu.memref_squeeze %dma_start3A_250 : memref<1x128xi32, #tpu.memory_space<vmem>> -> memref<128xi32, #tpu.memory_space<vmem>>
          %dma_start3A_252 = arith.constant 0 : i32
          %dma_start3A_253 = arith.constant 0 : i32
          %dma_start3A_254 = tpu.memref_slice %arg9[%dma_start3A_252, %dma_start3A_253] : memref<10112x128xf32, #tpu.memory_space<vmem_shared>> -> memref<10112x128xf32, #tpu.memory_space<vmem_shared>>
          tpu.enqueue_indirect_dma source(%arg8 : memref<128x128xf32, #tpu.memory_space<vmem>>) target(%dma_start3A_254 : memref<10112x128xf32, #tpu.memory_space<vmem_shared>>) offsets(%dma_start3A_251 : memref<128xi32, #tpu.memory_space<vmem>>) semaphore(%run_scoped3A_248 : memref<!tpu.dma_semaphore, #tpu.memory_space<semaphore_mem>>) {add = true}
          %dma_wait3A_255 = arith.constant 0 : i32
          %dma_wait3A_256 = tpu.memref_slice %arg6[%add3A_155, %dma_wait3A_255] : memref<64x128xi32, #tpu.memory_space<vmem>> -> memref<1x128xi32, #tpu.memory_space<vmem>>
          %dma_wait3A_257 = tpu.memref_squeeze %dma_wait3A_256 : memref<1x128xi32, #tpu.memory_space<vmem>> -> memref<128xi32, #tpu.memory_space<vmem>>
          %dma_wait3A_258 = arith.constant 0 : i32
          %dma_wait3A_259 = arith.constant 0 : i32
          %dma_wait3A_260 = tpu.memref_slice %arg9[%dma_wait3A_258, %dma_wait3A_259] : memref<10112x128xf32, #tpu.memory_space<vmem_shared>> -> memref<10112x128xf32, #tpu.memory_space<vmem_shared>>
          tpu.wait_indirect_dma semaphore(%run_scoped3A_248 : memref<!tpu.dma_semaphore, #tpu.memory_space<semaphore_mem>>) src(%arg8 : memref<128x128xf32, #tpu.memory_space<vmem>>) dst(%dma_wait3A_260 : memref<10112x128xf32, #tpu.memory_space<vmem_shared>>)
          tpu.yield
        }) : () -> ()
        %jit3A_218 = arith.constant 2 : i32
        %div3A_219 = arith.divsi %min3A_70, %jit3A_218 : i32
        %sign3A_220 = arith.constant 0 : i32
        %sign3A_221 = arith.cmpi sgt, %min3A_70, %sign3A_220 : i32
        %sign3A_222 = arith.extui %sign3A_221 : i1 to i32
        %sign3A_223 = arith.constant 0 : i32
        %sign3A_224 = arith.cmpi slt, %min3A_70, %sign3A_223 : i32
        %sign3A_225 = arith.extui %sign3A_224 : i1 to i32
        %sign3A_226 = arith.subi %sign3A_222, %sign3A_225 : i32
        %sign3A_227 = arith.constant 0 : i32
        %sign3A_228 = arith.cmpi sgt, %jit3A_218, %sign3A_227 : i32
        %sign3A_229 = arith.extui %sign3A_228 : i1 to i32
        %sign3A_230 = arith.constant 0 : i32
        %sign3A_231 = arith.cmpi slt, %jit3A_218, %sign3A_230 : i32
        %sign3A_232 = arith.extui %sign3A_231 : i1 to i32
        %sign3A_233 = arith.subi %sign3A_229, %sign3A_232 : i32
        %ne3A_234 = arith.cmpi ne, %sign3A_226, %sign3A_233 : i32
        %rem3A_235 = arith.remsi %min3A_70, %jit3A_218 : i32
        %ne3A_236 = arith.constant 0 : i32
        %ne3A_237 = arith.cmpi ne, %rem3A_235, %ne3A_236 : i32
        %and3A_238 = arith.andi %ne3A_234, %ne3A_237 : i1
        %sub3A_239 = arith.constant 1 : i32
        %sub3A_240 = arith.subi %div3A_219, %sub3A_239 : i32
        %select_n3A_241 = arith.select %and3A_238, %sub3A_240, %div3A_219 : i32
        %sub3A_242 = arith.constant 1 : i32
        %sub3A_243 = arith.subi %select_n3A_241, %sub3A_242 : i32
        %lt3A_244 = arith.cmpi slt, %while3A_151, %sub3A_243 : i32
        %convert_element_type3A_245 = arith.extui %lt3A_244 : i1 to i32
        %cond3A_246 = arith.constant 0 : i32
        %cond3A_247 = arith.cmpi ne, %convert_element_type3A_245, %cond3A_246 : i32
        scf.if %cond3A_247 {
          %add3A_248 = arith.constant 2 : i32
          %add3A_249 = arith.addi %add3A_155, %add3A_248 : i32
          %dma_start3A_250 = arith.constant 0 : i32
          %dma_start3A_251 = arith.constant 0 : i32
          %dma_start3A_252 = tpu.memref_slice %arg8[%dma_start3A_250, %dma_start3A_251] : memref<128x128xf32, #tpu.memory_space<vmem>> -> memref<64x128xf32, #tpu.memory_space<vmem>>
          %dma_start3A_253 = arith.constant 0 : i32
          %dma_start3A_254 = tpu.memref_slice %arg5[%add3A_249, %dma_start3A_253] : memref<64x128xi32, #tpu.memory_space<vmem>> -> memref<1x64xi32, #tpu.memory_space<vmem>>
          %dma_start3A_255 = tpu.memref_squeeze %dma_start3A_254 : memref<1x64xi32, #tpu.memory_space<vmem>> -> memref<64xi32, #tpu.memory_space<vmem>>
          %dma_start3A_256 = arith.constant 0 : i32
          %dma_start3A_257 = arith.constant 0 : i32
          %dma_start3A_258 = tpu.memref_slice %arg2[%dma_start3A_256, %dma_start3A_257] : memref<10000x128xf32, #tpu.memory_space<hbm>> -> memref<10000x128xf32, #tpu.memory_space<hbm>>
          tpu.enqueue_indirect_dma source(%dma_start3A_258 : memref<10000x128xf32, #tpu.memory_space<hbm>>) target(%dma_start3A_252 : memref<64x128xf32, #tpu.memory_space<vmem>>) offsets(%dma_start3A_255 : memref<64xi32, #tpu.memory_space<vmem>>) semaphore(%arg12 : memref<!tpu.dma_semaphore, #tpu.memory_space<semaphore_mem>>)
          %add3A_259 = arith.constant 2 : i32
          %add3A_260 = arith.addi %add3A_155, %add3A_259 : i32
          %dma_start3A_261 = arith.constant 64 : i32
          %dma_start3A_262 = arith.constant 0 : i32
          %dma_start3A_263 = tpu.memref_slice %arg8[%dma_start3A_261, %dma_start3A_262] : memref<128x128xf32, #tpu.memory_space<vmem>> -> memref<64x128xf32, #tpu.memory_space<vmem>>
          %dma_start3A_264 = arith.constant 64 : i32
          %dma_start3A_265 = tpu.memref_slice %arg5[%add3A_260, %dma_start3A_264] : memref<64x128xi32, #tpu.memory_space<vmem>> -> memref<1x64xi32, #tpu.memory_space<vmem>>
          %dma_start3A_266 = tpu.memref_squeeze %dma_start3A_265 : memref<1x64xi32, #tpu.memory_space<vmem>> -> memref<64xi32, #tpu.memory_space<vmem>>
          %dma_start3A_267 = arith.constant 0 : i32
          %dma_start3A_268 = arith.constant 0 : i32
          %dma_start3A_269 = tpu.memref_slice %arg2[%dma_start3A_267, %dma_start3A_268] : memref<10000x128xf32, #tpu.memory_space<hbm>> -> memref<10000x128xf32, #tpu.memory_space<hbm>>
          tpu.enqueue_indirect_dma source(%dma_start3A_269 : memref<10000x128xf32, #tpu.memory_space<hbm>>) target(%dma_start3A_263 : memref<64x128xf32, #tpu.memory_space<vmem>>) offsets(%dma_start3A_266 : memref<64xi32, #tpu.memory_space<vmem>>) semaphore(%arg13 : memref<!tpu.dma_semaphore, #tpu.memory_space<semaphore_mem>>)
        } else {
        }
      }
    }
    %barrier3A_61 = arith.constant 0 : index
    tpu.barrier barrier_id(%barrier3A_61)
    %mul3A_62 = arith.constant 632 : i32
    %mul3A_63 = arith.muli %arg1, %mul3A_62 : i32
    %mul3A_64 = arith.constant 632 : i32
    %mul3A_65 = arith.muli %arg1, %mul3A_64 : i32
    "tpu.region"() ({
      %run_scoped3A = tpu.sem_alloc : memref<!tpu.dma_semaphore, #tpu.memory_space<semaphore_mem>>
      %dma_start3A = arith.constant 0 : i32
      %dma_start3A_66 = tpu.memref_slice %arg4[%arg0, %mul3A_65, %dma_start3A] : memref<2x10112x128xf32, #tpu.memory_space<hbm>> -> memref<1x632x128xf32, #tpu.memory_space<hbm>>
      %dma_start3A_67 = tpu.memref_squeeze %dma_start3A_66 : memref<1x632x128xf32, #tpu.memory_space<hbm>> -> memref<632x128xf32, #tpu.memory_space<hbm>>
      %dma_start3A_68 = arith.constant 0 : i32
      %dma_start3A_69 = tpu.memref_slice %arg9[%mul3A_63, %dma_start3A_68] : memref<10112x128xf32, #tpu.memory_space<vmem_shared>> -> memref<632x128xf32, #tpu.memory_space<vmem_shared>>
      tpu.enqueue_dma source(%dma_start3A_69 : memref<632x128xf32, #tpu.memory_space<vmem_shared>>) target(%dma_start3A_67 : memref<632x128xf32, #tpu.memory_space<hbm>>) target_semaphore(%run_scoped3A : memref<!tpu.dma_semaphore, #tpu.memory_space<semaphore_mem>>)
      %dma_wait3A = arith.constant 0 : i32
      %dma_wait3A_70 = tpu.memref_slice %arg4[%arg0, %mul3A_65, %dma_wait3A] : memref<2x10112x128xf32, #tpu.memory_space<hbm>> -> memref<1x632x128xf32, #tpu.memory_space<hbm>>
      %dma_wait3A_71 = tpu.memref_squeeze %dma_wait3A_70 : memref<1x632x128xf32, #tpu.memory_space<hbm>> -> memref<632x128xf32, #tpu.memory_space<hbm>>
      %dma_wait3A_72 = arith.constant 0 : i32
      %dma_wait3A_73 = tpu.memref_slice %arg9[%mul3A_63, %dma_wait3A_72] : memref<10112x128xf32, #tpu.memory_space<vmem_shared>> -> memref<632x128xf32, #tpu.memory_space<vmem_shared>>
      tpu.wait_dma2 semaphore(%run_scoped3A : memref<!tpu.dma_semaphore, #tpu.memory_space<semaphore_mem>>) src(%dma_wait3A_73 : memref<632x128xf32, #tpu.memory_space<vmem_shared>>) dst(%dma_wait3A_71 : memref<632x128xf32, #tpu.memory_space<hbm>>)
      tpu.yield
    }) : () -> ()
    return
  }
}

module attributes {stable_mosaic.version = 14 : i64} {
  func.func @_y_body(%arg0: i32, %arg1: memref<400x128xf32, #tpu.memory_space<vmem>>, %arg2: memref<128x128xf32, #tpu.memory_space<vmem>>, %arg3: memref<1x128xf32, #tpu.memory_space<vmem>>, %arg4: memref<400x2xf32, #tpu.memory_space<vmem>>, %arg5: memref<400x128xf32, #tpu.memory_space<vmem>>) attributes {dimension_semantics = [#tpu.dimension_semantics<arbitrary>], iteration_bounds = array<i64: 25>, scalar_prefetch = 0 : i64, scratch_operands = 0 : i64, tpu.core_type = #tpu.core_type<tc>, window_params = [{transform_indices = @transform_0, window_bounds = array<i64: 400, 128>}, {pipeline_mode = #tpu.pipeline_mode<synchronous>, transform_indices = @transform_1, window_bounds = array<i64: 128, 128>}, {pipeline_mode = #tpu.pipeline_mode<synchronous>, transform_indices = @transform_2, window_bounds = array<i64: 1, 128>}, {transform_indices = @transform_3, window_bounds = array<i64: 400, 2>}, {transform_indices = @transform_4, window_bounds = array<i64: 400, 128>}]} {
    %get3A = arith.constant 0 : index
    %get3A_0 = arith.constant 0 : index
    %get3A_1 = vector.load %arg4[%get3A, %get3A_0] : memref<400x2xf32, #tpu.memory_space<vmem>>, vector<400x1xf32>
    %get3A_2 = arith.constant 0 : index
    %get3A_3 = arith.constant 1 : index
    %get3A_4 = vector.load %arg4[%get3A_2, %get3A_3] : memref<400x2xf32, #tpu.memory_space<vmem>>, vector<400x1xf32>
    %add3A = arith.addf %get3A_1, %get3A_4 : vector<400x1xf32>
    %add3A_5 = arith.constant 1.000000e+00 : f32
    %add3A_6 = vector.broadcast %add3A_5 : f32 to vector<400x1xf32>
    %add3A_7 = arith.addf %add3A, %add3A_6 : vector<400x1xf32>
    %rsqrt3A = math.rsqrt %add3A_7 : vector<400x1xf32>
    %get3A_8 = arith.constant 0 : index
    %get3A_9 = arith.constant 0 : index
    %get3A_10 = vector.load %arg1[%get3A_8, %get3A_9] : memref<400x128xf32, #tpu.memory_space<vmem>>, vector<400x128xf32>
    %get3A_11 = arith.constant 0 : index
    %get3A_12 = arith.constant 0 : index
    %get3A_13 = vector.load %arg2[%get3A_11, %get3A_12] : memref<128x128xf32, #tpu.memory_space<vmem>>, vector<128x128xf32>
    %dot_general3A = arith.constant dense<0.000000e+00> : vector<400x128xf32>
    %dot_general3A_14 = tpu.matmul %get3A_10, %get3A_13, %dot_general3A {dimension_numbers = #tpu.dot_dimension_numbers<[1], [1], [0], [0], [0, 0, 1, 0], [], []>, transpose_lhs_hint = false} : vector<400x128xf32>, vector<128x128xf32>, vector<400x128xf32> -> vector<400x128xf32>
    %get3A_15 = arith.constant 0 : index
    %get3A_16 = arith.constant 0 : index
    %get3A_17 = vector.load %arg3[%get3A_15, %get3A_16] : memref<1x128xf32, #tpu.memory_space<vmem>>, vector<1x128xf32>
    %add3A_18 = vector.broadcast %get3A_17 : vector<1x128xf32> to vector<400x128xf32>
    %add3A_19 = arith.addf %dot_general3A_14, %add3A_18 : vector<400x128xf32>
    %mul3A = vector.broadcast %rsqrt3A : vector<400x1xf32> to vector<400x128xf32>
    %mul3A_20 = arith.mulf %add3A_19, %mul3A : vector<400x128xf32>
    %swap3A = arith.constant 0 : index
    %swap3A_21 = arith.constant 0 : index
    %swap3A_22 = vector.load %arg5[%swap3A, %swap3A_21] : memref<400x128xf32, #tpu.memory_space<vmem>>, vector<400x128xf32>
    tpu.vector_store %arg5[%swap3A, %swap3A_21], %mul3A_20 {strides = array<i32>} : memref<400x128xf32, #tpu.memory_space<vmem>>, vector<400x128xf32>,
    return
  }
  func.func @transform_0(%arg0: i32) -> (i32, i32) {
    %c0_i32 = arith.constant 0 : i32
    %c0_i32_0 = arith.constant 0 : i32
    return %arg0, %c0_i32 : i32, i32
  }
  func.func @transform_1(%arg0: i32) -> (i32, i32) {
    %c0_i32 = arith.constant 0 : i32
    %c0_i32_0 = arith.constant 0 : i32
    %c0_i32_1 = arith.constant 0 : i32
    return %c0_i32, %c0_i32_0 : i32, i32
  }
  func.func @transform_2(%arg0: i32) -> (i32, i32) {
    %c0_i32 = arith.constant 0 : i32
    %c0_i32_0 = arith.constant 0 : i32
    %c0_i32_1 = arith.constant 0 : i32
    return %c0_i32, %c0_i32_0 : i32, i32
  }
  func.func @transform_3(%arg0: i32) -> (i32, i32) {
    %c0_i32 = arith.constant 0 : i32
    %c0_i32_0 = arith.constant 0 : i32
    return %arg0, %c0_i32 : i32, i32
  }
  func.func @transform_4(%arg0: i32) -> (i32, i32) {
    %c0_i32 = arith.constant 0 : i32
    %c0_i32_0 = arith.constant 0 : i32
    return %arg0, %c0_i32 : i32, i32
  }
}

module attributes {stable_mosaic.version = 14 : i64} {
  func.func @_out_body(%arg0: i32, %arg1: memref<400x128xf32, #tpu.memory_space<vmem>>, %arg2: memref<400x128xf32, #tpu.memory_space<vmem>>, %arg3: memref<400x128xf32, #tpu.memory_space<vmem>>, %arg4: memref<400x2xf32, #tpu.memory_space<vmem>>, %arg5: memref<400x128xf32, #tpu.memory_space<vmem>>) attributes {dimension_semantics = [#tpu.dimension_semantics<arbitrary>], iteration_bounds = array<i64: 25>, scalar_prefetch = 0 : i64, scratch_operands = 0 : i64, tpu.core_type = #tpu.core_type<tc>, window_params = [{transform_indices = @transform_0, window_bounds = array<i64: 400, 128>}, {transform_indices = @transform_1, window_bounds = array<i64: 400, 128>}, {transform_indices = @transform_2, window_bounds = array<i64: 400, 128>}, {transform_indices = @transform_3, window_bounds = array<i64: 400, 2>}, {transform_indices = @transform_4, window_bounds = array<i64: 400, 128>}]} {
    %get3A = arith.constant 0 : index
    %get3A_0 = arith.constant 0 : index
    %get3A_1 = vector.load %arg4[%get3A, %get3A_0] : memref<400x2xf32, #tpu.memory_space<vmem>>, vector<400x1xf32>
    %get3A_2 = arith.constant 0 : index
    %get3A_3 = arith.constant 1 : index
    %get3A_4 = vector.load %arg4[%get3A_2, %get3A_3] : memref<400x2xf32, #tpu.memory_space<vmem>>, vector<400x1xf32>
    %add3A = arith.addf %get3A_1, %get3A_4 : vector<400x1xf32>
    %add3A_5 = arith.constant 1.000000e+00 : f32
    %add3A_6 = vector.broadcast %add3A_5 : f32 to vector<400x1xf32>
    %add3A_7 = arith.addf %add3A, %add3A_6 : vector<400x1xf32>
    %rsqrt3A = math.rsqrt %add3A_7 : vector<400x1xf32>
    %get3A_8 = arith.constant 0 : index
    %get3A_9 = arith.constant 0 : index
    %get3A_10 = vector.load %arg1[%get3A_8, %get3A_9] : memref<400x128xf32, #tpu.memory_space<vmem>>, vector<400x128xf32>
    %get3A_11 = arith.constant 0 : index
    %get3A_12 = arith.constant 0 : index
    %get3A_13 = vector.load %arg2[%get3A_11, %get3A_12] : memref<400x128xf32, #tpu.memory_space<vmem>>, vector<400x128xf32>
    %add3A_14 = arith.addf %get3A_10, %get3A_13 : vector<400x128xf32>
    %get3A_15 = arith.constant 0 : index
    %get3A_16 = arith.constant 0 : index
    %get3A_17 = vector.load %arg3[%get3A_15, %get3A_16] : memref<400x128xf32, #tpu.memory_space<vmem>>, vector<400x128xf32>
    %add3A_18 = arith.addf %add3A_14, %get3A_17 : vector<400x128xf32>
    %mul3A = vector.broadcast %rsqrt3A : vector<400x1xf32> to vector<400x128xf32>
    %mul3A_19 = arith.mulf %add3A_18, %mul3A : vector<400x128xf32>
    %swap3A = arith.constant 0 : index
    %swap3A_20 = arith.constant 0 : index
    %swap3A_21 = vector.load %arg5[%swap3A, %swap3A_20] : memref<400x128xf32, #tpu.memory_space<vmem>>, vector<400x128xf32>
    tpu.vector_store %arg5[%swap3A, %swap3A_20], %mul3A_19 {strides = array<i32>} : memref<400x128xf32, #tpu.memory_space<vmem>>, vector<400x128xf32>,
    return
  }
  func.func @transform_0(%arg0: i32) -> (i32, i32) {
    %c0_i32 = arith.constant 0 : i32
    %c0_i32_0 = arith.constant 0 : i32
    return %arg0, %c0_i32 : i32, i32
  }
  func.func @transform_1(%arg0: i32) -> (i32, i32) {
    %c0_i32 = arith.constant 0 : i32
    %c0_i32_0 = arith.constant 0 : i32
    return %arg0, %c0_i32 : i32, i32
  }
  func.func @transform_2(%arg0: i32) -> (i32, i32) {
    %c0_i32 = arith.constant 0 : i32
    %c0_i32_0 = arith.constant 0 : i32
    return %arg0, %c0_i32 : i32, i32
  }
  func.func @transform_3(%arg0: i32) -> (i32, i32) {
    %c0_i32 = arith.constant 0 : i32
    %c0_i32_0 = arith.constant 0 : i32
    return %arg0, %c0_i32 : i32, i32
  }
  func.func @transform_4(%arg0: i32) -> (i32, i32) {
    %c0_i32 = arith.constant 0 : i32
    %c0_i32_0 = arith.constant 0 : i32
    return %arg0, %c0_i32 : i32, i32
  }
}

</mosaic_0001>

<sc_bundles>
// kernel: kernel.6.cloned.1.call-start
scs
__scs_entry_jumppad:
0x0: {  	(pc) =	sbr.rel $0x88, $3  }
0x1: {  	(tag) =	ssettag $0x0;
	lr =	simm.s32 $0x1  }
0x2: {  	[smem:$0x3F9D] =	sst lr;
	_ =	strace $0xD0000000  }
0x3: {  	_ = 	snop  }
0x4: {  	_ = 	snop  }
0x5: {  	_ = 	snop  }
0x6: {  	_ = 	snop  }
0x7: {  	_ = 	snop  }
__scs_overlays_trampoline_lowered:
0x8: {  	[smem:$0x3FAC] =	sst s0  }
0x9: {  	[smem:$0x3FAD] =	sst s1  }
0xa: {  	[smem:$0x3FAE] =	sst s2  }
0xb: {  	[smem:$0x3FAF] =	sst s3  }
0xc: {  	[smem:$0x3FB0] =	sst s4  }
0xd: {  	[smem:$0x3FB1] =	sst s5  }
0xe: {  	[smem:$0x3FB2] =	sst s6  }
0xf: {  	[smem:$0x3FB3] =	sst s7  }
0x10: {  	[smem:$0x3FB4] =	sst s8  }
0x11: {  	[smem:$0x3FB5] =	sst s9;
	s0 =	simm.s32 @!p0 $0x0  }
0x12: {  	s1 =	sld [smem:$0x3F9B];
	s0 =	simm.s32 @p0 $0x1  }
0x13: {  	[smem:$0x3FB6] =	sst s0;
	s0 =	simm.s32 @!p1 $0x0  }
0x14: {  	s2 =	sld [smem:$0x3F9A];
	s0 =	simm.s32 @p1 $0x1  }
0x15: {  	[smem:$0x3FB7] =	sst s0;
	s0 =	simm.s32 @!p2 $0x0  }
0x16: {  	s3 =	sld [smem:$0x3FDB];
	s0 =	simm.s32 @p2 $0x1  }
0x17: {  	s4 =	simm.s32 $0x1BF5;
	[smem:$0x3FB9] =	sst s0  }
0x18: {  	s0 =	sld [smem:$0x3F9C];
	_ =	swait.ge [sflag:s4], $0x0  }
0x19: {  	s7 =	sld [smem:$0x3F9D]  }
0x1a: {  	s8 =	sadd.s32 $0xFFFFE003, lr  }
0x1b: {  	s9 =	sadd.s32 $0xFFFFFEF7, lr;
	s5 =	simm.s32 $0xFFFFFFFF;
	p2 =	slt.u32 s8, $0xFFFFF086  }
0x1c: {  	p1 =	slt.u32 s9, $0xF7A;
	s5 =	simm.s32 @!p2 $0x0  }
0x1d: {  	s5 =	simm.s32 @p1 $0x1;
	p0 =	seq.s32 s7, s2  }
0x1e: {  	s7 =	smul.u32 @!p0 $0xF7A, s2;
	p2 =	seq.s32 @!p0 s5, $0x0  }
0x1f: {  	s9 =	smul.u32 $0xF7A, s1;
	s8 =	simm.s32 @!p0 $0x1BF5;
	p2 =	por !p2, p0  }
0x20: {  	[sflag:s8] =	ssyncset.s32 @!p0 $0xFFFFF086;
	s6 =	sadd.s32 @!p0 s3, s7;
	s7 =	simm.s32 @!p0 $0x108  }
0x21: {  	s3 =	sadd.s32 s3, s9;
	s6 =	sadd.s32 @!p0 $0x88, s6;
	s7 =	simm.s32 @p2 $0x1082  }
0x22: {  	[simem:s7], [sflag:s8] =	dma.local @!p0 [hbm:s6], $0xF7A  }
0x23: {  	s9 =	sor.u32 $0xD0000000, s2;
	s6 =	simm.s32 $0x108;
	_ =	swait.ge @!p0 [sflag:s8], $0x0  }
0x24: {  	s3 =	sadd.s32 $0x88, s3;
	s6 =	simm.s32 @!p1 $0x1082;
	[sflag:s4] =	ssyncset.s32 $0xFFFFF086  }
0x25: {  	[simem:s6], [sflag:s4] =	dma.local [hbm:s3], $0xF7A  }
0x26: {  	[smem:$0x3F9D] =	sst s1;
	(tag) =	ssettag s2;
	_ =	strace s9  }
0x27: {  	s1 =	sld [smem:$0x3FAD]  }
0x28: {  	s2 =	sld [smem:$0x3FAE]  }
0x29: {  	s4 =	sld [smem:$0x3FB0]  }
0x2a: {  	p0 =	seq.s32 s5, $0x0;
	s5 =	sld [smem:$0x3FB1]  }
0x2b: {  	s6 =	sld [smem:$0x3FB2]  }
0x2c: {  	s7 =	sld [smem:$0x3FB3]  }
0x2d: {  	s3 =	simm.s32 $0x108;
	s8 =	sld [smem:$0x3FB4]  }
0x2e: {  	s3 =	simm.s32 @!p0 $0x1082;
	s9 =	sld [smem:$0x3FB5]  }
0x2f: {  	lr =	sadd.s32 s0, s3;
	s0 =	sld [smem:$0x3FAC]  }
0x30: {  	s3 =	sld [smem:$0x3FAF]  }
0x31: {  	[smem:$0x3FB8] =	sst s10  }
0x32: {  	s10 =	sld [smem:$0x3FB6];
	_ =	sdelay $0x3  }
0x33: {  	p0 =	seq.s32 s10, $0x1;
	s10 =	sld [smem:$0x3FB8];
	_ =	sdelay $0x3  }
0x34: {  	[smem:$0x3FB8] =	sst s10  }
0x35: {  	s10 =	sld [smem:$0x3FB7];
	_ =	sdelay $0x3  }
0x36: {  	p1 =	seq.s32 s10, $0x1;
	s10 =	sld [smem:$0x3FB8];
	_ =	sdelay $0x3  }
0x37: {  	[smem:$0x3FB8] =	sst s10  }
0x38: {  	s10 =	sld [smem:$0x3FB9]  }
0x39: {  	_ = 	snop;
	(pc) =	sbr.ind lr, $3  }
0x3a: {  	_ = 	snop  }
0x3b: {  	_ = 	snop  }
0x3c: {  	p2 =	seq.s32 s10, $0x1;
	s10 =	sld [smem:$0x3FB8]  }
0x3d: {  	_ =	shalt  }
0x3e: {  	_ =	shalt  }
0x3f: {  	_ =	shalt  }
0x40: {  	_ =	shalt  }
0x41: {  	_ =	shalt  }
0x42: {  	_ =	shalt  }
0x43: {  	_ =	shalt  }
0x44: {  	_ =	shalt  }
0x45: {  	_ =	shalt  }
0x46: {  	_ =	shalt  }
0x47: {  	_ =	shalt  }
0x48: {  	_ =	shalt  }
0x49: {  	_ =	shalt  }
0x4a: {  	_ =	shalt  }
0x4b: {  	_ =	shalt  }
0x4c: {  	_ =	shalt  }
0x4d: {  	_ =	shalt  }
0x4e: {  	_ =	shalt  }
0x4f: {  	_ =	shalt  }
0x50: {  	_ =	shalt  }
0x51: {  	_ =	shalt  }
0x52: {  	_ =	shalt  }
0x53: {  	_ =	shalt  }
0x54: {  	_ =	shalt  }
0x55: {  	_ =	shalt  }
0x56: {  	_ =	shalt  }
0x57: {  	_ =	shalt  }
0x58: {  	_ =	shalt  }
0x59: {  	_ =	shalt  }
0x5a: {  	_ =	shalt  }
0x5b: {  	_ =	shalt  }
0x5c: {  	_ =	shalt  }
0x5d: {  	_ =	shalt  }
0x5e: {  	_ =	shalt  }
0x5f: {  	_ =	shalt  }
0x60: {  	_ =	shalt  }
0x61: {  	_ =	shalt  }
0x62: {  	_ =	shalt  }
0x63: {  	_ =	shalt  }
0x64: {  	_ =	shalt  }
0x65: {  	_ =	shalt  }
0x66: {  	_ =	shalt  }
0x67: {  	_ =	shalt  }
0x68: {  	_ =	shalt  }
0x69: {  	_ =	shalt  }
0x6a: {  	_ =	shalt  }
0x6b: {  	_ =	shalt  }
0x6c: {  	_ =	shalt  }
0x6d: {  	_ =	shalt  }
0x6e: {  	_ =	shalt  }
0x6f: {  	_ =	shalt  }
0x70: {  	_ =	shalt  }
0x71: {  	_ =	shalt  }
0x72: {  	_ =	shalt  }
0x73: {  	_ =	shalt  }
0x74: {  	_ =	shalt  }
0x75: {  	_ =	shalt  }
0x76: {  	_ =	shalt  }
0x77: {  	_ =	shalt  }
0x78: {  	_ =	shalt  }
0x79: {  	_ =	shalt  }
0x7a: {  	_ =	shalt  }
0x7b: {  	_ =	shalt  }
0x7c: {  	_ =	shalt  }
0x7d: {  	_ =	shalt  }
0x7e: {  	_ =	shalt  }
0x7f: {  	_ =	shalt  }
0x80: {  	_ =	shalt  }
0x81: {  	_ =	shalt  }
0x82: {  	_ =	shalt  }
0x83: {  	_ =	shalt  }
0x84: {  	_ =	shalt  }
0x85: {  	_ =	shalt  }
0x86: {  	_ =	shalt  }
0x87: {  	_ =	shalt  }
.Lfunc_end0:
.L_simem_size_0:
called_computation_lowered:
.L_overlay_start_0:
0x88: {  	s2 =	sld [smem:$0x3FD9]  }
0x89: {  	s3 =	sld [smem:$0x3FFE];
	_ =	sdelay $0x1  }
0x8a: {  	s1 =	srdreg.scid  }
0x8b: {  	s0 =	sand.u32 $0x1, s1  }
0x8c: {  	s17 =	sshll.u32 s0, $0xA;
	s2 =	sadd.s32 s3, s2  }
0x8d: {  	s2 =	sadd.s32 s2, s17  }
0x8e: {  	[smem:$0x3FC4] =	sst s2  }
0x8f: {  	_ = 	snop  }
0x90: {  	s2 =	sld [smem:$0x3FD0];
	(tm) =	ssettm $0x1  }
0x91: {  	s18 =	sld [smem:$0x3FFB];
	_ =	sdelay $0x3  }
0x92: {  	_ =	strace s18  }
0x93: {  	s3 =	sld [smem:$0x3FFC];
	_ =	sdelay $0x3  }
0x94: {  	_ =	strace s3  }
0x95: {  	s3 =	sld [smem:$0x3FFD];
	_ =	sdelay $0x3  }
0x96: {  	_ =	strace s3  }
0x97: {  	_ =	strace $0x8FFFFFFF  }
0x98: {  	s19 =	sld [smem:$0x3FDB];
	_ =	sdelay $0x1  }
0x99: {  	s4 =	simm.s32 $_scs_section_size  }
0x9a: {  	s5 =	simm.s32 $_size__tile_overlayer_lowered;
	s6 =	simm.s32 $_tile_overlayer_lowered  }
0x9b: {  	s22 =	simm.s32 $0x1BFF;
	s21 =	sshll.u32 s6, $0x1;
	s3 =	sadd.s32 s4, s19  }
0x9c: {  	s7 =	simm.s32 $0x0;
	s20 =	sshll.u32 s5, $0x1;
	s5 =	sadd.s32 s21, s3  }
0x9d: {  	[timem:s7], [sflag:s22] =	dma.local [hbm:s5], s20  }
0x9e: {  	_ =	swait.ge [sflag:s22], s20  }
0x9f: {  	s4 =	ssub.s32 $0x0, s20;
	[sflag:s22] =	ssyncset.done $0x0  }
0xa0: {  	[sflag:s22] =	ssyncadd.s32 s4;
	_ =	sdelay $0x1  }
0xa1: {  	s23 =	simm.s32 $0x1B8B  }
0xa2: {  	_ =	swait.ge [sflag:s23], $0x1  }
0xa3: {  	[sflag:s23] =	ssyncset.done $0x0  }
0xa4: {  	s25 =	simm.s32 $0x1B8E;
	s24 =	sld [smem:$0x3FFE];
	[sflag:s23] =	ssyncadd.s32 $0xFFFFFFFF  }
0xa5: {  	s26 =	simm.s32 $execute0_lowered;
	[smem:$0x3FD2] =	sst s25  }
0xa6: {  	s5 =	sshll.u32 s26, $0x1;
	_ =	strace $0x80000046;
	[dreg:$0x1] =	wrdreg $0xFFFFFFFF  }
0xa7: {  	s28 =	simm.s32 $_size_execute0_lowered;
	s3 =	sadd.s32 s3, s5;
	[dreg:$0x0] =	wrdreg $0x0  }
0xa8: {  	s5 =	sshll.u32 s28, $0x1;
	[dreg:$0x2] =	wrdreg s3  }
0xa9: {  	[dreg:$0x3] =	wrdreg s5  }
0xaa: {  	[dreg:$0x4] =	wrdreg $0xC0  }
0xab: {  	_ =	task [dreg:s7], $0x5FFFF  }
0xac: {  	[dreg:$0x1] =	wrdreg $0xFFFFFFFF  }
0xad: {  	[dreg:$0x0] =	wrdreg $0x60  }
0xae: {  	[dreg:$0x2] =	wrdreg s2  }
0xaf: {  	[dreg:$0x3] =	wrdreg s24  }
0xb0: {  	[dreg:$0x4] =	wrdreg $0x2B000  }
0xb1: {  	[dreg:$0x5] =	wrdreg $0x9  }
0xb2: {  	_ =	task.clear_ibuf [dreg:s7], $0x6FFFF;
	_ =	strace $0x90000046  }
0xb3: {  	s29 =	simm.s32 $0x9;
	_ =	strace $0x80000048  }
0xb4: {  	_ =	swait.ge [sflag:s29], $0x1  }
0xb5: {  	[sflag:s29] =	ssyncadd.s32 $0xFFFFFFFF  }
0xb6: {  	_ =	strace $0x90000048  }
0xb7: {  	_ =	sfence  }
0xb8: {  	s30 =	sld [smem:$0x0];
	_ =	sdelay $0x2  }
0xb9: {  	s31 =	sshll.u32 s1, $0xD;
	s1 =	sshrl.u32 s1, $0x2  }
0xba: {  	s3 =	sand.u32 $0x4000, s31;
	s1 =	sadd.s32 s1, s30  }
0xbb: {  	s0 =	sor.u32 s3, s0;
	s1 =	sshll.u32 s1, $0x11  }
0xbc: {  	s0 =	sor.u32 s1, s0  }
0xbd: {  	s0 =	sadd.s32 $0x8F2B, s0  }
0xbe: {  	[sflag:s0] =	ssyncadd.remote.s32 $0x1  }
0xbf: {  	_ =	sfence.sel $0xFFFF  }
0xc0: {  	[dreg:$0x0] =	wrdreg $0xFFFFFFFF;
	(pc) =	sbr.abs _section_cstart, $3  }
0xc1: {  	[dreg:$0x1] =	wrdreg $0xFFFFFFFF  }
0xc2: {  	_ =	task.clear_ibuf [dreg:s7], $0x2FFFF;
	_ =	strace $0x9FFFFFFF  }
0xc3: {  	(tm) =	ssettm $0x7FFFFFFF  }
tec
execute0_lowered:
.L_overlay_start_1:
0x0: {  	(tag) =	ssettag $0x1  }
0x1: {  	s5 =	rddreg [dreg:$0x0]  }
0x2: {  	s4 =	rddreg [dreg:$0x1];
	s1 =	srdreg.scid  }
0x3: {  	s0 =	stileid.u32;
	s2 =	rddreg [dreg:$0x2];
	s3 =	simm.s32 $0x0  }
0x4: {  	s11 =	simm.s32 $0x2800;
	s6 =	sand.u32 $0x1, s1;
	s1 =	rddreg [dreg:$0x3]  }
0x5: {  	s14 =	simm.s32 $0x0;
	s7 =	smul.u32 $0x280, s0;
	[smem:$0x7FF] =	sst s3  }
0x6: {  	s9 =	sshll.u32 s0, $0x1;
	s12 =	sshll.u32 s0, $0x6;
	s8 =	smul.u32 $0x2800, s6  }
0x7: {  	s10 =	ssub.s32 $0x2, s6;
	s6 =	sor.u32 s6, s9;
	_ =	strace $0x80000047  }
0x8: {  	s31 =	sshrl.u32 s10, $0x1;
	s6 =	smul.u32 $0x500, s6;
	s8 =	sadd.s32 s7, s8  }
0x9: {  	s12 =	sor.u32 $0x1C01, s12;
	s9 =	ssub.s32 s10, s31;
	s8 =	sshrl.u32 s8, $0x3  }
0xa: {  	s10 =	simm.s32 $0x80;
	s5 =	sadd.s32 s5, s6;
	s8 =	sadd.s32 s8, s4  }
0xb: {  	s4 =	sadd.s32 s7, s2;
	s7 =	smax.u32 s9, $0x1;
	s9 =	simm.s32 $0x1  }
0xc: {  	v0 =	vimm.f32 $1.000000000e+00;
	v1 =	vimm.f32 $0.0e+00;
	s6 =	sadd.s32 $0x1600, s8;
	s8 =	simm.s32 $0x2880;
	s13 =	sshrl.u32 s4, $0x3  }
.LBB2_1:
0xd: {  	[tilespmem:$0x2800] =	vst v0  }
0xe: {  	[tilespmem:$0x2810] =	vst v0  }
0xf: {  	[tilespmem:$0x2820] =	vst v0  }
0x10: {  	[tilespmem:$0x2830] =	vst v0  }
0x11: {  	[tilespmem:$0x2840] =	vst v0  }
0x12: {  	[tilespmem:$0x2850] =	vst v0  }
0x13: {  	[tilespmem:$0x2860] =	vst v0  }
0x14: {  	[tilespmem:$0x2870] =	vst v0  }
0x15: {  	[tilespmem:$0x2880] =	vst v1  }
0x16: {  	[tilespmem:$0x2890] =	vst v1  }
0x17: {  	[tilespmem:$0x28A0] =	vst v1  }
0x18: {  	[tilespmem:$0x28B0] =	vst v1  }
0x19: {  	[tilespmem:$0x28C0] =	vst v1  }
0x1a: {  	[tilespmem:$0x28D0] =	vst v1  }
0x1b: {  	[tilespmem:$0x28E0] =	vst v1  }
0x1c: {  	[tilespmem:$0x28F0] =	vst v1  }
0x1d: {  	[tilespmem:$0x2900] =	vst v1  }
0x1e: {  	[tilespmem:$0x2910] =	vst v1  }
0x1f: {  	[tilespmem:$0x2920] =	vst v1  }
0x20: {  	[tilespmem:$0x2930] =	vst v1  }
0x21: {  	[tilespmem:$0x2940] =	vst v1  }
0x22: {  	[tilespmem:$0x2950] =	vst v1  }
0x23: {  	[tilespmem:$0x2960] =	vst v1  }
0x24: {  	[tilespmem:$0x2970] =	vst v1  }
0x25: {  	[tilespmem:$0x2980] =	vst v1  }
0x26: {  	[tilespmem:$0x2990] =	vst v1  }
0x27: {  	[tilespmem:$0x29A0] =	vst v1  }
0x28: {  	[tilespmem:$0x29B0] =	vst v1  }
0x29: {  	[tilespmem:$0x29C0] =	vst v1  }
0x2a: {  	[tilespmem:$0x29D0] =	vst v1  }
0x2b: {  	[tilespmem:$0x29E0] =	vst v1  }
0x2c: {  	[tilespmem:$0x29F0] =	vst v1  }
0x2d: {  	[tilespmem:$0x2A00] =	vst v1  }
0x2e: {  	[tilespmem:$0x2A10] =	vst v1  }
0x2f: {  	[tilespmem:$0x2A20] =	vst v1  }
0x30: {  	[tilespmem:$0x2A30] =	vst v1  }
0x31: {  	[tilespmem:$0x2A40] =	vst v1  }
0x32: {  	[tilespmem:$0x2A50] =	vst v1  }
0x33: {  	[tilespmem:$0x2A60] =	vst v1  }
0x34: {  	[tilespmem:$0x2A70] =	vst v1  }
0x35: {  	[tilespmem:$0x2A80] =	vst v1  }
0x36: {  	[tilespmem:$0x2A90] =	vst v1  }
0x37: {  	[tilespmem:$0x2AA0] =	vst v1  }
0x38: {  	[tilespmem:$0x2AB0] =	vst v1  }
0x39: {  	[tilespmem:$0x2AC0] =	vst v1  }
0x3a: {  	[tilespmem:$0x2AD0] =	vst v1  }
0x3b: {  	[tilespmem:$0x2AE0] =	vst v1  }
0x3c: {  	[tilespmem:$0x2AF0] =	vst v1  }
0x3d: {  	[spmem:s4] =	stream.linear.scatter [tilespmem:s8], [sflag:$0x1], $0x280, $0x38;
	[tilespmem:$0x2D80] =	vst v63  }
0x3e: {  	_ =	swait.ge [sflag:s9], $0x280  }
0x3f: {  	[sflag:s9] =	ssyncset.done $0x0  }
0x40: {  	[sflag:s9] =	ssyncadd.s32 $0xFFFFFD80  }
0x41: {  	[tilespmem:s3], [sflag:$0x1] =	stream.linear.gather [hbm4b:s5+s3], $0x2800, $0x38;
	[tilespmem:$0x2D80] =	vst v63  }
0x42: {  	_ =	swait.ge [sflag:s9], $0x2800  }
0x43: {  	[sflag:s9] =	ssyncset.done $0x0  }
0x44: {  	[sflag:s9] =	ssyncadd.s32 $0xFFFFD800  }
0x45: {  	s15 =	simm.s32 $0x0;
	[bflag:$0x0] =	sbarrier.arrive $0xFFFF  }
0x46: {  	[spmem:s2] =	stream.indirect.scatter.add.f32 [tilespmem:s11], [sflag:$0x1], $0x1, s15, s10, $0xb8;
	[tilespmem:$0x2D80] =	vst v63  }
0x47: {  	_ =	swait.ge [sflag:s9], $0x80  }
0x48: {  	s15 =	simm.s32 $0x200;
	[sflag:s9] =	ssyncset.done $0x0  }
.LBB2_2:
0x49: {  	s16 =	sshra.s32 s15, $0x2;
	[sflag:s9] =	ssyncadd.s32 $0xFFFFFF80;
	p0 =	sne.s32 s15, $0x9E00  }
0x4a: {  	[spmem:s2] =	stream.indirect.scatter.add.f32 [tilespmem:s11], [sflag:$0x1], $0x1, s16, s10, $0xb8;
	[tilespmem:$0x2D80] =	vst v63  }
.Ltmp0:
0x4b: {  	_ = 	snop;
	(pc) =	sbr.rel @p0 .LBB2_2-.Ltmp0, $4  }
0x4c: {  	_ = 	snop  }
0x4d: {  	s15 =	sadd.s32 $0x200, s15  }
0x4e: {  	_ =	swait.ge [sflag:s9], $0x80  }
0x4f: {  	[sflag:s9] =	ssyncset.done $0x0  }
0x50: {  	s14 =	sadd.s32 $0x1, s14  }
0x51: {  	[sflag:s9] =	ssyncadd.s32 $0xFFFFFF80;
	p0 =	sne.s32 s14, s7  }
.Ltmp1:
0x52: {  	[bflag:$0x0] =	sbarrier.arrive $0xFFFF;
	(pc) =	sbr.rel @p0 .LBB2_1-.Ltmp1, $4  }
0x53: {  	[hbm:s6], [sflag:s12] =	dma.local [spmem:s13], $0x50  }
0x54: {  	_ =	swait.ge [sflag:s9], $0x50  }
0x55: {  	[sflag:s9] =	ssyncset.done $0x0  }
0x56: {  	[sflag:s9] =	ssyncadd.s32 $0xFFFFFFB0  }
0x57: {  	_ =	sfence.sel $0x180000  }
0x58: {  	[bflag:$0x0] =	sbarrier.arrive $0xFFFF  }
0x59: {  	p0 =	sne.s32 s0, $0x0;
	_ =	strace $0x90000047  }
0x5a: {  	s0 =	sadd.s32 @!p0 $0x100000, s1;
	[bflag:$0x2] =	sbarrier.arrive $0xFFFF  }
0x5b: {  	[sflag:s0] =	ssyncadd.tile.s32 @!p0 $0x1;
	_ =	shalt  }
.Lfunc_end2:
_tile_overlayer_lowered:
.L_overlay_start_2:
0x5c: {  	(tag) =	ssettag $0x2  }
0x5d: {  	s0 =	rddreg [dreg:$0x0];
	s2 =	stileid.u32  }
0x5e: {  	s1 =	rddreg [dreg:$0x1];
	p0 =	sne.s32 s2, $0x0  }
0x5f: {  	s3 =	rddreg [dreg:$0x2];
	[bflag:$0x3] =	sbarrier.arrive $0xFFFF;
	s2 =	simm.s32 @!p0 $0x1C01  }
0x60: {  	[timem:s3], [sflag:s2] =	dma.local @!p0 [hbm:s0], s1  }
0x61: {  	s0 =	simm.s32 @!p0 $0x1  }
0x62: {  	_ =	swait.ge @!p0 [sflag:s0], s1  }
0x63: {  	s1 =	ssub.s32 @!p0 $0x0, s1;
	[sflag:s0] =	ssyncset.done @!p0 $0x0  }
0x64: {  	[sflag:s0] =	ssyncadd.s32 @!p0 s1  }
0x65: {  	[bflag:$0x3] =	sbarrier.arrive $0xFFFF  }
0x66: {  	_ =	shalt  }

// kernel: kernel.9.cloned.1.call-start
scs
__scs_entry_jumppad:
0x0: {  	(pc) =	sbr.rel $0x88, $3  }
0x1: {  	(tag) =	ssettag $0x0;
	lr =	simm.s32 $0x1  }
0x2: {  	[smem:$0x3F9D] =	sst lr;
	_ =	strace $0xD0000000  }
0x3: {  	_ = 	snop  }
0x4: {  	_ = 	snop  }
0x5: {  	_ = 	snop  }
0x6: {  	_ = 	snop  }
0x7: {  	_ = 	snop  }
__scs_overlays_trampoline_lowered:
0x8: {  	[smem:$0x3FAC] =	sst s0  }
0x9: {  	[smem:$0x3FAD] =	sst s1  }
0xa: {  	[smem:$0x3FAE] =	sst s2  }
0xb: {  	[smem:$0x3FAF] =	sst s3  }
0xc: {  	[smem:$0x3FB0] =	sst s4  }
0xd: {  	[smem:$0x3FB1] =	sst s5  }
0xe: {  	[smem:$0x3FB2] =	sst s6  }
0xf: {  	[smem:$0x3FB3] =	sst s7  }
0x10: {  	[smem:$0x3FB4] =	sst s8  }
0x11: {  	[smem:$0x3FB5] =	sst s9;
	s0 =	simm.s32 @!p0 $0x0  }
0x12: {  	s1 =	sld [smem:$0x3F9B];
	s0 =	simm.s32 @p0 $0x1  }
0x13: {  	[smem:$0x3FB6] =	sst s0;
	s0 =	simm.s32 @!p1 $0x0  }
0x14: {  	s2 =	sld [smem:$0x3F9A];
	s0 =	simm.s32 @p1 $0x1  }
0x15: {  	[smem:$0x3FB7] =	sst s0;
	s0 =	simm.s32 @!p2 $0x0  }
0x16: {  	s3 =	sld [smem:$0x3FDB];
	s0 =	simm.s32 @p2 $0x1  }
0x17: {  	s4 =	simm.s32 $0x1BF5;
	[smem:$0x3FB9] =	sst s0  }
0x18: {  	s0 =	sld [smem:$0x3F9C];
	_ =	swait.ge [sflag:s4], $0x0  }
0x19: {  	s7 =	sld [smem:$0x3F9D]  }
0x1a: {  	s8 =	sadd.s32 $0xFFFFE003, lr  }
0x1b: {  	s9 =	sadd.s32 $0xFFFFFEF7, lr;
	s5 =	simm.s32 $0xFFFFFFFF;
	p2 =	slt.u32 s8, $0xFFFFF086  }
0x1c: {  	p1 =	slt.u32 s9, $0xF7A;
	s5 =	simm.s32 @!p2 $0x0  }
0x1d: {  	s5 =	simm.s32 @p1 $0x1;
	p0 =	seq.s32 s7, s2  }
0x1e: {  	s7 =	smul.u32 @!p0 $0xF7A, s2;
	p2 =	seq.s32 @!p0 s5, $0x0  }
0x1f: {  	s9 =	smul.u32 $0xF7A, s1;
	s8 =	simm.s32 @!p0 $0x1BF5;
	p2 =	por !p2, p0  }
0x20: {  	[sflag:s8] =	ssyncset.s32 @!p0 $0xFFFFF086;
	s6 =	sadd.s32 @!p0 s3, s7;
	s7 =	simm.s32 @!p0 $0x108  }
0x21: {  	s3 =	sadd.s32 s3, s9;
	s6 =	sadd.s32 @!p0 $0x88, s6;
	s7 =	simm.s32 @p2 $0x1082  }
0x22: {  	[simem:s7], [sflag:s8] =	dma.local @!p0 [hbm:s6], $0xF7A  }
0x23: {  	s9 =	sor.u32 $0xD0000000, s2;
	s6 =	simm.s32 $0x108;
	_ =	swait.ge @!p0 [sflag:s8], $0x0  }
0x24: {  	s3 =	sadd.s32 $0x88, s3;
	s6 =	simm.s32 @!p1 $0x1082;
	[sflag:s4] =	ssyncset.s32 $0xFFFFF086  }
0x25: {  	[simem:s6], [sflag:s4] =	dma.local [hbm:s3], $0xF7A  }
0x26: {  	[smem:$0x3F9D] =	sst s1;
	(tag) =	ssettag s2;
	_ =	strace s9  }
0x27: {  	s1 =	sld [smem:$0x3FAD]  }
0x28: {  	s2 =	sld [smem:$0x3FAE]  }
0x29: {  	s4 =	sld [smem:$0x3FB0]  }
0x2a: {  	p0 =	seq.s32 s5, $0x0;
	s5 =	sld [smem:$0x3FB1]  }
0x2b: {  	s6 =	sld [smem:$0x3FB2]  }
0x2c: {  	s7 =	sld [smem:$0x3FB3]  }
0x2d: {  	s3 =	simm.s32 $0x108;
	s8 =	sld [smem:$0x3FB4]  }
0x2e: {  	s3 =	simm.s32 @!p0 $0x1082;
	s9 =	sld [smem:$0x3FB5]  }
0x2f: {  	lr =	sadd.s32 s0, s3;
	s0 =	sld [smem:$0x3FAC]  }
0x30: {  	s3 =	sld [smem:$0x3FAF]  }
0x31: {  	[smem:$0x3FB8] =	sst s10  }
0x32: {  	s10 =	sld [smem:$0x3FB6];
	_ =	sdelay $0x3  }
0x33: {  	p0 =	seq.s32 s10, $0x1;
	s10 =	sld [smem:$0x3FB8];
	_ =	sdelay $0x3  }
0x34: {  	[smem:$0x3FB8] =	sst s10  }
0x35: {  	s10 =	sld [smem:$0x3FB7];
	_ =	sdelay $0x3  }
0x36: {  	p1 =	seq.s32 s10, $0x1;
	s10 =	sld [smem:$0x3FB8];
	_ =	sdelay $0x3  }
0x37: {  	[smem:$0x3FB8] =	sst s10  }
0x38: {  	s10 =	sld [smem:$0x3FB9]  }
0x39: {  	_ = 	snop;
	(pc) =	sbr.ind lr, $3  }
0x3a: {  	_ = 	snop  }
0x3b: {  	_ = 	snop  }
0x3c: {  	p2 =	seq.s32 s10, $0x1;
	s10 =	sld [smem:$0x3FB8]  }
0x3d: {  	_ =	shalt  }
0x3e: {  	_ =	shalt  }
0x3f: {  	_ =	shalt  }
0x40: {  	_ =	shalt  }
0x41: {  	_ =	shalt  }
0x42: {  	_ =	shalt  }
0x43: {  	_ =	shalt  }
0x44: {  	_ =	shalt  }
0x45: {  	_ =	shalt  }
0x46: {  	_ =	shalt  }
0x47: {  	_ =	shalt  }
0x48: {  	_ =	shalt  }
0x49: {  	_ =	shalt  }
0x4a: {  	_ =	shalt  }
0x4b: {  	_ =	shalt  }
0x4c: {  	_ =	shalt  }
0x4d: {  	_ =	shalt  }
0x4e: {  	_ =	shalt  }
0x4f: {  	_ =	shalt  }
0x50: {  	_ =	shalt  }
0x51: {  	_ =	shalt  }
0x52: {  	_ =	shalt  }
0x53: {  	_ =	shalt  }
0x54: {  	_ =	shalt  }
0x55: {  	_ =	shalt  }
0x56: {  	_ =	shalt  }
0x57: {  	_ =	shalt  }
0x58: {  	_ =	shalt  }
0x59: {  	_ =	shalt  }
0x5a: {  	_ =	shalt  }
0x5b: {  	_ =	shalt  }
0x5c: {  	_ =	shalt  }
0x5d: {  	_ =	shalt  }
0x5e: {  	_ =	shalt  }
0x5f: {  	_ =	shalt  }
0x60: {  	_ =	shalt  }
0x61: {  	_ =	shalt  }
0x62: {  	_ =	shalt  }
0x63: {  	_ =	shalt  }
0x64: {  	_ =	shalt  }
0x65: {  	_ =	shalt  }
0x66: {  	_ =	shalt  }
0x67: {  	_ =	shalt  }
0x68: {  	_ =	shalt  }
0x69: {  	_ =	shalt  }
0x6a: {  	_ =	shalt  }
0x6b: {  	_ =	shalt  }
0x6c: {  	_ =	shalt  }
0x6d: {  	_ =	shalt  }
0x6e: {  	_ =	shalt  }
0x6f: {  	_ =	shalt  }
0x70: {  	_ =	shalt  }
0x71: {  	_ =	shalt  }
0x72: {  	_ =	shalt  }
0x73: {  	_ =	shalt  }
0x74: {  	_ =	shalt  }
0x75: {  	_ =	shalt  }
0x76: {  	_ =	shalt  }
0x77: {  	_ =	shalt  }
0x78: {  	_ =	shalt  }
0x79: {  	_ =	shalt  }
0x7a: {  	_ =	shalt  }
0x7b: {  	_ =	shalt  }
0x7c: {  	_ =	shalt  }
0x7d: {  	_ =	shalt  }
0x7e: {  	_ =	shalt  }
0x7f: {  	_ =	shalt  }
0x80: {  	_ =	shalt  }
0x81: {  	_ =	shalt  }
0x82: {  	_ =	shalt  }
0x83: {  	_ =	shalt  }
0x84: {  	_ =	shalt  }
0x85: {  	_ =	shalt  }
0x86: {  	_ =	shalt  }
0x87: {  	_ =	shalt  }
.Lfunc_end0:
.L_simem_size_0:
called_computation.1_lowered:
.L_overlay_start_0:
0x88: {  	s2 =	sld [smem:$0x3FD9]  }
0x89: {  	s3 =	sld [smem:$0x3FFE];
	_ =	sdelay $0x1  }
0x8a: {  	s1 =	srdreg.scid  }
0x8b: {  	s0 =	sand.u32 $0x1, s1  }
0x8c: {  	s17 =	sshll.u32 s0, $0xA;
	s2 =	sadd.s32 s3, s2  }
0x8d: {  	s2 =	sadd.s32 s2, s17  }
0x8e: {  	[smem:$0x3FC4] =	sst s2  }
0x8f: {  	_ = 	snop  }
0x90: {  	s2 =	sld [smem:$0x3FD0];
	(tm) =	ssettm $0x1  }
0x91: {  	s18 =	sld [smem:$0x3FFB];
	_ =	sdelay $0x3  }
0x92: {  	_ =	strace s18  }
0x93: {  	s3 =	sld [smem:$0x3FFC];
	_ =	sdelay $0x3  }
0x94: {  	_ =	strace s3  }
0x95: {  	s3 =	sld [smem:$0x3FFD];
	_ =	sdelay $0x3  }
0x96: {  	_ =	strace s3  }
0x97: {  	_ =	strace $0x8FFFFFFF  }
0x98: {  	s19 =	sld [smem:$0x3FDB];
	_ =	sdelay $0x1  }
0x99: {  	s4 =	simm.s32 $_scs_section_size  }
0x9a: {  	s5 =	simm.s32 $_size__tile_overlayer_lowered;
	s6 =	simm.s32 $_tile_overlayer_lowered  }
0x9b: {  	s22 =	simm.s32 $0x1BFF;
	s21 =	sshll.u32 s6, $0x1;
	s3 =	sadd.s32 s4, s19  }
0x9c: {  	s7 =	simm.s32 $0x0;
	s20 =	sshll.u32 s5, $0x1;
	s5 =	sadd.s32 s21, s3  }
0x9d: {  	[timem:s7], [sflag:s22] =	dma.local [hbm:s5], s20  }
0x9e: {  	_ =	swait.ge [sflag:s22], s20  }
0x9f: {  	s4 =	ssub.s32 $0x0, s20;
	[sflag:s22] =	ssyncset.done $0x0  }
0xa0: {  	[sflag:s22] =	ssyncadd.s32 s4;
	_ =	sdelay $0x1  }
0xa1: {  	s23 =	simm.s32 $0x1B8B  }
0xa2: {  	_ =	swait.ge [sflag:s23], $0x1  }
0xa3: {  	[sflag:s23] =	ssyncset.done $0x0  }
0xa4: {  	s25 =	simm.s32 $0x1B8E;
	s24 =	sld [smem:$0x3FFE];
	[sflag:s23] =	ssyncadd.s32 $0xFFFFFFFF  }
0xa5: {  	s26 =	simm.s32 $execute0_lowered;
	[smem:$0x3FD2] =	sst s25  }
0xa6: {  	s5 =	sshll.u32 s26, $0x1;
	_ =	strace $0x80000049;
	[dreg:$0x1] =	wrdreg $0xFFFFFFFF  }
0xa7: {  	s28 =	simm.s32 $_size_execute0_lowered;
	s3 =	sadd.s32 s3, s5;
	[dreg:$0x0] =	wrdreg $0x0  }
0xa8: {  	s5 =	sshll.u32 s28, $0x1;
	[dreg:$0x2] =	wrdreg s3  }
0xa9: {  	[dreg:$0x3] =	wrdreg s5  }
0xaa: {  	[dreg:$0x4] =	wrdreg $0xC0  }
0xab: {  	_ =	task [dreg:s7], $0x5FFFF  }
0xac: {  	[dreg:$0x1] =	wrdreg $0xFFFFFFFF  }
0xad: {  	[dreg:$0x0] =	wrdreg $0x60  }
0xae: {  	[dreg:$0x2] =	wrdreg s2  }
0xaf: {  	[dreg:$0x3] =	wrdreg s24  }
0xb0: {  	[dreg:$0x4] =	wrdreg $0xC0000  }
0xb1: {  	[dreg:$0x5] =	wrdreg $0x9  }
0xb2: {  	_ =	task.clear_ibuf [dreg:s7], $0x6FFFF;
	_ =	strace $0x90000049  }
0xb3: {  	s29 =	simm.s32 $0x9;
	_ =	strace $0x8000004B  }
0xb4: {  	_ =	swait.ge [sflag:s29], $0x1  }
0xb5: {  	[sflag:s29] =	ssyncadd.s32 $0xFFFFFFFF  }
0xb6: {  	_ =	strace $0x9000004B  }
0xb7: {  	_ =	sfence  }
0xb8: {  	s30 =	sld [smem:$0x0];
	_ =	sdelay $0x2  }
0xb9: {  	s31 =	sshll.u32 s1, $0xD;
	s1 =	sshrl.u32 s1, $0x2  }
0xba: {  	s3 =	sand.u32 $0x4000, s31;
	s1 =	sadd.s32 s1, s30  }
0xbb: {  	s0 =	sor.u32 s3, s0;
	s1 =	sshll.u32 s1, $0x11  }
0xbc: {  	s0 =	sor.u32 s1, s0  }
0xbd: {  	s0 =	sadd.s32 $0x8F2B, s0  }
0xbe: {  	[sflag:s0] =	ssyncadd.remote.s32 $0x1  }
0xbf: {  	_ =	sfence.sel $0xFFFF  }
0xc0: {  	[dreg:$0x0] =	wrdreg $0xFFFFFFFF;
	(pc) =	sbr.abs _section_cstart, $3  }
0xc1: {  	[dreg:$0x1] =	wrdreg $0xFFFFFFFF  }
0xc2: {  	_ =	task.clear_ibuf [dreg:s7], $0x2FFFF;
	_ =	strace $0x9FFFFFFF  }
0xc3: {  	(tm) =	ssettm $0x7FFFFFFF  }
tec
execute0_lowered:
.L_overlay_start_1:
0x0: {  	(tag) =	ssettag $0x1  }
0x1: {  	s0 =	rddreg [dreg:$0x0]  }
0x2: {  	s1 =	rddreg [dreg:$0x1];
	s2 =	srdreg.scid  }
0x3: {  	s3 =	rddreg [dreg:$0x2];
	s11 =	stileid.u32;
	s4 =	simm.s32 $0x0  }
0x4: {  	s16 =	simm.s32 $0x4000;
	s17 =	simm.s32 $0x5;
	s18 =	simm.s32 $0x2000  }
0x5: {  	s19 =	simm.s32 $0x40;
	s20 =	simm.s32 $0x6000;
	s28 =	simm.s32 $0x3  }
0x6: {  	s29 =	simm.s32 $0x4;
	s30 =	simm.s32 $0x0;
	s7 =	smul.u32 $0x13C00, s11  }
0x7: {  	s2 =	sand.u32 $0x1, s2;
	[smem:$0x7FF] =	sst s4;
	s8 =	smul.u32 $0x4F000, s11  }
0x8: {  	s5 =	sadd.s32 $0x2000, s1;
	s6 =	smul.u32 $0x13C000, s2;
	s21 =	ssub.s32 $0x2, s2  }
0x9: {  	s22 =	smul.u32 $0xA0, s11;
	_ =	strace $0x8000004A;
	s10 =	sshrl.u32 s21, $0x1  }
0xa: {  	p0 =	seq.s32 s2, $0x0;
	s6 =	sadd.s32 s7, s6;
	s7 =	ssub.s32 s21, s10  }
0xb: {  	s2 =	smul.u32 $0x78, s2;
	s8 =	sshrl.u32 s8, $0x2;
	s31 =	smax.u32 s7, $0x1  }
0xc: {  	s9 =	sshrl.u32 s6, $0x3;
	s6 =	sadd.s32 s8, s3;
	[dreg:$0xa] =	wrdreg s31  }
0xd: {  	s12 =	sadd.s32 s2, s22;
	s8 =	sadd.s32 $0x4000, s6;
	[dreg:$0x4] =	wrdreg s6  }
0xe: {  	s21 =	simm.s32 $0x80;
	s23 =	sadd.s32 $0x8000, s6;
	[dreg:$0x5] =	wrdreg s8  }
0xf: {  	s22 =	simm.s32 $0x8000;
	s24 =	sadd.s32 $0xC000, s6;
	[dreg:$0x6] =	wrdreg s23  }
.Ltmp0:
0x10: {  	s25 =	sadd.s32 $0x10000, s6;
	[dreg:$0x7] =	wrdreg s24;
	(pc) =	sbr.rel .LBB2_1-.Ltmp0, $4  }
0x11: {  	s1 =	sadd.s32 s9, s1;
	s8 =	simm.s32 $0x78;
	[dreg:$0x8] =	wrdreg s25  }
0x12: {  	s1 =	sadd.s32 $0x16800, s1;
	s23 =	simm.s32 $0xC0;
	s8 =	simm.s32 @!p0 $0x28  }
0x13: {  	s24 =	simm.s32 $0xA000;
	s25 =	simm.s32 $0x1;
	s26 =	sadd.s32 $0x38, s8  }
0x14: {  	v0 =	vimm.f32 $0.0e+00;
	[dreg:$0x9] =	wrdreg s1;
	s13 =	sshrl.u32 s26, $0x6;
	s26 =	simm.s32 $0x2  }
.LBB2_9:
0x15: {  	s1 =	stileid.u32;
	[bflag:$0x0] =	sbarrier.arrive $0xFFFF  }
0x16: {  	s1 =	sshll.u32 s1, $0x6;
	s6 =	rddreg [dreg:$0x4]  }
0x17: {  	s7 =	rddreg [dreg:$0x9];
	s1 =	sor.u32 $0x1C05, s1;
	s2 =	sshrl.u32 s6, $0x3  }
0x18: {  	[hbm:s7], [sflag:s1] =	dma.local [spmem:s2], $0x2780  }
0x19: {  	_ =	swait.ge [sflag:s17], $0x2780  }
0x1a: {  	s30 =	sadd.s32 $0x1, s30;
	s31 =	rddreg [dreg:$0xa]  }
0x1b: {  	p0 =	sne.s32 s30, s31  }
.Ltmp1:
0x1c: {  	_ = 	snop;
	(pc) =	sbr.rel @!p0 .LBB2_10-.Ltmp1, $3  }
0x1d: {  	_ =	sdelay $0x1  }
0x1e: {  	[sflag:s17] =	ssyncset.done $0x0  }
0x1f: {  	[sflag:s17] =	ssyncadd.s32 $0xFFFFD880  }
.LBB2_1:
0x20: {  	s1 =	simm.s32 $0x0;
	s2 =	simm.s32 $0x200  }
.LBB2_2:
0x21: {  	p0 =	sne.s32 s2, $0xFE00;
	[tilespmem:s1+$0x4070] =	vst v0  }
0x22: {  	[tilespmem:s1+$0x4000] =	vst v0  }
0x23: {  	[tilespmem:s1+$0x4010] =	vst v0  }
.Ltmp2:
0x24: {  	[tilespmem:s1+$0x4020] =	vst v0;
	(pc) =	sbr.rel @p0 .LBB2_2-.Ltmp2, $4  }
0x25: {  	[tilespmem:s1+$0x4030] =	vst v0  }
0x26: {  	[tilespmem:s1+$0x4040] =	vst v0  }
0x27: {  	[tilespmem:s1+$0x4050] =	vst v0  }
0x28: {  	[tilespmem:s1+$0x4060] =	vst v0;
	s1 =	sshra.s32 s2, $0x2;
	s2 =	sadd.s32 $0x200, s2  }
0x29: {  	[tilespmem:s1+$0x4070] =	vst v0  }
0x2a: {  	[tilespmem:s1+$0x4000] =	vst v0  }
0x2b: {  	[tilespmem:s1+$0x4010] =	vst v0  }
0x2c: {  	[tilespmem:s1+$0x4020] =	vst v0  }
0x2d: {  	[tilespmem:s1+$0x4030] =	vst v0  }
0x2e: {  	[tilespmem:s1+$0x4040] =	vst v0  }
0x2f: {  	[tilespmem:s1+$0x4050] =	vst v0  }
0x30: {  	[tilespmem:s1+$0x4060] =	vst v0  }
0x31: {  	[spmem:s6] =	stream.linear.scatter [tilespmem:s16], [sflag:$0x5], $0x4000, $0x38;
	[tilespmem:$0x1FC00] =	vst v63  }
0x32: {  	_ =	swait.ge [sflag:s17], $0x4000  }
0x33: {  	[sflag:s17] =	ssyncset.done $0x0  }
0x34: {  	s10 =	rddreg [dreg:$0x5];
	[sflag:s17] =	ssyncadd.s32 $0xFFFFC000  }
0x35: {  	[spmem:s10] =	stream.linear.scatter [tilespmem:s16], [sflag:$0x5], $0x4000, $0x38;
	[tilespmem:$0x1FC00] =	vst v63  }
0x36: {  	_ =	swait.ge [sflag:s17], $0x4000  }
0x37: {  	[sflag:s17] =	ssyncset.done $0x0  }
0x38: {  	s11 =	rddreg [dreg:$0x6];
	[sflag:s17] =	ssyncadd.s32 $0xFFFFC000  }
0x39: {  	[spmem:s11] =	stream.linear.scatter [tilespmem:s16], [sflag:$0x5], $0x4000, $0x38;
	[tilespmem:$0x1FC00] =	vst v63  }
0x3a: {  	_ =	swait.ge [sflag:s17], $0x4000  }
0x3b: {  	[sflag:s17] =	ssyncset.done $0x0  }
0x3c: {  	s14 =	rddreg [dreg:$0x7];
	[sflag:s17] =	ssyncadd.s32 $0xFFFFC000  }
0x3d: {  	[spmem:s14] =	stream.linear.scatter [tilespmem:s16], [sflag:$0x5], $0x4000, $0x38;
	[tilespmem:$0x1FC00] =	vst v63  }
0x3e: {  	_ =	swait.ge [sflag:s17], $0x4000  }
0x3f: {  	[sflag:s17] =	ssyncset.done $0x0  }
0x40: {  	s15 =	rddreg [dreg:$0x8];
	[sflag:s17] =	ssyncadd.s32 $0xFFFFC000  }
0x41: {  	[spmem:s15] =	stream.linear.scatter [tilespmem:s16], [sflag:$0x5], $0x3C00, $0x38;
	[tilespmem:$0x1FC00] =	vst v63  }
.Ltmp3:
0x42: {  	_ =	swait.ge [sflag:s17], $0x3C00;
	(pc) =	sbr.rel .LBB2_4-.Ltmp3, $4  }
0x43: {  	[sflag:s17] =	ssyncset.done $0x0  }
0x44: {  	[sflag:s17] =	ssyncadd.s32 $0xFFFFC400  }
0x45: {  	[bflag:$0x0] =	sbarrier.arrive $0xFFFF  }
0x46: {  	s31 =	simm.s32 $0x0  }
.LBB2_7:
0x47: {  	[tilespmem:s15], [sflag:$0x4] =	stream.indirect.gather @!p0 [hbm4b:s0+s11], $0x80, s14, s11, $0xb8;
	[tilespmem:$0x1FC00] =	vst v63  }
.LBB2_8:
0x48: {  	s31 =	sadd.s32 $0x1, s31  }
0x49: {  	p0 =	sne.s32 s31, s13  }
.Ltmp4:
0x4a: {  	_ = 	snop;
	(pc) =	sbr.rel @!p0 .LBB2_9-.Ltmp4, $1  }
0x4b: {  	_ =	sdelay $0x3  }
.LBB2_4:
0x4c: {  	s1 =	sshll.u32 s31, $0x6  }
0x4d: {  	s2 =	sadd.s32 s1, s12  }
0x4e: {  	s2 =	sshll.u32 s2, $0x4  }
0x4f: {  	s7 =	sadd.s32 s5, s2  }
0x50: {  	[tilespmem:s4], [sflag:$0x5] =	stream.linear.gather [hbm4b:s7+s4], $0x2000, $0x38;
	[tilespmem:$0x1FC00] =	vst v63  }
0x51: {  	s2 =	sand.u32 $0x1FFFFFF0, s2;
	_ =	swait.ge [sflag:s17], $0x2000  }
0x52: {  	s2 =	sadd.s32 s5, s2;
	[sflag:s17] =	ssyncset.done $0x0  }
0x53: {  	s1 =	ssub.s32 s8, s1;
	s2 =	sadd.s32 $0xA400, s2;
	[sflag:s17] =	ssyncadd.s32 $0xFFFFE000  }
0x54: {  	[tilespmem:s18], [sflag:$0x5] =	stream.linear.gather [hbm4b:s2+s4], $0x2000, $0x38;
	[tilespmem:$0x1FC00] =	vst v63  }
0x55: {  	p0 =	slt.s32 s1, $0x40;
	_ =	swait.ge [sflag:s17], $0x2000  }
0x56: {  	s1 =	simm.s32 @!p0 $0x40;
	[sflag:s17] =	ssyncset.done $0x0  }
0x57: {  	s1 =	sshra.s32 s1, $0x1;
	[sflag:s17] =	ssyncadd.s32 $0xFFFFE000  }
0x58: {  	[tilespmem:s16], [sflag:$0x1] =	stream.indirect.gather [hbm4b:s0+s19], $0x80, s4, s19, $0xb8;
	[tilespmem:$0x1FC00] =	vst v63  }
0x59: {  	p0 =	slt.s32 s1, $0x1  }
0x5a: {  	[tilespmem:s20], [sflag:$0x2] =	stream.indirect.gather [hbm4b:s0+s19], $0x80, s19, s19, $0xb8;
	[tilespmem:$0x1FC00] =	vst v63  }
.Ltmp5:
0x5b: {  	_ = 	snop;
	(pc) =	sbr.rel @p0 .LBB2_8-.Ltmp5, $4  }
0x5c: {  	_ = 	snop  }
0x5d: {  	[tilespmem:s22], [sflag:$0x3] =	stream.indirect.gather [hbm4b:s0+s19], $0x80, s21, s19, $0xb8;
	[tilespmem:$0x1FC00] =	vst v63  }
0x5e: {  	_ = 	snop  }
0x5f: {  	[tilespmem:s24], [sflag:$0x4] =	stream.indirect.gather [hbm4b:s0+s19], $0x80, s23, s19, $0xb8;
	[tilespmem:$0x1FC00] =	vst v63  }
0x60: {  	_ =	swait.ge [sflag:s25], $0x2000  }
0x61: {  	[sflag:s25] =	ssyncset.done $0x0  }
0x62: {  	[sflag:s25] =	ssyncadd.s32 $0xFFFFE000  }
0x63: {  	_ =	swait.ge [sflag:s26], $0x2000  }
0x64: {  	[sflag:s26] =	ssyncset.done $0x0  }
0x65: {  	s2 =	simm.s32 $0x2000;
	[sflag:s26] =	ssyncadd.s32 $0xFFFFE000  }
0x66: {  	[spmem:s3] =	stream.indirect.scatter.add.f32 [tilespmem:s16], [sflag:$0x5], $0x80, s2, s21, $0xb8;
	[tilespmem:$0x1FC00] =	vst v63  }
0x67: {  	s2 =	sadd.s32 $0xFFFFFFFF, s1;
	_ =	swait.ge [sflag:s17], $0x4000  }
0x68: {  	s7 =	simm.s32 $0x100;
	p0 =	sle.s32 s2, $0x0;
	[sflag:s17] =	ssyncset.done $0x0  }
0x69: {  	s11 =	simm.s32 @!p0 $0x40;
	s9 =	simm.s32 @!p0 $0x4000;
	[sflag:s17] =	ssyncadd.s32 $0xFFFFC000  }
0x6a: {  	[tilespmem:s9], [sflag:$0x1] =	stream.indirect.gather @!p0 [hbm4b:s0+s11], $0x80, s7, s11, $0xb8;
	[tilespmem:$0x1FC00] =	vst v63  }
0x6b: {  	s7 =	simm.s32 @!p0 $0x140;
	s9 =	simm.s32 @!p0 $0x6000  }
0x6c: {  	[tilespmem:s9], [sflag:$0x2] =	stream.indirect.gather @!p0 [hbm4b:s0+s11], $0x80, s7, s11, $0xb8;
	[tilespmem:$0x1FC00] =	vst v63  }
0x6d: {  	_ =	swait.ge [sflag:s28], $0x2000  }
0x6e: {  	[sflag:s28] =	ssyncset.done $0x0  }
0x6f: {  	[sflag:s28] =	ssyncadd.s32 $0xFFFFE000  }
0x70: {  	_ =	swait.ge [sflag:s29], $0x2000  }
0x71: {  	[sflag:s29] =	ssyncset.done $0x0  }
0x72: {  	s15 =	simm.s32 $0x2080;
	p1 =	sne.s32 s1, $0x1;
	[sflag:s29] =	ssyncadd.s32 $0xFFFFE000  }
0x73: {  	[spmem:s3] =	stream.indirect.scatter.add.f32 [tilespmem:s22], [sflag:$0x5], $0x80, s15, s21, $0xb8;
	[tilespmem:$0x1FC00] =	vst v63  }
.Ltmp6:
0x74: {  	_ =	swait.ge [sflag:s17], $0x4000;
	(pc) =	sbr.rel @!p1 .LBB2_7-.Ltmp6, $4  }
0x75: {  	s10 =	simm.s32 $0x2180;
	s14 =	simm.s32 @!p0 $0x1C0;
	[sflag:s17] =	ssyncset.done $0x0  }
0x76: {  	s7 =	simm.s32 @!p0 $0x180;
	s9 =	simm.s32 @!p0 $0x8000;
	[sflag:s17] =	ssyncadd.s32 $0xFFFFC000  }
0x77: {  	[tilespmem:s9], [sflag:$0x3] =	stream.indirect.gather @!p0 [hbm4b:s0+s11], $0x80, s7, s11, $0xb8;
	[tilespmem:$0x1FC00] =	vst v63  }
0x78: {  	s15 =	simm.s32 @!p0 $0xA000;
	s7 =	simm.s32 $0x1;
	s9 =	simm.s32 $0x200  }
.LBB2_6:
0x79: {  	[tilespmem:s15], [sflag:$0x4] =	stream.indirect.gather @!p0 [hbm4b:s0+s11], $0x80, s14, s11, $0xb8;
	[tilespmem:$0x1FC00] =	vst v63  }
0x7a: {  	s11 =	smov.u32 s7;
	s7 =	sadd.s32 $0x1, s7;
	_ =	swait.ge [sflag:s25], $0x2000  }
0x7b: {  	s14 =	smov.u32 s9;
	p1 =	sne.s32 s1, s7;
	[sflag:s25] =	ssyncset.done $0x0  }
0x7c: {  	[sflag:s25] =	ssyncadd.s32 $0xFFFFE000  }
0x7d: {  	_ =	swait.ge [sflag:s26], $0x2000  }
0x7e: {  	[sflag:s26] =	ssyncset.done $0x0  }
0x7f: {  	s15 =	sadd.s32 $0xFFFFFF80, s10;
	[sflag:s26] =	ssyncadd.s32 $0xFFFFE000  }
0x80: {  	[spmem:s3] =	stream.indirect.scatter.add.f32 [tilespmem:s16], [sflag:$0x5], $0x80, s15, s21, $0xb8;
	[tilespmem:$0x1FC00] =	vst v63  }
0x81: {  	_ =	swait.ge [sflag:s17], $0x4000  }
0x82: {  	p0 =	sge.s32 s11, s2;
	[sflag:s17] =	ssyncset.done $0x0  }
0x83: {  	s11 =	simm.s32 @!p0 $0x40;
	s15 =	simm.s32 @!p0 $0x4000;
	[sflag:s17] =	ssyncadd.s32 $0xFFFFC000  }
0x84: {  	[tilespmem:s15], [sflag:$0x1] =	stream.indirect.gather @!p0 [hbm4b:s0+s11], $0x80, s9, s11, $0xb8;
	[tilespmem:$0x1FC00] =	vst v63  }
0x85: {  	s6 =	simm.s32 @!p0 $0x6000;
	s15 =	sadd.s32 @!p0 $0x40, s9  }
0x86: {  	[tilespmem:s6], [sflag:$0x2] =	stream.indirect.gather @!p0 [hbm4b:s0+s11], $0x80, s15, s11, $0xb8;
	[tilespmem:$0x1FC00] =	vst v63  }
0x87: {  	_ =	swait.ge [sflag:s28], $0x2000  }
0x88: {  	[sflag:s28] =	ssyncset.done $0x0  }
0x89: {  	[sflag:s28] =	ssyncadd.s32 $0xFFFFE000  }
0x8a: {  	_ =	swait.ge [sflag:s29], $0x2000  }
0x8b: {  	[sflag:s29] =	ssyncset.done $0x0  }
0x8c: {  	[sflag:s29] =	ssyncadd.s32 $0xFFFFE000  }
0x8d: {  	[spmem:s3] =	stream.indirect.scatter.add.f32 [tilespmem:s22], [sflag:$0x5], $0x80, s10, s21, $0xb8;
	[tilespmem:$0x1FC00] =	vst v63  }
.Ltmp7:
0x8e: {  	_ =	swait.ge [sflag:s17], $0x4000;
	(pc) =	sbr.rel @p1 .LBB2_6-.Ltmp7, $4  }
0x8f: {  	s9 =	sadd.s32 $0x100, s9;
	[sflag:s17] =	ssyncset.done $0x0  }
0x90: {  	s6 =	sadd.s32 @!p0 $0x80, s14;
	s15 =	simm.s32 @!p0 $0x8000;
	[sflag:s17] =	ssyncadd.s32 $0xFFFFC000  }
0x91: {  	[tilespmem:s15], [sflag:$0x3] =	stream.indirect.gather @!p0 [hbm4b:s0+s11], $0x80, s6, s11, $0xb8;
	[tilespmem:$0x1FC00] =	vst v63  }
0x92: {  	s14 =	sadd.s32 @!p0 $0xC0, s14;
	s10 =	sadd.s32 $0x100, s10;
	s15 =	simm.s32 @!p0 $0xA000  }
.Ltmp8:
0x93: {  	_ = 	snop;
	(pc) =	sbr.rel .LBB2_7-.Ltmp8, $1  }
0x94: {  	_ =	sdelay $0x3  }
.LBB2_10:
0x95: {  	_ =	sfence.sel $0x180000  }
0x96: {  	[bflag:$0x0] =	sbarrier.arrive $0xFFFF  }
0x97: {  	_ =	strace $0x9000004A  }
0x98: {  	s0 =	stileid.u32;
	[bflag:$0x2] =	sbarrier.arrive $0xFFFF  }
0x99: {  	p0 =	sne.s32 s0, $0x0;
	s0 =	rddreg [dreg:$0x3]  }
0x9a: {  	s0 =	sadd.s32 @!p0 $0x100000, s0  }
0x9b: {  	[sflag:s0] =	ssyncadd.tile.s32 @!p0 $0x1;
	_ =	shalt  }
.Lfunc_end2:
_tile_overlayer_lowered:
.L_overlay_start_2:
0x9c: {  	(tag) =	ssettag $0x2  }
0x9d: {  	s0 =	rddreg [dreg:$0x0];
	s2 =	stileid.u32  }
0x9e: {  	s1 =	rddreg [dreg:$0x1];
	p0 =	sne.s32 s2, $0x0  }
0x9f: {  	s3 =	rddreg [dreg:$0x2];
	[bflag:$0x3] =	sbarrier.arrive $0xFFFF;
	s2 =	simm.s32 @!p0 $0x1C05  }
0xa0: {  	[timem:s3], [sflag:s2] =	dma.local @!p0 [hbm:s0], s1  }
0xa1: {  	s0 =	simm.s32 @!p0 $0x5  }
0xa2: {  	_ =	swait.ge @!p0 [sflag:s0], s1  }
0xa3: {  	s1 =	ssub.s32 @!p0 $0x0, s1;
	[sflag:s0] =	ssyncset.done @!p0 $0x0  }
0xa4: {  	[sflag:s0] =	ssyncadd.s32 @!p0 s1  }
0xa5: {  	[bflag:$0x3] =	sbarrier.arrive $0xFFFF  }
0xa6: {  	_ =	shalt  }

</sc_bundles>
